<compile_context>
chip_gen: v7x
topology: tpu7x:2x2x1
jax: 0.10.2.dev20260603
libtpu: 0.0.44.dev20260713+nightly
codegen_flags: <defaults>
</compile_context>

<pallas_src>
import jax
import jax.numpy as jnp
from jax import lax
from jax.experimental import pallas as pl
from jax.experimental.pallas import tpu as pltpu
from jax.experimental.pallas import tpu_sc as plsc


def _vgather(vec, idx16):
    return lax.gather(
        vec, idx16.reshape(16, 1),
        lax.GatherDimensionNumbers(offset_dims=(), collapsed_slice_dims=(0,),
                                   start_index_map=(0,)),
        (1,), mode=lax.GatherScatterMode.PROMISE_IN_BOUNDS)


def _lrelu_exp(t):
    return jnp.exp(jnp.where(t >= 0, t, 0.2 * t))


_NC = 2
_NS = 16
_NW = _NC * _NS
_CHUNK = 128
_ROWBLK = 1024


def _dense1_body(x_ref, w1_ref, asrc_ref, adst_ref, t1_ref, ad_ref):
    h = jnp.dot(x_ref[...], w1_ref[...], preferred_element_type=jnp.float32)
    b = h.shape[0]
    hh, cc = asrc_ref.shape
    hr = h.reshape(b, hh, cc)
    a_s = (hr * asrc_ref[...][None]).sum(-1)
    a_d = (hr * adst_ref[...][None]).sum(-1)
    z = jnp.zeros((b, 8), jnp.float32)
    t1_ref[...] = jnp.concatenate([h, a_s, z], axis=1)
    ad_ref[...] = jnp.concatenate([a_d, z], axis=1)


def _combine1_body(pa_ref, pb_ref, t1_ref, ad_ref, b1_ref, w2_ref, as2_ref,
                   ad2_ref, tab2_ref):
    acc = pa_ref[...] + pb_ref[...]
    b = acc.shape[0]
    h1 = t1_ref[:, :64]
    t = t1_ref[:, 64:72] + ad_ref[:, :8]
    wself = _lrelu_exp(t)
    num = acc[:, :64].reshape(b, 8, 8) + wself[:, :, None] * h1.reshape(b, 8, 8)
    den = acc[:, 64:72] + wself
    out1 = (num / (den[:, :, None] + 1e-16)).reshape(b, 64) + b1_ref[...]
    g = jnp.where(out1 > 0, out1, jnp.exp(jnp.minimum(out1, 0.0)) - 1.0)
    h2 = jnp.dot(g, w2_ref[...], preferred_element_type=jnp.float32)
    h2r = h2.reshape(b, as2_ref.shape[0], as2_ref.shape[1])
    s2 = (h2r * as2_ref[...][None]).sum(-1)
    d2 = (h2r * ad2_ref[...][None]).sum(-1)
    z12 = jnp.zeros((b, 12), jnp.float32)
    tab2_ref[...] = jnp.concatenate([h2, s2, d2, z12], axis=1)


def _final_body(pa_ref, pb_ref, tab2_ref, b2_ref, out_ref):
    acc = pa_ref[...] + pb_ref[...]
    h2 = tab2_ref[:, :2]
    t = tab2_ref[:, 2:3] + tab2_ref[:, 3:4]
    wself = _lrelu_exp(t)
    num = acc[:, :2] + wself * h2
    den = acc[:, 2:3] + wself
    o = num / (den + 1e-16) + b2_ref[...]
    m = jnp.max(o, axis=1, keepdims=True)
    out_ref[...] = (o - m) - jnp.log(jnp.exp(o - m).sum(axis=1, keepdims=True))


def _make_edge1_body(nch_a, nch_b):
  def _edge1_body(t1, ad1, srcg, dstg, zer, out, srcv, dstv,
                  trows0, trows1, adrows0, adrows1, sbuf0, sbuf1,
                  gt0, gt1, ga0, ga1, ss0, ss1, acc):
    cid = lax.axis_index("c")
    sid = lax.axis_index("s")
    wid = sid * _NC + cid
    if nch_a == nch_b:
        nch_w, npair = nch_a, nch_a // 2
    else:
        nch_w = jnp.where(cid == 0, nch_a, nch_b)
        npair = jnp.where(cid == 0, nch_a // 2, nch_b // 2)
    rows_per = acc.shape[0] // _NS
    trows = [trows0, trows1]
    adrows = [adrows0, adrows1]
    sbuf = [sbuf0, sbuf1]
    gt = [gt0, gt1]
    ga = [ga0, ga1]
    ss = [ss0, ss1]

    pltpu.sync_copy(srcg.at[wid], srcv)
    pltpu.sync_copy(dstg.at[wid], dstv)
    pltpu.sync_copy(zer.at[pl.ds(sid * rows_per, rows_per)],
                    acc.at[pl.ds(sid * rows_per, rows_per)])
    plsc.subcore_barrier()

    lane = lax.iota(jnp.int32, 16)
    lane8 = lane < 8
    hi8 = lane >> 3
    widx = [hi8 + 2 * jj for jj in range(4)]

    for b in range(2):
        pltpu.async_copy(t1.at[srcv.at[b]], trows[b], gt[b])
        pltpu.async_copy(ad1.at[dstv.at[b]], adrows[b], ga[b])

    def _pair(jo, carry):
        for b in range(2):
            j = 2 * jo + b

            @pl.when(jo >= 1)
            def _():
                pltpu.make_async_copy(sbuf[b], acc.at[dstv.at[j]], ss[b]).wait()

            pltpu.make_async_copy(t1.at[srcv.at[j]], trows[b], gt[b]).wait()
            pltpu.make_async_copy(ad1.at[dstv.at[j]], adrows[b], ga[b]).wait()

            @plsc.parallel_loop(0, _CHUNK, step=1, unroll=4)
            def _edge(e):
                as_v = trows[b][e, pl.ds(64, 16)]
                ad_v = adrows[b][e, pl.ds(0, 16)]
                w = _lrelu_exp(as_v + ad_v)
                sbuf[b][e, pl.ds(64, 16)] = jnp.where(lane8, w, 0.0)
                for jj in range(4):
                    wexp = _vgather(w, widx[jj])
                    sbuf[b][e, pl.ds(jj * 16, 16)] = (
                        trows[b][e, pl.ds(jj * 16, 16)] * wexp)

            pltpu.async_copy(sbuf[b], acc.at[dstv.at[j]], ss[b], add=True)

            @pl.when(jo < npair - 1)
            def _():
                pltpu.async_copy(t1.at[srcv.at[j + 2]], trows[b], gt[b])
                pltpu.async_copy(ad1.at[dstv.at[j + 2]], adrows[b], ga[b])
        return carry
    lax.fori_loop(0, npair, _pair, 0)

    for b in range(2):
        pltpu.make_async_copy(sbuf[b], acc.at[dstv.at[nch_w - 2 + b]],
                              ss[b]).wait()

    plsc.subcore_barrier()
    pltpu.sync_copy(acc.at[pl.ds(sid * rows_per, rows_per)],
                    out.at[cid].at[pl.ds(sid * rows_per, rows_per)])
  return _edge1_body


def _make_edge2_body(nch_a, nch_b):
  def _edge2_body(tab2h, srcg, dstg, zer, out, srcv, dstv,
                  srows0, srows1, drows0, drows1, s20, s21,
                  gt0, gt1, ga0, ga1, ss0, ss1, acc):
    cid = lax.axis_index("c")
    sid = lax.axis_index("s")
    wid = sid * _NC + cid
    if nch_a == nch_b:
        nch_w, npair = nch_a, nch_a // 2
    else:
        nch_w = jnp.where(cid == 0, nch_a, nch_b)
        npair = jnp.where(cid == 0, nch_a // 2, nch_b // 2)
    rows_per = acc.shape[0] // _NS
    srows = [srows0, srows1]
    drows = [drows0, drows1]
    s2 = [s20, s21]
    gt = [gt0, gt1]
    ga = [ga0, ga1]
    ss = [ss0, ss1]

    pltpu.sync_copy(srcg.at[wid], srcv)
    pltpu.sync_copy(dstg.at[wid], dstv)
    pltpu.sync_copy(zer.at[pl.ds(sid * rows_per, rows_per)],
                    acc.at[pl.ds(sid * rows_per, rows_per)])
    plsc.subcore_barrier()

    lane = lax.iota(jnp.int32, 16)
    l0 = lane == 0
    l1 = lane == 1
    l2 = lane == 2
    f0 = lane * 0
    f1 = f0 + 1
    f2 = f0 + 2
    f3 = f0 + 3

    for b in range(2):
        pltpu.async_copy(tab2h.at[srcv.at[b]], srows[b], gt[b])
        pltpu.async_copy(tab2h.at[dstv.at[b]], drows[b], ga[b])

    def _pair(jo, carry):
        for b in range(2):
            j = 2 * jo + b

            @pl.when(jo >= 1)
            def _():
                pltpu.make_async_copy(s2[b], acc.at[dstv.at[j]], ss[b]).wait()

            pltpu.make_async_copy(tab2h.at[srcv.at[j]], srows[b], gt[b]).wait()
            pltpu.make_async_copy(tab2h.at[dstv.at[j]], drows[b], ga[b]).wait()

            @plsc.parallel_loop(0, _CHUNK, step=1, unroll=4)
            def _edge(e):
                sr = srows[b][e, pl.ds(0, 16)]
                dr = drows[b][e, pl.ds(0, 16)]
                t = _vgather(sr, f2) + _vgather(dr, f3)
                w = _lrelu_exp(t)
                h0 = _vgather(sr, f0)
                h1 = _vgather(sr, f1)
                s2[b][e, pl.ds(0, 16)] = w * jnp.where(
                    l0, h0, jnp.where(l1, h1, jnp.where(l2, 1.0, 0.0)))

            pltpu.async_copy(s2[b], acc.at[dstv.at[j]], ss[b], add=True)

            @pl.when(jo < npair - 1)
            def _():
                pltpu.async_copy(tab2h.at[srcv.at[j + 2]], srows[b], gt[b])
                pltpu.async_copy(tab2h.at[dstv.at[j + 2]], drows[b], ga[b])
        return carry
    lax.fori_loop(0, npair, _pair, 0)

    for b in range(2):
        pltpu.make_async_copy(s2[b], acc.at[dstv.at[nch_w - 2 + b]],
                              ss[b]).wait()

    plsc.subcore_barrier()
    pltpu.sync_copy(acc.at[pl.ds(sid * rows_per, rows_per)],
                    out.at[cid].at[pl.ds(sid * rows_per, rows_per)])
  return _edge2_body


def kernel(x, edge_index, W1, att_src1, att_dst1, b1, W2, att_src2, att_dst2,
           b2):
    n, d = x.shape
    e = edge_index.shape[1]
    np_ = ((n + _ROWBLK - 1) // _ROWBLK) * _ROWBLK
    nch = (e + _NW * _CHUNK - 1) // (_NW * _CHUNK)
    nch = ((nch + 1) // 2) * 2

    nch_a = nch_b = nchm = nch
    epad = _NW * nch * _CHUNK
    src = jnp.concatenate(
        [edge_index[0], jnp.full((epad - e,), n, jnp.int32)]).reshape(
            _NW, nch, _CHUNK)
    dst = jnp.concatenate(
        [edge_index[1], jnp.full((epad - e,), n, jnp.int32)]).reshape(
            _NW, nch, _CHUNK)
    xp = jnp.pad(x, ((0, np_ - n), (0, 0)))
    zeros80 = jnp.zeros((np_, 80), jnp.float32)
    zeros16 = jnp.zeros((np_, 16), jnp.float32)

    grid = np_ // _ROWBLK
    full = lambda *shape: pl.BlockSpec(shape, lambda i: (0,) * len(shape))
    rowblk = lambda *rest: pl.BlockSpec((_ROWBLK,) + rest,
                                        lambda i: (i,) + (0,) * len(rest))

    t1, ad1 = pl.pallas_call(
        _dense1_body,
        grid=(grid,),
        in_specs=[rowblk(d), full(d, 64), full(8, 8), full(8, 8)],
        out_specs=[rowblk(80), rowblk(16)],
        out_shape=[jax.ShapeDtypeStruct((np_, 80), jnp.float32),
                   jax.ShapeDtypeStruct((np_, 16), jnp.float32)],
    )(xp, W1, att_src1, att_dst1)

    mesh = plsc.VectorSubcoreMesh(core_axis_name="c", subcore_axis_name="s")
    scparams = pltpu.CompilerParams(use_tc_tiling_on_sc=False)
    p1 = pl.kernel(
        _make_edge1_body(nch_a, nch_b),
        out_type=jax.ShapeDtypeStruct((_NC, np_, 80), jnp.float32),
        mesh=mesh,
        compiler_params=scparams,
        scratch_types=[
            pltpu.VMEM((nchm, _CHUNK), jnp.int32),
            pltpu.VMEM((nchm, _CHUNK), jnp.int32),
            pltpu.VMEM((_CHUNK, 80), jnp.float32),
            pltpu.VMEM((_CHUNK, 80), jnp.float32),
            pltpu.VMEM((_CHUNK, 16), jnp.float32),
            pltpu.VMEM((_CHUNK, 16), jnp.float32),
            pltpu.VMEM((_CHUNK, 80), jnp.float32),
            pltpu.VMEM((_CHUNK, 80), jnp.float32),
            pltpu.SemaphoreType.DMA,
            pltpu.SemaphoreType.DMA,
            pltpu.SemaphoreType.DMA,
            pltpu.SemaphoreType.DMA,
            pltpu.SemaphoreType.DMA,
            pltpu.SemaphoreType.DMA,
            pltpu.VMEM_SHARED((np_, 80), jnp.float32),
        ],
    )(t1, ad1, src, dst, zeros80)

    tab2 = pl.pallas_call(
        _combine1_body,
        grid=(grid,),
        in_specs=[rowblk(80), rowblk(80), rowblk(80), rowblk(16), full(1, 64),
                  full(64, 2), full(1, 2), full(1, 2)],
        out_specs=[rowblk(16)],
        out_shape=[jax.ShapeDtypeStruct((np_, 16), jnp.float32)],
    )(p1[0], p1[1], t1, ad1, b1.reshape(1, 64), W2, att_src2, att_dst2)[0]

    p2 = pl.kernel(
        _make_edge2_body(nch_a, nch_b),
        out_type=jax.ShapeDtypeStruct((_NC, np_, 16), jnp.float32),
        mesh=mesh,
        compiler_params=scparams,
        scratch_types=[
            pltpu.VMEM((nchm, _CHUNK), jnp.int32),
            pltpu.VMEM((nchm, _CHUNK), jnp.int32),
            pltpu.VMEM((_CHUNK, 16), jnp.float32),
            pltpu.VMEM((_CHUNK, 16), jnp.float32),
            pltpu.VMEM((_CHUNK, 16), jnp.float32),
            pltpu.VMEM((_CHUNK, 16), jnp.float32),
            pltpu.VMEM((_CHUNK, 16), jnp.float32),
            pltpu.VMEM((_CHUNK, 16), jnp.float32),
            pltpu.SemaphoreType.DMA,
            pltpu.SemaphoreType.DMA,
            pltpu.SemaphoreType.DMA,
            pltpu.SemaphoreType.DMA,
            pltpu.SemaphoreType.DMA,
            pltpu.SemaphoreType.DMA,
            pltpu.VMEM_SHARED((np_, 16), jnp.float32),
        ],
    )(tab2, src, dst, zeros16)

    outp = pl.pallas_call(
        _final_body,
        grid=(grid,),
        in_specs=[rowblk(16), rowblk(16), rowblk(16), full(1, 2)],
        out_specs=[rowblk(2)],
        out_shape=[jax.ShapeDtypeStruct((np_, 2), jnp.float32)],
    )(p2[0], p2[1], tab2, b2.reshape(1, 2))[0]

    return outp[:n]

# --- scband reference (transcript-rebuilt; emitter-appended) ---
"""Pipeline reference for scband-gat-74852690035322 (READ-ONLY COPY).

The authoritative reference and input builder live on the scoring server;
editing this copy changes nothing except your own understanding.
"""

import jax, jax.numpy as jnp
import numpy as np

N = 10000
E = 320000
D = 128
H1, C1 = 8, 8
H2, C2 = 1, 2


def _gat_conv(x, edge_index, W, att_src, att_dst, bias, H, C):
    n = x.shape[0]
    loops = jnp.arange(n, dtype=edge_index.dtype)
    ei = jnp.concatenate([edge_index, jnp.stack([loops, loops])], axis=1)
    src, dst = ei[0], ei[1]
    h = (x @ W).reshape(n, H, C)
    a_src = (h * att_src).sum(-1)  # [n, H]
    a_dst = (h * att_dst).sum(-1)  # [n, H]
    alpha = jax.nn.leaky_relu(a_src[src] + a_dst[dst], negative_slope=0.2)  # [E+n, H]
    amax = jax.ops.segment_max(alpha, dst, num_segments=n)
    alpha = jnp.exp(alpha - amax[dst])
    denom = jax.ops.segment_sum(alpha, dst, num_segments=n)
    alpha = alpha / (denom[dst] + 1e-16)
    msg = h[src] * alpha[:, :, None]
    out = jax.ops.segment_sum(msg, dst, num_segments=n)  # [n, H, C]
    return out.reshape(n, H * C) + bias


def setup_inputs(seed: int = 0) -> dict:
    key = jax.random.key(seed)
    ks = jax.random.split(key, 10)
    x = jax.random.normal(ks[0], (N, D), dtype=jnp.float32)
    edge_index = jax.random.randint(ks[1], (2, E), 0, N, dtype=jnp.int32)
    W1 = jax.random.normal(ks[2], (D, H1 * C1), dtype=jnp.float32) * (1.0 / np.sqrt(D))
    att_src1 = jax.random.normal(ks[3], (H1, C1), dtype=jnp.float32) * 0.1
    att_dst1 = jax.random.normal(ks[4], (H1, C1), dtype=jnp.float32) * 0.1
    b1 = jnp.zeros((H1 * C1,), dtype=jnp.float32)
    W2 = jax.random.normal(ks[5], (H1 * C1, H2 * C2), dtype=jnp.float32) * (1.0 / np.sqrt(H1 * C1))
    att_src2 = jax.random.normal(ks[6], (H2, C2), dtype=jnp.float32) * 0.1
    att_dst2 = jax.random.normal(ks[7], (H2, C2), dtype=jnp.float32) * 0.1
    b2 = jnp.zeros((H2 * C2,), dtype=jnp.float32)
    return {"x": x, "edge_index": edge_index, "W1": W1, "att_src1": att_src1, "att_dst1": att_dst1, "b1": b1, "W2": W2, "att_src2": att_src2, "att_dst2": att_dst2, "b2": b2}


def reference(x, edge_index, W1, att_src1, att_dst1, b1, W2, att_src2, att_dst2, b2):
    # eval mode: dropout is identity
    h = _gat_conv(x, edge_index, W1, att_src1, att_dst1, b1, H1, C1)
    h = jax.nn.elu(h)
    out = _gat_conv(h, edge_index, W2, att_src2, att_dst2, b2, H2, C2)
    return jax.nn.log_softmax(out, axis=1)

if __name__ == "__main__":
    import jax
    _d = setup_inputs()
    print(jax.jit(kernel)(*tuple(_d.values())))

</pallas_src>

<mosaic_0001>
#map = affine_map<(d0, d1) -> (0, 0)>
#map1 = affine_map<(d0, d1) -> (0, 0, 0)>
module attributes {stable_mosaic.version = 14 : i64} {
  func.func @_edge1_body(%arg0: i32, %arg1: i32, %arg2: memref<10240x80xf32, #tpu.memory_space<hbm>>, %arg3: memref<10240x16xf32, #tpu.memory_space<hbm>>, %arg4: memref<32x80x128xi32, #tpu.memory_space<hbm>>, %arg5: memref<32x80x128xi32, #tpu.memory_space<hbm>>, %arg6: memref<10240x80xf32, #tpu.memory_space<hbm>>, %arg7: memref<2x10240x80xf32, #tpu.memory_space<hbm>>, %arg8: memref<80x128xi32, #tpu.memory_space<vmem>>, %arg9: memref<80x128xi32, #tpu.memory_space<vmem>>, %arg10: memref<128x80xf32, #tpu.memory_space<vmem>>, %arg11: memref<128x80xf32, #tpu.memory_space<vmem>>, %arg12: memref<128x16xf32, #tpu.memory_space<vmem>>, %arg13: memref<128x16xf32, #tpu.memory_space<vmem>>, %arg14: memref<128x80xf32, #tpu.memory_space<vmem>>, %arg15: memref<128x80xf32, #tpu.memory_space<vmem>>, %arg16: memref<!tpu.dma_semaphore, #tpu.memory_space<semaphore_mem>>, %arg17: memref<!tpu.dma_semaphore, #tpu.memory_space<semaphore_mem>>, %arg18: memref<!tpu.dma_semaphore, #tpu.memory_space<semaphore_mem>>, %arg19: memref<!tpu.dma_semaphore, #tpu.memory_space<semaphore_mem>>, %arg20: memref<!tpu.dma_semaphore, #tpu.memory_space<semaphore_mem>>, %arg21: memref<!tpu.dma_semaphore, #tpu.memory_space<semaphore_mem>>, %arg22: memref<10240x80xf32, #tpu.memory_space<vmem_shared>>) attributes {dimension_semantics = [#tpu.dimension_semantics<core_parallel>, #tpu.dimension_semantics<subcore_parallel>], iteration_bounds = array<i64: 2, 16>, scalar_prefetch = 0 : i64, scratch_operands = 15 : i64, tpu.core_type = #tpu.core_type<sc_vector_subcore>, window_params = [{transform_indices = #map}, {transform_indices = #map}, {transform_indices = #map1}, {transform_indices = #map1}, {transform_indices = #map}, {transform_indices = #map1}]} {
    %mul3A = arith.constant 2 : i32
    %mul3A_0 = arith.muli %arg1, %mul3A : i32
    %add3A = arith.addi %mul3A_0, %arg0 : i32
    "tpu.region"() ({
      %run_scoped3A = tpu.sem_alloc : memref<!tpu.dma_semaphore, #tpu.memory_space<semaphore_mem>>
      %dma_start3A_71 = arith.constant 0 : i32
      %dma_start3A_72 = arith.constant 0 : i32
      %dma_start3A_73 = tpu.memref_slice %arg4[%add3A, %dma_start3A_71, %dma_start3A_72] : memref<32x80x128xi32, #tpu.memory_space<hbm>> -> memref<1x80x128xi32, #tpu.memory_space<hbm>>
      %dma_start3A_74 = tpu.memref_squeeze %dma_start3A_73 : memref<1x80x128xi32, #tpu.memory_space<hbm>> -> memref<80x128xi32, #tpu.memory_space<hbm>>
      %dma_start3A_75 = arith.constant 0 : i32
      %dma_start3A_76 = arith.constant 0 : i32
      %dma_start3A_77 = tpu.memref_slice %arg4[%add3A, %dma_start3A_75, %dma_start3A_76] : memref<32x80x128xi32, #tpu.memory_space<hbm>> -> memref<1x80x128xi32, #tpu.memory_space<hbm>>
      %dma_start3A_78 = tpu.memref_squeeze %dma_start3A_77 : memref<1x80x128xi32, #tpu.memory_space<hbm>> -> memref<80x128xi32, #tpu.memory_space<hbm>>
      tpu.enqueue_dma source(%dma_start3A_78 : memref<80x128xi32, #tpu.memory_space<hbm>>) target(%arg8 : memref<80x128xi32, #tpu.memory_space<vmem>>) target_semaphore(%run_scoped3A : memref<!tpu.dma_semaphore, #tpu.memory_space<semaphore_mem>>)
      %dma_wait3A_79 = arith.constant 0 : i32
      %dma_wait3A_80 = arith.constant 0 : i32
      %dma_wait3A_81 = tpu.memref_slice %arg4[%add3A, %dma_wait3A_79, %dma_wait3A_80] : memref<32x80x128xi32, #tpu.memory_space<hbm>> -> memref<1x80x128xi32, #tpu.memory_space<hbm>>
      %dma_wait3A_82 = tpu.memref_squeeze %dma_wait3A_81 : memref<1x80x128xi32, #tpu.memory_space<hbm>> -> memref<80x128xi32, #tpu.memory_space<hbm>>
      %dma_wait3A_83 = arith.constant 0 : i32
      %dma_wait3A_84 = arith.constant 0 : i32
      %dma_wait3A_85 = tpu.memref_slice %arg4[%add3A, %dma_wait3A_83, %dma_wait3A_84] : memref<32x80x128xi32, #tpu.memory_space<hbm>> -> memref<1x80x128xi32, #tpu.memory_space<hbm>>
      %dma_wait3A_86 = tpu.memref_squeeze %dma_wait3A_85 : memref<1x80x128xi32, #tpu.memory_space<hbm>> -> memref<80x128xi32, #tpu.memory_space<hbm>>
      tpu.wait_dma2 semaphore(%run_scoped3A : memref<!tpu.dma_semaphore, #tpu.memory_space<semaphore_mem>>) src(%dma_wait3A_86 : memref<80x128xi32, #tpu.memory_space<hbm>>) dst(%arg8 : memref<80x128xi32, #tpu.memory_space<vmem>>)
      tpu.yield
    }) : () -> ()
    "tpu.region"() ({
      %run_scoped3A = tpu.sem_alloc : memref<!tpu.dma_semaphore, #tpu.memory_space<semaphore_mem>>
      %dma_start3A_71 = arith.constant 0 : i32
      %dma_start3A_72 = arith.constant 0 : i32
      %dma_start3A_73 = tpu.memref_slice %arg5[%add3A, %dma_start3A_71, %dma_start3A_72] : memref<32x80x128xi32, #tpu.memory_space<hbm>> -> memref<1x80x128xi32, #tpu.memory_space<hbm>>
      %dma_start3A_74 = tpu.memref_squeeze %dma_start3A_73 : memref<1x80x128xi32, #tpu.memory_space<hbm>> -> memref<80x128xi32, #tpu.memory_space<hbm>>
      %dma_start3A_75 = arith.constant 0 : i32
      %dma_start3A_76 = arith.constant 0 : i32
      %dma_start3A_77 = tpu.memref_slice %arg5[%add3A, %dma_start3A_75, %dma_start3A_76] : memref<32x80x128xi32, #tpu.memory_space<hbm>> -> memref<1x80x128xi32, #tpu.memory_space<hbm>>
      %dma_start3A_78 = tpu.memref_squeeze %dma_start3A_77 : memref<1x80x128xi32, #tpu.memory_space<hbm>> -> memref<80x128xi32, #tpu.memory_space<hbm>>
      tpu.enqueue_dma source(%dma_start3A_78 : memref<80x128xi32, #tpu.memory_space<hbm>>) target(%arg9 : memref<80x128xi32, #tpu.memory_space<vmem>>) target_semaphore(%run_scoped3A : memref<!tpu.dma_semaphore, #tpu.memory_space<semaphore_mem>>)
      %dma_wait3A_79 = arith.constant 0 : i32
      %dma_wait3A_80 = arith.constant 0 : i32
      %dma_wait3A_81 = tpu.memref_slice %arg5[%add3A, %dma_wait3A_79, %dma_wait3A_80] : memref<32x80x128xi32, #tpu.memory_space<hbm>> -> memref<1x80x128xi32, #tpu.memory_space<hbm>>
      %dma_wait3A_82 = tpu.memref_squeeze %dma_wait3A_81 : memref<1x80x128xi32, #tpu.memory_space<hbm>> -> memref<80x128xi32, #tpu.memory_space<hbm>>
      %dma_wait3A_83 = arith.constant 0 : i32
      %dma_wait3A_84 = arith.constant 0 : i32
      %dma_wait3A_85 = tpu.memref_slice %arg5[%add3A, %dma_wait3A_83, %dma_wait3A_84] : memref<32x80x128xi32, #tpu.memory_space<hbm>> -> memref<1x80x128xi32, #tpu.memory_space<hbm>>
      %dma_wait3A_86 = tpu.memref_squeeze %dma_wait3A_85 : memref<1x80x128xi32, #tpu.memory_space<hbm>> -> memref<80x128xi32, #tpu.memory_space<hbm>>
      tpu.wait_dma2 semaphore(%run_scoped3A : memref<!tpu.dma_semaphore, #tpu.memory_space<semaphore_mem>>) src(%dma_wait3A_86 : memref<80x128xi32, #tpu.memory_space<hbm>>) dst(%arg9 : memref<80x128xi32, #tpu.memory_space<vmem>>)
      tpu.yield
    }) : () -> ()
    %mul3A_1 = arith.constant 640 : i32
    %mul3A_2 = arith.muli %arg1, %mul3A_1 : i32
    %mul3A_3 = arith.constant 640 : i32
    %mul3A_4 = arith.muli %arg1, %mul3A_3 : i32
    "tpu.region"() ({
      %run_scoped3A = tpu.sem_alloc : memref<!tpu.dma_semaphore, #tpu.memory_space<semaphore_mem>>
      %dma_start3A_71 = arith.constant 0 : i32
      %dma_start3A_72 = tpu.memref_slice %arg22[%mul3A_4, %dma_start3A_71] : memref<10240x80xf32, #tpu.memory_space<vmem_shared>> -> memref<640x80xf32, #tpu.memory_space<vmem_shared>>
      %dma_start3A_73 = arith.constant 0 : i32
      %dma_start3A_74 = tpu.memref_slice %arg6[%mul3A_2, %dma_start3A_73] : memref<10240x80xf32, #tpu.memory_space<hbm>> -> memref<640x80xf32, #tpu.memory_space<hbm>>
      tpu.enqueue_dma source(%dma_start3A_74 : memref<640x80xf32, #tpu.memory_space<hbm>>) target(%dma_start3A_72 : memref<640x80xf32, #tpu.memory_space<vmem_shared>>) target_semaphore(%run_scoped3A : memref<!tpu.dma_semaphore, #tpu.memory_space<semaphore_mem>>)
      %dma_wait3A_75 = arith.constant 0 : i32
      %dma_wait3A_76 = tpu.memref_slice %arg22[%mul3A_4, %dma_wait3A_75] : memref<10240x80xf32, #tpu.memory_space<vmem_shared>> -> memref<640x80xf32, #tpu.memory_space<vmem_shared>>
      %dma_wait3A_77 = arith.constant 0 : i32
      %dma_wait3A_78 = tpu.memref_slice %arg6[%mul3A_2, %dma_wait3A_77] : memref<10240x80xf32, #tpu.memory_space<hbm>> -> memref<640x80xf32, #tpu.memory_space<hbm>>
      tpu.wait_dma2 semaphore(%run_scoped3A : memref<!tpu.dma_semaphore, #tpu.memory_space<semaphore_mem>>) src(%dma_wait3A_78 : memref<640x80xf32, #tpu.memory_space<hbm>>) dst(%dma_wait3A_76 : memref<640x80xf32, #tpu.memory_space<vmem_shared>>)
      tpu.yield
    }) : () -> ()
    %barrier3A = arith.constant 0 : index
    tpu.barrier barrier_id(%barrier3A)
    %iota3A = tpu.iota {dimensions = array<i32: 0>} : vector<16xi32>
    %lt3A = arith.constant 8 : i32
    %lt3A_5 = vector.broadcast %lt3A : i32 to vector<16xi32>
    %lt3A_6 = arith.cmpi slt, %iota3A, %lt3A_5 : vector<16xi32>
    %shift_right_arithmetic3A = arith.constant 3 : i32
    %shift_right_arithmetic3A_7 = vector.broadcast %shift_right_arithmetic3A : i32 to vector<16xi32>
    %shift_right_arithmetic3A_8 = arith.shrsi %iota3A, %shift_right_arithmetic3A_7 : vector<16xi32>
    %add3A_9 = arith.constant 0 : i32
    %add3A_10 = vector.broadcast %add3A_9 : i32 to vector<16xi32>
    %add3A_11 = arith.addi %shift_right_arithmetic3A_8, %add3A_10 : vector<16xi32>
    %add3A_12 = arith.constant 2 : i32
    %add3A_13 = vector.broadcast %add3A_12 : i32 to vector<16xi32>
    %add3A_14 = arith.addi %shift_right_arithmetic3A_8, %add3A_13 : vector<16xi32>
    %add3A_15 = arith.constant 4 : i32
    %add3A_16 = vector.broadcast %add3A_15 : i32 to vector<16xi32>
    %add3A_17 = arith.addi %shift_right_arithmetic3A_8, %add3A_16 : vector<16xi32>
    %add3A_18 = arith.constant 6 : i32
    %add3A_19 = vector.broadcast %add3A_18 : i32 to vector<16xi32>
    %add3A_20 = arith.addi %shift_right_arithmetic3A_8, %add3A_19 : vector<16xi32>
    %dma_start3A = arith.constant 0 : i32
    %dma_start3A_21 = arith.constant 0 : i32
    %dma_start3A_22 = tpu.memref_slice %arg8[%dma_start3A, %dma_start3A_21] : memref<80x128xi32, #tpu.memory_space<vmem>> -> memref<1x128xi32, #tpu.memory_space<vmem>>
    %dma_start3A_23 = tpu.memref_squeeze %dma_start3A_22 : memref<1x128xi32, #tpu.memory_space<vmem>> -> memref<128xi32, #tpu.memory_space<vmem>>
    %dma_start3A_24 = arith.constant 0 : i32
    %dma_start3A_25 = arith.constant 0 : i32
    %dma_start3A_26 = tpu.memref_slice %arg2[%dma_start3A_24, %dma_start3A_25] : memref<10240x80xf32, #tpu.memory_space<hbm>> -> memref<10240x80xf32, #tpu.memory_space<hbm>>
    tpu.enqueue_indirect_dma source(%dma_start3A_26 : memref<10240x80xf32, #tpu.memory_space<hbm>>) target(%arg10 : memref<128x80xf32, #tpu.memory_space<vmem>>) offsets(%dma_start3A_23 : memref<128xi32, #tpu.memory_space<vmem>>) semaphore(%arg16 : memref<!tpu.dma_semaphore, #tpu.memory_space<semaphore_mem>>)
    %dma_start3A_27 = arith.constant 0 : i32
    %dma_start3A_28 = arith.constant 0 : i32
    %dma_start3A_29 = tpu.memref_slice %arg9[%dma_start3A_27, %dma_start3A_28] : memref<80x128xi32, #tpu.memory_space<vmem>> -> memref<1x128xi32, #tpu.memory_space<vmem>>
    %dma_start3A_30 = tpu.memref_squeeze %dma_start3A_29 : memref<1x128xi32, #tpu.memory_space<vmem>> -> memref<128xi32, #tpu.memory_space<vmem>>
    %dma_start3A_31 = arith.constant 0 : i32
    %dma_start3A_32 = arith.constant 0 : i32
    %dma_start3A_33 = tpu.memref_slice %arg3[%dma_start3A_31, %dma_start3A_32] : memref<10240x16xf32, #tpu.memory_space<hbm>> -> memref<10240x16xf32, #tpu.memory_space<hbm>>
    tpu.enqueue_indirect_dma source(%dma_start3A_33 : memref<10240x16xf32, #tpu.memory_space<hbm>>) target(%arg12 : memref<128x16xf32, #tpu.memory_space<vmem>>) offsets(%dma_start3A_30 : memref<128xi32, #tpu.memory_space<vmem>>) semaphore(%arg18 : memref<!tpu.dma_semaphore, #tpu.memory_space<semaphore_mem>>)
    %dma_start3A_34 = arith.constant 1 : i32
    %dma_start3A_35 = arith.constant 0 : i32
    %dma_start3A_36 = tpu.memref_slice %arg8[%dma_start3A_34, %dma_start3A_35] : memref<80x128xi32, #tpu.memory_space<vmem>> -> memref<1x128xi32, #tpu.memory_space<vmem>>
    %dma_start3A_37 = tpu.memref_squeeze %dma_start3A_36 : memref<1x128xi32, #tpu.memory_space<vmem>> -> memref<128xi32, #tpu.memory_space<vmem>>
    %dma_start3A_38 = arith.constant 0 : i32
    %dma_start3A_39 = arith.constant 0 : i32
    %dma_start3A_40 = tpu.memref_slice %arg2[%dma_start3A_38, %dma_start3A_39] : memref<10240x80xf32, #tpu.memory_space<hbm>> -> memref<10240x80xf32, #tpu.memory_space<hbm>>
    tpu.enqueue_indirect_dma source(%dma_start3A_40 : memref<10240x80xf32, #tpu.memory_space<hbm>>) target(%arg11 : memref<128x80xf32, #tpu.memory_space<vmem>>) offsets(%dma_start3A_37 : memref<128xi32, #tpu.memory_space<vmem>>) semaphore(%arg17 : memref<!tpu.dma_semaphore, #tpu.memory_space<semaphore_mem>>)
    %dma_start3A_41 = arith.constant 1 : i32
    %dma_start3A_42 = arith.constant 0 : i32
    %dma_start3A_43 = tpu.memref_slice %arg9[%dma_start3A_41, %dma_start3A_42] : memref<80x128xi32, #tpu.memory_space<vmem>> -> memref<1x128xi32, #tpu.memory_space<vmem>>
    %dma_start3A_44 = tpu.memref_squeeze %dma_start3A_43 : memref<1x128xi32, #tpu.memory_space<vmem>> -> memref<128xi32, #tpu.memory_space<vmem>>
    %dma_start3A_45 = arith.constant 0 : i32
    %dma_start3A_46 = arith.constant 0 : i32
    %dma_start3A_47 = tpu.memref_slice %arg3[%dma_start3A_45, %dma_start3A_46] : memref<10240x16xf32, #tpu.memory_space<hbm>> -> memref<10240x16xf32, #tpu.memory_space<hbm>>
    tpu.enqueue_indirect_dma source(%dma_start3A_47 : memref<10240x16xf32, #tpu.memory_space<hbm>>) target(%arg13 : memref<128x16xf32, #tpu.memory_space<vmem>>) offsets(%dma_start3A_44 : memref<128xi32, #tpu.memory_space<vmem>>) semaphore(%arg19 : memref<!tpu.dma_semaphore, #tpu.memory_space<semaphore_mem>>)
    %scan3A = arith.constant 0 : i32
    %scan3A_48 = arith.constant 0 : i32
    %scan3A_49 = arith.constant 40 : i32
    %scan3A_50 = arith.addi %scan3A_48, %scan3A_49 : i32
    %scan3A_51 = arith.constant 1 : i32
    scf.for %scan3A_71 = %scan3A_48 to %scan3A_50 step %scan3A_51  : i32 {
      %mul3A_72 = arith.constant 2 : i32
      %mul3A_73 = arith.muli %mul3A_72, %scan3A_71 : i32
      %add3A_74 = arith.constant 0 : i32
      %add3A_75 = arith.addi %mul3A_73, %add3A_74 : i32
      %ge3A = arith.constant 1 : i32
      %ge3A_76 = arith.cmpi sge, %scan3A_71, %ge3A : i32
      %convert_element_type3A = arith.extui %ge3A_76 : i1 to i32
      %cond3A = arith.constant 0 : i32
      %cond3A_77 = arith.cmpi ne, %convert_element_type3A, %cond3A : i32
      scf.if %cond3A_77 {
        %dma_wait3A_138 = arith.constant 0 : i32
        %dma_wait3A_139 = tpu.memref_slice %arg9[%add3A_75, %dma_wait3A_138] : memref<80x128xi32, #tpu.memory_space<vmem>> -> memref<1x128xi32, #tpu.memory_space<vmem>>
        %dma_wait3A_140 = tpu.memref_squeeze %dma_wait3A_139 : memref<1x128xi32, #tpu.memory_space<vmem>> -> memref<128xi32, #tpu.memory_space<vmem>>
        %dma_wait3A_141 = arith.constant 0 : i32
        %dma_wait3A_142 = arith.constant 0 : i32
        %dma_wait3A_143 = tpu.memref_slice %arg22[%dma_wait3A_141, %dma_wait3A_142] : memref<10240x80xf32, #tpu.memory_space<vmem_shared>> -> memref<10240x80xf32, #tpu.memory_space<vmem_shared>>
        tpu.wait_indirect_dma semaphore(%arg20 : memref<!tpu.dma_semaphore, #tpu.memory_space<semaphore_mem>>) src(%arg14 : memref<128x80xf32, #tpu.memory_space<vmem>>) dst(%dma_wait3A_143 : memref<10240x80xf32, #tpu.memory_space<vmem_shared>>)
      } else {
      }
      %dma_wait3A_78 = arith.constant 0 : i32
      %dma_wait3A_79 = tpu.memref_slice %arg8[%add3A_75, %dma_wait3A_78] : memref<80x128xi32, #tpu.memory_space<vmem>> -> memref<1x128xi32, #tpu.memory_space<vmem>>
      %dma_wait3A_80 = tpu.memref_squeeze %dma_wait3A_79 : memref<1x128xi32, #tpu.memory_space<vmem>> -> memref<128xi32, #tpu.memory_space<vmem>>
      %dma_wait3A_81 = arith.constant 0 : i32
      %dma_wait3A_82 = arith.constant 0 : i32
      %dma_wait3A_83 = tpu.memref_slice %arg2[%dma_wait3A_81, %dma_wait3A_82] : memref<10240x80xf32, #tpu.memory_space<hbm>> -> memref<10240x80xf32, #tpu.memory_space<hbm>>
      tpu.wait_indirect_dma semaphore(%arg16 : memref<!tpu.dma_semaphore, #tpu.memory_space<semaphore_mem>>) src(%dma_wait3A_83 : memref<10240x80xf32, #tpu.memory_space<hbm>>) dst(%arg10 : memref<128x80xf32, #tpu.memory_space<vmem>>)
      %dma_wait3A_84 = arith.constant 0 : i32
      %dma_wait3A_85 = tpu.memref_slice %arg9[%add3A_75, %dma_wait3A_84] : memref<80x128xi32, #tpu.memory_space<vmem>> -> memref<1x128xi32, #tpu.memory_space<vmem>>
      %dma_wait3A_86 = tpu.memref_squeeze %dma_wait3A_85 : memref<1x128xi32, #tpu.memory_space<vmem>> -> memref<128xi32, #tpu.memory_space<vmem>>
      %dma_wait3A_87 = arith.constant 0 : i32
      %dma_wait3A_88 = arith.constant 0 : i32
      %dma_wait3A_89 = tpu.memref_slice %arg3[%dma_wait3A_87, %dma_wait3A_88] : memref<10240x16xf32, #tpu.memory_space<hbm>> -> memref<10240x16xf32, #tpu.memory_space<hbm>>
      tpu.wait_indirect_dma semaphore(%arg18 : memref<!tpu.dma_semaphore, #tpu.memory_space<semaphore_mem>>) src(%dma_wait3A_89 : memref<10240x16xf32, #tpu.memory_space<hbm>>) dst(%arg12 : memref<128x16xf32, #tpu.memory_space<vmem>>)
      %parallel_loop3A = arith.constant 0 : i32
      %parallel_loop3A_90 = arith.constant 128 : i32
      %parallel_loop3A_91 = arith.constant 1 : i32
      scf.for %parallel_loop3A_138 = %parallel_loop3A to %parallel_loop3A_90 step %parallel_loop3A_91  : i32 {
        %parallel_loop3A_139 = arith.index_cast %parallel_loop3A_138 : i32 to index
        %parallel_loop3A_140 = arith.constant 64 : index
        %parallel_loop3A_141 = tpu.vector_load %arg10[%parallel_loop3A_139, %parallel_loop3A_140] {strides = array<i32>} : memref<128x80xf32, #tpu.memory_space<vmem>>, vector<1x16xf32>,
        %parallel_loop3A_142 = vector.shape_cast %parallel_loop3A_141 : vector<1x16xf32> to vector<16xf32>
        %parallel_loop3A_143 = arith.index_cast %parallel_loop3A_138 : i32 to index
        %parallel_loop3A_144 = arith.constant 0 : index
        %parallel_loop3A_145 = tpu.vector_load %arg12[%parallel_loop3A_143, %parallel_loop3A_144] {strides = array<i32>} : memref<128x16xf32, #tpu.memory_space<vmem>>, vector<1x16xf32>,
        %parallel_loop3A_146 = vector.shape_cast %parallel_loop3A_145 : vector<1x16xf32> to vector<16xf32>
        %parallel_loop3A_147 = arith.addf %parallel_loop3A_142, %parallel_loop3A_146 : vector<16xf32>
        %parallel_loop3A_148 = arith.constant 0.000000e+00 : f32
        %parallel_loop3A_149 = vector.broadcast %parallel_loop3A_148 : f32 to vector<16xf32>
        %parallel_loop3A_150 = arith.cmpf oge, %parallel_loop3A_147, %parallel_loop3A_149 : vector<16xf32>
        %parallel_loop3A_151 = arith.constant 2.000000e-01 : f32
        %parallel_loop3A_152 = vector.broadcast %parallel_loop3A_151 : f32 to vector<16xf32>
        %parallel_loop3A_153 = arith.mulf %parallel_loop3A_152, %parallel_loop3A_147 : vector<16xf32>
        %parallel_loop3A_154 = arith.select %parallel_loop3A_150, %parallel_loop3A_147, %parallel_loop3A_153 : vector<16xi1>, vector<16xf32>
        %parallel_loop3A_155 = math.exp %parallel_loop3A_154 : vector<16xf32>
        %parallel_loop3A_156 = arith.constant 0.000000e+00 : f32
        %parallel_loop3A_157 = vector.broadcast %parallel_loop3A_156 : f32 to vector<16xf32>
        %parallel_loop3A_158 = arith.select %lt3A_6, %parallel_loop3A_155, %parallel_loop3A_157 : vector<16xi1>, vector<16xf32>
        %parallel_loop3A_159 = arith.index_cast %parallel_loop3A_138 : i32 to index
        %parallel_loop3A_160 = arith.constant 64 : index
        %parallel_loop3A_161 = tpu.vector_load %arg14[%parallel_loop3A_159, %parallel_loop3A_160] {strides = array<i32>} : memref<128x80xf32, #tpu.memory_space<vmem>>, vector<1x16xf32>,
        %parallel_loop3A_162 = vector.shape_cast %parallel_loop3A_161 : vector<1x16xf32> to vector<16xf32>
        %parallel_loop3A_163 = vector.shape_cast %parallel_loop3A_158 : vector<16xf32> to vector<1x16xf32>
        tpu.vector_store %arg14[%parallel_loop3A_159, %parallel_loop3A_160], %parallel_loop3A_163 {strides = array<i32>} : memref<128x80xf32, #tpu.memory_space<vmem>>, vector<1x16xf32>,
        %parallel_loop3A_164 = vector.shape_cast %add3A_11 : vector<16xi32> to vector<16x1xi32>
        %parallel_loop3A_165 = vector.shape_cast %parallel_loop3A_164 : vector<16x1xi32> to vector<16xi32>
        %parallel_loop3A_166 = tpu.dynamic_gather %parallel_loop3A_155[%parallel_loop3A_165] in [0] : vector<16xf32>, vector<16xi32> -> vector<16xf32>
        %parallel_loop3A_167 = arith.index_cast %parallel_loop3A_138 : i32 to index
        %parallel_loop3A_168 = arith.constant 0 : index
        %parallel_loop3A_169 = tpu.vector_load %arg10[%parallel_loop3A_167, %parallel_loop3A_168] {strides = array<i32>} : memref<128x80xf32, #tpu.memory_space<vmem>>, vector<1x16xf32>,
        %parallel_loop3A_170 = vector.shape_cast %parallel_loop3A_169 : vector<1x16xf32> to vector<16xf32>
        %parallel_loop3A_171 = arith.mulf %parallel_loop3A_170, %parallel_loop3A_166 : vector<16xf32>
        %parallel_loop3A_172 = arith.index_cast %parallel_loop3A_138 : i32 to index
        %parallel_loop3A_173 = arith.constant 0 : index
        %parallel_loop3A_174 = tpu.vector_load %arg14[%parallel_loop3A_172, %parallel_loop3A_173] {strides = array<i32>} : memref<128x80xf32, #tpu.memory_space<vmem>>, vector<1x16xf32>,
        %parallel_loop3A_175 = vector.shape_cast %parallel_loop3A_174 : vector<1x16xf32> to vector<16xf32>
        %parallel_loop3A_176 = vector.shape_cast %parallel_loop3A_171 : vector<16xf32> to vector<1x16xf32>
        tpu.vector_store %arg14[%parallel_loop3A_172, %parallel_loop3A_173], %parallel_loop3A_176 {strides = array<i32>} : memref<128x80xf32, #tpu.memory_space<vmem>>, vector<1x16xf32>,
        %parallel_loop3A_177 = vector.shape_cast %add3A_14 : vector<16xi32> to vector<16x1xi32>
        %parallel_loop3A_178 = vector.shape_cast %parallel_loop3A_177 : vector<16x1xi32> to vector<16xi32>
        %parallel_loop3A_179 = tpu.dynamic_gather %parallel_loop3A_155[%parallel_loop3A_178] in [0] : vector<16xf32>, vector<16xi32> -> vector<16xf32>
        %parallel_loop3A_180 = arith.index_cast %parallel_loop3A_138 : i32 to index
        %parallel_loop3A_181 = arith.constant 16 : index
        %parallel_loop3A_182 = tpu.vector_load %arg10[%parallel_loop3A_180, %parallel_loop3A_181] {strides = array<i32>} : memref<128x80xf32, #tpu.memory_space<vmem>>, vector<1x16xf32>,
        %parallel_loop3A_183 = vector.shape_cast %parallel_loop3A_182 : vector<1x16xf32> to vector<16xf32>
        %parallel_loop3A_184 = arith.mulf %parallel_loop3A_183, %parallel_loop3A_179 : vector<16xf32>
        %parallel_loop3A_185 = arith.index_cast %parallel_loop3A_138 : i32 to index
        %parallel_loop3A_186 = arith.constant 16 : index
        %parallel_loop3A_187 = tpu.vector_load %arg14[%parallel_loop3A_185, %parallel_loop3A_186] {strides = array<i32>} : memref<128x80xf32, #tpu.memory_space<vmem>>, vector<1x16xf32>,
        %parallel_loop3A_188 = vector.shape_cast %parallel_loop3A_187 : vector<1x16xf32> to vector<16xf32>
        %parallel_loop3A_189 = vector.shape_cast %parallel_loop3A_184 : vector<16xf32> to vector<1x16xf32>
        tpu.vector_store %arg14[%parallel_loop3A_185, %parallel_loop3A_186], %parallel_loop3A_189 {strides = array<i32>} : memref<128x80xf32, #tpu.memory_space<vmem>>, vector<1x16xf32>,
        %parallel_loop3A_190 = vector.shape_cast %add3A_17 : vector<16xi32> to vector<16x1xi32>
        %parallel_loop3A_191 = vector.shape_cast %parallel_loop3A_190 : vector<16x1xi32> to vector<16xi32>
        %parallel_loop3A_192 = tpu.dynamic_gather %parallel_loop3A_155[%parallel_loop3A_191] in [0] : vector<16xf32>, vector<16xi32> -> vector<16xf32>
        %parallel_loop3A_193 = arith.index_cast %parallel_loop3A_138 : i32 to index
        %parallel_loop3A_194 = arith.constant 32 : index
        %parallel_loop3A_195 = tpu.vector_load %arg10[%parallel_loop3A_193, %parallel_loop3A_194] {strides = array<i32>} : memref<128x80xf32, #tpu.memory_space<vmem>>, vector<1x16xf32>,
        %parallel_loop3A_196 = vector.shape_cast %parallel_loop3A_195 : vector<1x16xf32> to vector<16xf32>
        %parallel_loop3A_197 = arith.mulf %parallel_loop3A_196, %parallel_loop3A_192 : vector<16xf32>
        %parallel_loop3A_198 = arith.index_cast %parallel_loop3A_138 : i32 to index
        %parallel_loop3A_199 = arith.constant 32 : index
        %parallel_loop3A_200 = tpu.vector_load %arg14[%parallel_loop3A_198, %parallel_loop3A_199] {strides = array<i32>} : memref<128x80xf32, #tpu.memory_space<vmem>>, vector<1x16xf32>,
        %parallel_loop3A_201 = vector.shape_cast %parallel_loop3A_200 : vector<1x16xf32> to vector<16xf32>
        %parallel_loop3A_202 = vector.shape_cast %parallel_loop3A_197 : vector<16xf32> to vector<1x16xf32>
        tpu.vector_store %arg14[%parallel_loop3A_198, %parallel_loop3A_199], %parallel_loop3A_202 {strides = array<i32>} : memref<128x80xf32, #tpu.memory_space<vmem>>, vector<1x16xf32>,
        %parallel_loop3A_203 = vector.shape_cast %add3A_20 : vector<16xi32> to vector<16x1xi32>
        %parallel_loop3A_204 = vector.shape_cast %parallel_loop3A_203 : vector<16x1xi32> to vector<16xi32>
        %parallel_loop3A_205 = tpu.dynamic_gather %parallel_loop3A_155[%parallel_loop3A_204] in [0] : vector<16xf32>, vector<16xi32> -> vector<16xf32>
        %parallel_loop3A_206 = arith.index_cast %parallel_loop3A_138 : i32 to index
        %parallel_loop3A_207 = arith.constant 48 : index
        %parallel_loop3A_208 = tpu.vector_load %arg10[%parallel_loop3A_206, %parallel_loop3A_207] {strides = array<i32>} : memref<128x80xf32, #tpu.memory_space<vmem>>, vector<1x16xf32>,
        %parallel_loop3A_209 = vector.shape_cast %parallel_loop3A_208 : vector<1x16xf32> to vector<16xf32>
        %parallel_loop3A_210 = arith.mulf %parallel_loop3A_209, %parallel_loop3A_205 : vector<16xf32>
        %parallel_loop3A_211 = arith.index_cast %parallel_loop3A_138 : i32 to index
        %parallel_loop3A_212 = arith.constant 48 : index
        %parallel_loop3A_213 = tpu.vector_load %arg14[%parallel_loop3A_211, %parallel_loop3A_212] {strides = array<i32>} : memref<128x80xf32, #tpu.memory_space<vmem>>, vector<1x16xf32>,
        %parallel_loop3A_214 = vector.shape_cast %parallel_loop3A_213 : vector<1x16xf32> to vector<16xf32>
        %parallel_loop3A_215 = vector.shape_cast %parallel_loop3A_210 : vector<16xf32> to vector<1x16xf32>
        tpu.vector_store %arg14[%parallel_loop3A_211, %parallel_loop3A_212], %parallel_loop3A_215 {strides = array<i32>} : memref<128x80xf32, #tpu.memory_space<vmem>>, vector<1x16xf32>,
      } {sc.loop_unroll_factor = 4 : i64, sc.parallel_access}
      %dma_start3A_92 = arith.constant 0 : i32
      %dma_start3A_93 = tpu.memref_slice %arg9[%add3A_75, %dma_start3A_92] : memref<80x128xi32, #tpu.memory_space<vmem>> -> memref<1x128xi32, #tpu.memory_space<vmem>>
      %dma_start3A_94 = tpu.memref_squeeze %dma_start3A_93 : memref<1x128xi32, #tpu.memory_space<vmem>> -> memref<128xi32, #tpu.memory_space<vmem>>
      %dma_start3A_95 = arith.constant 0 : i32
      %dma_start3A_96 = arith.constant 0 : i32
      %dma_start3A_97 = tpu.memref_slice %arg22[%dma_start3A_95, %dma_start3A_96] : memref<10240x80xf32, #tpu.memory_space<vmem_shared>> -> memref<10240x80xf32, #tpu.memory_space<vmem_shared>>
      tpu.enqueue_indirect_dma source(%arg14 : memref<128x80xf32, #tpu.memory_space<vmem>>) target(%dma_start3A_97 : memref<10240x80xf32, #tpu.memory_space<vmem_shared>>) offsets(%dma_start3A_94 : memref<128xi32, #tpu.memory_space<vmem>>) semaphore(%arg20 : memref<!tpu.dma_semaphore, #tpu.memory_space<semaphore_mem>>) {add = true}
      %lt3A_98 = arith.constant 39 : i32
      %lt3A_99 = arith.cmpi slt, %scan3A_71, %lt3A_98 : i32
      %convert_element_type3A_100 = arith.extui %lt3A_99 : i1 to i32
      %cond3A_101 = arith.constant 0 : i32
      %cond3A_102 = arith.cmpi ne, %convert_element_type3A_100, %cond3A_101 : i32
      scf.if %cond3A_102 {
        %add3A_138 = arith.constant 2 : i32
        %add3A_139 = arith.addi %add3A_75, %add3A_138 : i32
        %dma_start3A_140 = arith.constant 0 : i32
        %dma_start3A_141 = tpu.memref_slice %arg8[%add3A_139, %dma_start3A_140] : memref<80x128xi32, #tpu.memory_space<vmem>> -> memref<1x128xi32, #tpu.memory_space<vmem>>
        %dma_start3A_142 = tpu.memref_squeeze %dma_start3A_141 : memref<1x128xi32, #tpu.memory_space<vmem>> -> memref<128xi32, #tpu.memory_space<vmem>>
        %dma_start3A_143 = arith.constant 0 : i32
        %dma_start3A_144 = arith.constant 0 : i32
        %dma_start3A_145 = tpu.memref_slice %arg2[%dma_start3A_143, %dma_start3A_144] : memref<10240x80xf32, #tpu.memory_space<hbm>> -> memref<10240x80xf32, #tpu.memory_space<hbm>>
        tpu.enqueue_indirect_dma source(%dma_start3A_145 : memref<10240x80xf32, #tpu.memory_space<hbm>>) target(%arg10 : memref<128x80xf32, #tpu.memory_space<vmem>>) offsets(%dma_start3A_142 : memref<128xi32, #tpu.memory_space<vmem>>) semaphore(%arg16 : memref<!tpu.dma_semaphore, #tpu.memory_space<semaphore_mem>>)
        %add3A_146 = arith.constant 2 : i32
        %add3A_147 = arith.addi %add3A_75, %add3A_146 : i32
        %dma_start3A_148 = arith.constant 0 : i32
        %dma_start3A_149 = tpu.memref_slice %arg9[%add3A_147, %dma_start3A_148] : memref<80x128xi32, #tpu.memory_space<vmem>> -> memref<1x128xi32, #tpu.memory_space<vmem>>
        %dma_start3A_150 = tpu.memref_squeeze %dma_start3A_149 : memref<1x128xi32, #tpu.memory_space<vmem>> -> memref<128xi32, #tpu.memory_space<vmem>>
        %dma_start3A_151 = arith.constant 0 : i32
        %dma_start3A_152 = arith.constant 0 : i32
        %dma_start3A_153 = tpu.memref_slice %arg3[%dma_start3A_151, %dma_start3A_152] : memref<10240x16xf32, #tpu.memory_space<hbm>> -> memref<10240x16xf32, #tpu.memory_space<hbm>>
        tpu.enqueue_indirect_dma source(%dma_start3A_153 : memref<10240x16xf32, #tpu.memory_space<hbm>>) target(%arg12 : memref<128x16xf32, #tpu.memory_space<vmem>>) offsets(%dma_start3A_150 : memref<128xi32, #tpu.memory_space<vmem>>) semaphore(%arg18 : memref<!tpu.dma_semaphore, #tpu.memory_space<semaphore_mem>>)
      } else {
      }
      %mul3A_103 = arith.constant 2 : i32
      %mul3A_104 = arith.muli %mul3A_103, %scan3A_71 : i32
      %add3A_105 = arith.constant 1 : i32
      %add3A_106 = arith.addi %mul3A_104, %add3A_105 : i32
      %ge3A_107 = arith.constant 1 : i32
      %ge3A_108 = arith.cmpi sge, %scan3A_71, %ge3A_107 : i32
      %convert_element_type3A_109 = arith.extui %ge3A_108 : i1 to i32
      %cond3A_110 = arith.constant 0 : i32
      %cond3A_111 = arith.cmpi ne, %convert_element_type3A_109, %cond3A_110 : i32
      scf.if %cond3A_111 {
        %dma_wait3A_138 = arith.constant 0 : i32
        %dma_wait3A_139 = tpu.memref_slice %arg9[%add3A_106, %dma_wait3A_138] : memref<80x128xi32, #tpu.memory_space<vmem>> -> memref<1x128xi32, #tpu.memory_space<vmem>>
        %dma_wait3A_140 = tpu.memref_squeeze %dma_wait3A_139 : memref<1x128xi32, #tpu.memory_space<vmem>> -> memref<128xi32, #tpu.memory_space<vmem>>
        %dma_wait3A_141 = arith.constant 0 : i32
        %dma_wait3A_142 = arith.constant 0 : i32
        %dma_wait3A_143 = tpu.memref_slice %arg22[%dma_wait3A_141, %dma_wait3A_142] : memref<10240x80xf32, #tpu.memory_space<vmem_shared>> -> memref<10240x80xf32, #tpu.memory_space<vmem_shared>>
        tpu.wait_indirect_dma semaphore(%arg21 : memref<!tpu.dma_semaphore, #tpu.memory_space<semaphore_mem>>) src(%arg15 : memref<128x80xf32, #tpu.memory_space<vmem>>) dst(%dma_wait3A_143 : memref<10240x80xf32, #tpu.memory_space<vmem_shared>>)
      } else {
      }
      %dma_wait3A_112 = arith.constant 0 : i32
      %dma_wait3A_113 = tpu.memref_slice %arg8[%add3A_106, %dma_wait3A_112] : memref<80x128xi32, #tpu.memory_space<vmem>> -> memref<1x128xi32, #tpu.memory_space<vmem>>
      %dma_wait3A_114 = tpu.memref_squeeze %dma_wait3A_113 : memref<1x128xi32, #tpu.memory_space<vmem>> -> memref<128xi32, #tpu.memory_space<vmem>>
      %dma_wait3A_115 = arith.constant 0 : i32
      %dma_wait3A_116 = arith.constant 0 : i32
      %dma_wait3A_117 = tpu.memref_slice %arg2[%dma_wait3A_115, %dma_wait3A_116] : memref<10240x80xf32, #tpu.memory_space<hbm>> -> memref<10240x80xf32, #tpu.memory_space<hbm>>
      tpu.wait_indirect_dma semaphore(%arg17 : memref<!tpu.dma_semaphore, #tpu.memory_space<semaphore_mem>>) src(%dma_wait3A_117 : memref<10240x80xf32, #tpu.memory_space<hbm>>) dst(%arg11 : memref<128x80xf32, #tpu.memory_space<vmem>>)
      %dma_wait3A_118 = arith.constant 0 : i32
      %dma_wait3A_119 = tpu.memref_slice %arg9[%add3A_106, %dma_wait3A_118] : memref<80x128xi32, #tpu.memory_space<vmem>> -> memref<1x128xi32, #tpu.memory_space<vmem>>
      %dma_wait3A_120 = tpu.memref_squeeze %dma_wait3A_119 : memref<1x128xi32, #tpu.memory_space<vmem>> -> memref<128xi32, #tpu.memory_space<vmem>>
      %dma_wait3A_121 = arith.constant 0 : i32
      %dma_wait3A_122 = arith.constant 0 : i32
      %dma_wait3A_123 = tpu.memref_slice %arg3[%dma_wait3A_121, %dma_wait3A_122] : memref<10240x16xf32, #tpu.memory_space<hbm>> -> memref<10240x16xf32, #tpu.memory_space<hbm>>
      tpu.wait_indirect_dma semaphore(%arg19 : memref<!tpu.dma_semaphore, #tpu.memory_space<semaphore_mem>>) src(%dma_wait3A_123 : memref<10240x16xf32, #tpu.memory_space<hbm>>) dst(%arg13 : memref<128x16xf32, #tpu.memory_space<vmem>>)
      %parallel_loop3A_124 = arith.constant 0 : i32
      %parallel_loop3A_125 = arith.constant 128 : i32
      %parallel_loop3A_126 = arith.constant 1 : i32
      scf.for %parallel_loop3A_138 = %parallel_loop3A_124 to %parallel_loop3A_125 step %parallel_loop3A_126  : i32 {
        %parallel_loop3A_139 = arith.index_cast %parallel_loop3A_138 : i32 to index
        %parallel_loop3A_140 = arith.constant 64 : index
        %parallel_loop3A_141 = tpu.vector_load %arg11[%parallel_loop3A_139, %parallel_loop3A_140] {strides = array<i32>} : memref<128x80xf32, #tpu.memory_space<vmem>>, vector<1x16xf32>,
        %parallel_loop3A_142 = vector.shape_cast %parallel_loop3A_141 : vector<1x16xf32> to vector<16xf32>
        %parallel_loop3A_143 = arith.index_cast %parallel_loop3A_138 : i32 to index
        %parallel_loop3A_144 = arith.constant 0 : index
        %parallel_loop3A_145 = tpu.vector_load %arg13[%parallel_loop3A_143, %parallel_loop3A_144] {strides = array<i32>} : memref<128x16xf32, #tpu.memory_space<vmem>>, vector<1x16xf32>,
        %parallel_loop3A_146 = vector.shape_cast %parallel_loop3A_145 : vector<1x16xf32> to vector<16xf32>
        %parallel_loop3A_147 = arith.addf %parallel_loop3A_142, %parallel_loop3A_146 : vector<16xf32>
        %parallel_loop3A_148 = arith.constant 0.000000e+00 : f32
        %parallel_loop3A_149 = vector.broadcast %parallel_loop3A_148 : f32 to vector<16xf32>
        %parallel_loop3A_150 = arith.cmpf oge, %parallel_loop3A_147, %parallel_loop3A_149 : vector<16xf32>
        %parallel_loop3A_151 = arith.constant 2.000000e-01 : f32
        %parallel_loop3A_152 = vector.broadcast %parallel_loop3A_151 : f32 to vector<16xf32>
        %parallel_loop3A_153 = arith.mulf %parallel_loop3A_152, %parallel_loop3A_147 : vector<16xf32>
        %parallel_loop3A_154 = arith.select %parallel_loop3A_150, %parallel_loop3A_147, %parallel_loop3A_153 : vector<16xi1>, vector<16xf32>
        %parallel_loop3A_155 = math.exp %parallel_loop3A_154 : vector<16xf32>
        %parallel_loop3A_156 = arith.constant 0.000000e+00 : f32
        %parallel_loop3A_157 = vector.broadcast %parallel_loop3A_156 : f32 to vector<16xf32>
        %parallel_loop3A_158 = arith.select %lt3A_6, %parallel_loop3A_155, %parallel_loop3A_157 : vector<16xi1>, vector<16xf32>
        %parallel_loop3A_159 = arith.index_cast %parallel_loop3A_138 : i32 to index
        %parallel_loop3A_160 = arith.constant 64 : index
        %parallel_loop3A_161 = tpu.vector_load %arg15[%parallel_loop3A_159, %parallel_loop3A_160] {strides = array<i32>} : memref<128x80xf32, #tpu.memory_space<vmem>>, vector<1x16xf32>,
        %parallel_loop3A_162 = vector.shape_cast %parallel_loop3A_161 : vector<1x16xf32> to vector<16xf32>
        %parallel_loop3A_163 = vector.shape_cast %parallel_loop3A_158 : vector<16xf32> to vector<1x16xf32>
        tpu.vector_store %arg15[%parallel_loop3A_159, %parallel_loop3A_160], %parallel_loop3A_163 {strides = array<i32>} : memref<128x80xf32, #tpu.memory_space<vmem>>, vector<1x16xf32>,
        %parallel_loop3A_164 = vector.shape_cast %add3A_11 : vector<16xi32> to vector<16x1xi32>
        %parallel_loop3A_165 = vector.shape_cast %parallel_loop3A_164 : vector<16x1xi32> to vector<16xi32>
        %parallel_loop3A_166 = tpu.dynamic_gather %parallel_loop3A_155[%parallel_loop3A_165] in [0] : vector<16xf32>, vector<16xi32> -> vector<16xf32>
        %parallel_loop3A_167 = arith.index_cast %parallel_loop3A_138 : i32 to index
        %parallel_loop3A_168 = arith.constant 0 : index
        %parallel_loop3A_169 = tpu.vector_load %arg11[%parallel_loop3A_167, %parallel_loop3A_168] {strides = array<i32>} : memref<128x80xf32, #tpu.memory_space<vmem>>, vector<1x16xf32>,
        %parallel_loop3A_170 = vector.shape_cast %parallel_loop3A_169 : vector<1x16xf32> to vector<16xf32>
        %parallel_loop3A_171 = arith.mulf %parallel_loop3A_170, %parallel_loop3A_166 : vector<16xf32>
        %parallel_loop3A_172 = arith.index_cast %parallel_loop3A_138 : i32 to index
        %parallel_loop3A_173 = arith.constant 0 : index
        %parallel_loop3A_174 = tpu.vector_load %arg15[%parallel_loop3A_172, %parallel_loop3A_173] {strides = array<i32>} : memref<128x80xf32, #tpu.memory_space<vmem>>, vector<1x16xf32>,
        %parallel_loop3A_175 = vector.shape_cast %parallel_loop3A_174 : vector<1x16xf32> to vector<16xf32>
        %parallel_loop3A_176 = vector.shape_cast %parallel_loop3A_171 : vector<16xf32> to vector<1x16xf32>
        tpu.vector_store %arg15[%parallel_loop3A_172, %parallel_loop3A_173], %parallel_loop3A_176 {strides = array<i32>} : memref<128x80xf32, #tpu.memory_space<vmem>>, vector<1x16xf32>,
        %parallel_loop3A_177 = vector.shape_cast %add3A_14 : vector<16xi32> to vector<16x1xi32>
        %parallel_loop3A_178 = vector.shape_cast %parallel_loop3A_177 : vector<16x1xi32> to vector<16xi32>
        %parallel_loop3A_179 = tpu.dynamic_gather %parallel_loop3A_155[%parallel_loop3A_178] in [0] : vector<16xf32>, vector<16xi32> -> vector<16xf32>
        %parallel_loop3A_180 = arith.index_cast %parallel_loop3A_138 : i32 to index
        %parallel_loop3A_181 = arith.constant 16 : index
        %parallel_loop3A_182 = tpu.vector_load %arg11[%parallel_loop3A_180, %parallel_loop3A_181] {strides = array<i32>} : memref<128x80xf32, #tpu.memory_space<vmem>>, vector<1x16xf32>,
        %parallel_loop3A_183 = vector.shape_cast %parallel_loop3A_182 : vector<1x16xf32> to vector<16xf32>
        %parallel_loop3A_184 = arith.mulf %parallel_loop3A_183, %parallel_loop3A_179 : vector<16xf32>
        %parallel_loop3A_185 = arith.index_cast %parallel_loop3A_138 : i32 to index
        %parallel_loop3A_186 = arith.constant 16 : index
        %parallel_loop3A_187 = tpu.vector_load %arg15[%parallel_loop3A_185, %parallel_loop3A_186] {strides = array<i32>} : memref<128x80xf32, #tpu.memory_space<vmem>>, vector<1x16xf32>,
        %parallel_loop3A_188 = vector.shape_cast %parallel_loop3A_187 : vector<1x16xf32> to vector<16xf32>
        %parallel_loop3A_189 = vector.shape_cast %parallel_loop3A_184 : vector<16xf32> to vector<1x16xf32>
        tpu.vector_store %arg15[%parallel_loop3A_185, %parallel_loop3A_186], %parallel_loop3A_189 {strides = array<i32>} : memref<128x80xf32, #tpu.memory_space<vmem>>, vector<1x16xf32>,
        %parallel_loop3A_190 = vector.shape_cast %add3A_17 : vector<16xi32> to vector<16x1xi32>
        %parallel_loop3A_191 = vector.shape_cast %parallel_loop3A_190 : vector<16x1xi32> to vector<16xi32>
        %parallel_loop3A_192 = tpu.dynamic_gather %parallel_loop3A_155[%parallel_loop3A_191] in [0] : vector<16xf32>, vector<16xi32> -> vector<16xf32>
        %parallel_loop3A_193 = arith.index_cast %parallel_loop3A_138 : i32 to index
        %parallel_loop3A_194 = arith.constant 32 : index
        %parallel_loop3A_195 = tpu.vector_load %arg11[%parallel_loop3A_193, %parallel_loop3A_194] {strides = array<i32>} : memref<128x80xf32, #tpu.memory_space<vmem>>, vector<1x16xf32>,
        %parallel_loop3A_196 = vector.shape_cast %parallel_loop3A_195 : vector<1x16xf32> to vector<16xf32>
        %parallel_loop3A_197 = arith.mulf %parallel_loop3A_196, %parallel_loop3A_192 : vector<16xf32>
        %parallel_loop3A_198 = arith.index_cast %parallel_loop3A_138 : i32 to index
        %parallel_loop3A_199 = arith.constant 32 : index
        %parallel_loop3A_200 = tpu.vector_load %arg15[%parallel_loop3A_198, %parallel_loop3A_199] {strides = array<i32>} : memref<128x80xf32, #tpu.memory_space<vmem>>, vector<1x16xf32>,
        %parallel_loop3A_201 = vector.shape_cast %parallel_loop3A_200 : vector<1x16xf32> to vector<16xf32>
        %parallel_loop3A_202 = vector.shape_cast %parallel_loop3A_197 : vector<16xf32> to vector<1x16xf32>
        tpu.vector_store %arg15[%parallel_loop3A_198, %parallel_loop3A_199], %parallel_loop3A_202 {strides = array<i32>} : memref<128x80xf32, #tpu.memory_space<vmem>>, vector<1x16xf32>,
        %parallel_loop3A_203 = vector.shape_cast %add3A_20 : vector<16xi32> to vector<16x1xi32>
        %parallel_loop3A_204 = vector.shape_cast %parallel_loop3A_203 : vector<16x1xi32> to vector<16xi32>
        %parallel_loop3A_205 = tpu.dynamic_gather %parallel_loop3A_155[%parallel_loop3A_204] in [0] : vector<16xf32>, vector<16xi32> -> vector<16xf32>
        %parallel_loop3A_206 = arith.index_cast %parallel_loop3A_138 : i32 to index
        %parallel_loop3A_207 = arith.constant 48 : index
        %parallel_loop3A_208 = tpu.vector_load %arg11[%parallel_loop3A_206, %parallel_loop3A_207] {strides = array<i32>} : memref<128x80xf32, #tpu.memory_space<vmem>>, vector<1x16xf32>,
        %parallel_loop3A_209 = vector.shape_cast %parallel_loop3A_208 : vector<1x16xf32> to vector<16xf32>
        %parallel_loop3A_210 = arith.mulf %parallel_loop3A_209, %parallel_loop3A_205 : vector<16xf32>
        %parallel_loop3A_211 = arith.index_cast %parallel_loop3A_138 : i32 to index
        %parallel_loop3A_212 = arith.constant 48 : index
        %parallel_loop3A_213 = tpu.vector_load %arg15[%parallel_loop3A_211, %parallel_loop3A_212] {strides = array<i32>} : memref<128x80xf32, #tpu.memory_space<vmem>>, vector<1x16xf32>,
        %parallel_loop3A_214 = vector.shape_cast %parallel_loop3A_213 : vector<1x16xf32> to vector<16xf32>
        %parallel_loop3A_215 = vector.shape_cast %parallel_loop3A_210 : vector<16xf32> to vector<1x16xf32>
        tpu.vector_store %arg15[%parallel_loop3A_211, %parallel_loop3A_212], %parallel_loop3A_215 {strides = array<i32>} : memref<128x80xf32, #tpu.memory_space<vmem>>, vector<1x16xf32>,
      } {sc.loop_unroll_factor = 4 : i64, sc.parallel_access}
      %dma_start3A_127 = arith.constant 0 : i32
      %dma_start3A_128 = tpu.memref_slice %arg9[%add3A_106, %dma_start3A_127] : memref<80x128xi32, #tpu.memory_space<vmem>> -> memref<1x128xi32, #tpu.memory_space<vmem>>
      %dma_start3A_129 = tpu.memref_squeeze %dma_start3A_128 : memref<1x128xi32, #tpu.memory_space<vmem>> -> memref<128xi32, #tpu.memory_space<vmem>>
      %dma_start3A_130 = arith.constant 0 : i32
      %dma_start3A_131 = arith.constant 0 : i32
      %dma_start3A_132 = tpu.memref_slice %arg22[%dma_start3A_130, %dma_start3A_131] : memref<10240x80xf32, #tpu.memory_space<vmem_shared>> -> memref<10240x80xf32, #tpu.memory_space<vmem_shared>>
      tpu.enqueue_indirect_dma source(%arg15 : memref<128x80xf32, #tpu.memory_space<vmem>>) target(%dma_start3A_132 : memref<10240x80xf32, #tpu.memory_space<vmem_shared>>) offsets(%dma_start3A_129 : memref<128xi32, #tpu.memory_space<vmem>>) semaphore(%arg21 : memref<!tpu.dma_semaphore, #tpu.memory_space<semaphore_mem>>) {add = true}
      %lt3A_133 = arith.constant 39 : i32
      %lt3A_134 = arith.cmpi slt, %scan3A_71, %lt3A_133 : i32
      %convert_element_type3A_135 = arith.extui %lt3A_134 : i1 to i32
      %cond3A_136 = arith.constant 0 : i32
      %cond3A_137 = arith.cmpi ne, %convert_element_type3A_135, %cond3A_136 : i32
      scf.if %cond3A_137 {
        %add3A_138 = arith.constant 2 : i32
        %add3A_139 = arith.addi %add3A_106, %add3A_138 : i32
        %dma_start3A_140 = arith.constant 0 : i32
        %dma_start3A_141 = tpu.memref_slice %arg8[%add3A_139, %dma_start3A_140] : memref<80x128xi32, #tpu.memory_space<vmem>> -> memref<1x128xi32, #tpu.memory_space<vmem>>
        %dma_start3A_142 = tpu.memref_squeeze %dma_start3A_141 : memref<1x128xi32, #tpu.memory_space<vmem>> -> memref<128xi32, #tpu.memory_space<vmem>>
        %dma_start3A_143 = arith.constant 0 : i32
        %dma_start3A_144 = arith.constant 0 : i32
        %dma_start3A_145 = tpu.memref_slice %arg2[%dma_start3A_143, %dma_start3A_144] : memref<10240x80xf32, #tpu.memory_space<hbm>> -> memref<10240x80xf32, #tpu.memory_space<hbm>>
        tpu.enqueue_indirect_dma source(%dma_start3A_145 : memref<10240x80xf32, #tpu.memory_space<hbm>>) target(%arg11 : memref<128x80xf32, #tpu.memory_space<vmem>>) offsets(%dma_start3A_142 : memref<128xi32, #tpu.memory_space<vmem>>) semaphore(%arg17 : memref<!tpu.dma_semaphore, #tpu.memory_space<semaphore_mem>>)
        %add3A_146 = arith.constant 2 : i32
        %add3A_147 = arith.addi %add3A_106, %add3A_146 : i32
        %dma_start3A_148 = arith.constant 0 : i32
        %dma_start3A_149 = tpu.memref_slice %arg9[%add3A_147, %dma_start3A_148] : memref<80x128xi32, #tpu.memory_space<vmem>> -> memref<1x128xi32, #tpu.memory_space<vmem>>
        %dma_start3A_150 = tpu.memref_squeeze %dma_start3A_149 : memref<1x128xi32, #tpu.memory_space<vmem>> -> memref<128xi32, #tpu.memory_space<vmem>>
        %dma_start3A_151 = arith.constant 0 : i32
        %dma_start3A_152 = arith.constant 0 : i32
        %dma_start3A_153 = tpu.memref_slice %arg3[%dma_start3A_151, %dma_start3A_152] : memref<10240x16xf32, #tpu.memory_space<hbm>> -> memref<10240x16xf32, #tpu.memory_space<hbm>>
        tpu.enqueue_indirect_dma source(%dma_start3A_153 : memref<10240x16xf32, #tpu.memory_space<hbm>>) target(%arg13 : memref<128x16xf32, #tpu.memory_space<vmem>>) offsets(%dma_start3A_150 : memref<128xi32, #tpu.memory_space<vmem>>) semaphore(%arg19 : memref<!tpu.dma_semaphore, #tpu.memory_space<semaphore_mem>>)
      } else {
      }
    }
    %scan3A_52 = arith.constant 40 : i32
    %dma_wait3A = arith.constant 78 : i32
    %dma_wait3A_53 = arith.constant 0 : i32
    %dma_wait3A_54 = tpu.memref_slice %arg9[%dma_wait3A, %dma_wait3A_53] : memref<80x128xi32, #tpu.memory_space<vmem>> -> memref<1x128xi32, #tpu.memory_space<vmem>>
    %dma_wait3A_55 = tpu.memref_squeeze %dma_wait3A_54 : memref<1x128xi32, #tpu.memory_space<vmem>> -> memref<128xi32, #tpu.memory_space<vmem>>
    %dma_wait3A_56 = arith.constant 0 : i32
    %dma_wait3A_57 = arith.constant 0 : i32
    %dma_wait3A_58 = tpu.memref_slice %arg22[%dma_wait3A_56, %dma_wait3A_57] : memref<10240x80xf32, #tpu.memory_space<vmem_shared>> -> memref<10240x80xf32, #tpu.memory_space<vmem_shared>>
    tpu.wait_indirect_dma semaphore(%arg20 : memref<!tpu.dma_semaphore, #tpu.memory_space<semaphore_mem>>) src(%arg14 : memref<128x80xf32, #tpu.memory_space<vmem>>) dst(%dma_wait3A_58 : memref<10240x80xf32, #tpu.memory_space<vmem_shared>>)
    %dma_wait3A_59 = arith.constant 79 : i32
    %dma_wait3A_60 = arith.constant 0 : i32
    %dma_wait3A_61 = tpu.memref_slice %arg9[%dma_wait3A_59, %dma_wait3A_60] : memref<80x128xi32, #tpu.memory_space<vmem>> -> memref<1x128xi32, #tpu.memory_space<vmem>>
    %dma_wait3A_62 = tpu.memref_squeeze %dma_wait3A_61 : memref<1x128xi32, #tpu.memory_space<vmem>> -> memref<128xi32, #tpu.memory_space<vmem>>
    %dma_wait3A_63 = arith.constant 0 : i32
    %dma_wait3A_64 = arith.constant 0 : i32
    %dma_wait3A_65 = tpu.memref_slice %arg22[%dma_wait3A_63, %dma_wait3A_64] : memref<10240x80xf32, #tpu.memory_space<vmem_shared>> -> memref<10240x80xf32, #tpu.memory_space<vmem_shared>>
    tpu.wait_indirect_dma semaphore(%arg21 : memref<!tpu.dma_semaphore, #tpu.memory_space<semaphore_mem>>) src(%arg15 : memref<128x80xf32, #tpu.memory_space<vmem>>) dst(%dma_wait3A_65 : memref<10240x80xf32, #tpu.memory_space<vmem_shared>>)
    %barrier3A_66 = arith.constant 0 : index
    tpu.barrier barrier_id(%barrier3A_66)
    %mul3A_67 = arith.constant 640 : i32
    %mul3A_68 = arith.muli %arg1, %mul3A_67 : i32
    %mul3A_69 = arith.constant 640 : i32
    %mul3A_70 = arith.muli %arg1, %mul3A_69 : i32
    "tpu.region"() ({
      %run_scoped3A = tpu.sem_alloc : memref<!tpu.dma_semaphore, #tpu.memory_space<semaphore_mem>>
      %dma_start3A_71 = arith.constant 0 : i32
      %dma_start3A_72 = arith.constant 0 : i32
      %dma_start3A_73 = tpu.memref_slice %arg7[%arg0, %dma_start3A_71, %dma_start3A_72] : memref<2x10240x80xf32, #tpu.memory_space<hbm>> -> memref<1x10240x80xf32, #tpu.memory_space<hbm>>
      %dma_start3A_74 = tpu.memref_squeeze %dma_start3A_73 : memref<1x10240x80xf32, #tpu.memory_space<hbm>> -> memref<10240x80xf32, #tpu.memory_space<hbm>>
      %dma_start3A_75 = arith.constant 0 : i32
      %dma_start3A_76 = tpu.memref_slice %dma_start3A_74[%mul3A_70, %dma_start3A_75] : memref<10240x80xf32, #tpu.memory_space<hbm>> -> memref<640x80xf32, #tpu.memory_space<hbm>>
      %dma_start3A_77 = arith.constant 0 : i32
      %dma_start3A_78 = tpu.memref_slice %arg22[%mul3A_68, %dma_start3A_77] : memref<10240x80xf32, #tpu.memory_space<vmem_shared>> -> memref<640x80xf32, #tpu.memory_space<vmem_shared>>
      tpu.enqueue_dma source(%dma_start3A_78 : memref<640x80xf32, #tpu.memory_space<vmem_shared>>) target(%dma_start3A_76 : memref<640x80xf32, #tpu.memory_space<hbm>>) target_semaphore(%run_scoped3A : memref<!tpu.dma_semaphore, #tpu.memory_space<semaphore_mem>>)
      %dma_wait3A_79 = arith.constant 0 : i32
      %dma_wait3A_80 = arith.constant 0 : i32
      %dma_wait3A_81 = tpu.memref_slice %arg7[%arg0, %dma_wait3A_79, %dma_wait3A_80] : memref<2x10240x80xf32, #tpu.memory_space<hbm>> -> memref<1x10240x80xf32, #tpu.memory_space<hbm>>
      %dma_wait3A_82 = tpu.memref_squeeze %dma_wait3A_81 : memref<1x10240x80xf32, #tpu.memory_space<hbm>> -> memref<10240x80xf32, #tpu.memory_space<hbm>>
      %dma_wait3A_83 = arith.constant 0 : i32
      %dma_wait3A_84 = tpu.memref_slice %dma_wait3A_82[%mul3A_70, %dma_wait3A_83] : memref<10240x80xf32, #tpu.memory_space<hbm>> -> memref<640x80xf32, #tpu.memory_space<hbm>>
      %dma_wait3A_85 = arith.constant 0 : i32
      %dma_wait3A_86 = tpu.memref_slice %arg22[%mul3A_68, %dma_wait3A_85] : memref<10240x80xf32, #tpu.memory_space<vmem_shared>> -> memref<640x80xf32, #tpu.memory_space<vmem_shared>>
      tpu.wait_dma2 semaphore(%run_scoped3A : memref<!tpu.dma_semaphore, #tpu.memory_space<semaphore_mem>>) src(%dma_wait3A_86 : memref<640x80xf32, #tpu.memory_space<vmem_shared>>) dst(%dma_wait3A_84 : memref<640x80xf32, #tpu.memory_space<hbm>>)
      tpu.yield
    }) : () -> ()
    return
  }
}

#map = affine_map<(d0, d1) -> (0, 0)>
#map1 = affine_map<(d0, d1) -> (0, 0, 0)>
module attributes {stable_mosaic.version = 14 : i64} {
  func.func @_edge2_body(%arg0: i32, %arg1: i32, %arg2: memref<10240x16xf32, #tpu.memory_space<hbm>>, %arg3: memref<32x80x128xi32, #tpu.memory_space<hbm>>, %arg4: memref<32x80x128xi32, #tpu.memory_space<hbm>>, %arg5: memref<10240x16xf32, #tpu.memory_space<hbm>>, %arg6: memref<2x10240x16xf32, #tpu.memory_space<hbm>>, %arg7: memref<80x128xi32, #tpu.memory_space<vmem>>, %arg8: memref<80x128xi32, #tpu.memory_space<vmem>>, %arg9: memref<128x16xf32, #tpu.memory_space<vmem>>, %arg10: memref<128x16xf32, #tpu.memory_space<vmem>>, %arg11: memref<128x16xf32, #tpu.memory_space<vmem>>, %arg12: memref<128x16xf32, #tpu.memory_space<vmem>>, %arg13: memref<128x16xf32, #tpu.memory_space<vmem>>, %arg14: memref<128x16xf32, #tpu.memory_space<vmem>>, %arg15: memref<!tpu.dma_semaphore, #tpu.memory_space<semaphore_mem>>, %arg16: memref<!tpu.dma_semaphore, #tpu.memory_space<semaphore_mem>>, %arg17: memref<!tpu.dma_semaphore, #tpu.memory_space<semaphore_mem>>, %arg18: memref<!tpu.dma_semaphore, #tpu.memory_space<semaphore_mem>>, %arg19: memref<!tpu.dma_semaphore, #tpu.memory_space<semaphore_mem>>, %arg20: memref<!tpu.dma_semaphore, #tpu.memory_space<semaphore_mem>>, %arg21: memref<10240x16xf32, #tpu.memory_space<vmem_shared>>) attributes {dimension_semantics = [#tpu.dimension_semantics<core_parallel>, #tpu.dimension_semantics<subcore_parallel>], iteration_bounds = array<i64: 2, 16>, scalar_prefetch = 0 : i64, scratch_operands = 15 : i64, tpu.core_type = #tpu.core_type<sc_vector_subcore>, window_params = [{transform_indices = #map}, {transform_indices = #map1}, {transform_indices = #map1}, {transform_indices = #map}, {transform_indices = #map1}]} {
    %mul3A = arith.constant 2 : i32
    %mul3A_0 = arith.muli %arg1, %mul3A : i32
    %add3A = arith.addi %mul3A_0, %arg0 : i32
    "tpu.region"() ({
      %run_scoped3A = tpu.sem_alloc : memref<!tpu.dma_semaphore, #tpu.memory_space<semaphore_mem>>
      %dma_start3A_75 = arith.constant 0 : i32
      %dma_start3A_76 = arith.constant 0 : i32
      %dma_start3A_77 = tpu.memref_slice %arg3[%add3A, %dma_start3A_75, %dma_start3A_76] : memref<32x80x128xi32, #tpu.memory_space<hbm>> -> memref<1x80x128xi32, #tpu.memory_space<hbm>>
      %dma_start3A_78 = tpu.memref_squeeze %dma_start3A_77 : memref<1x80x128xi32, #tpu.memory_space<hbm>> -> memref<80x128xi32, #tpu.memory_space<hbm>>
      %dma_start3A_79 = arith.constant 0 : i32
      %dma_start3A_80 = arith.constant 0 : i32
      %dma_start3A_81 = tpu.memref_slice %arg3[%add3A, %dma_start3A_79, %dma_start3A_80] : memref<32x80x128xi32, #tpu.memory_space<hbm>> -> memref<1x80x128xi32, #tpu.memory_space<hbm>>
      %dma_start3A_82 = tpu.memref_squeeze %dma_start3A_81 : memref<1x80x128xi32, #tpu.memory_space<hbm>> -> memref<80x128xi32, #tpu.memory_space<hbm>>
      tpu.enqueue_dma source(%dma_start3A_82 : memref<80x128xi32, #tpu.memory_space<hbm>>) target(%arg7 : memref<80x128xi32, #tpu.memory_space<vmem>>) target_semaphore(%run_scoped3A : memref<!tpu.dma_semaphore, #tpu.memory_space<semaphore_mem>>)
      %dma_wait3A_83 = arith.constant 0 : i32
      %dma_wait3A_84 = arith.constant 0 : i32
      %dma_wait3A_85 = tpu.memref_slice %arg3[%add3A, %dma_wait3A_83, %dma_wait3A_84] : memref<32x80x128xi32, #tpu.memory_space<hbm>> -> memref<1x80x128xi32, #tpu.memory_space<hbm>>
      %dma_wait3A_86 = tpu.memref_squeeze %dma_wait3A_85 : memref<1x80x128xi32, #tpu.memory_space<hbm>> -> memref<80x128xi32, #tpu.memory_space<hbm>>
      %dma_wait3A_87 = arith.constant 0 : i32
      %dma_wait3A_88 = arith.constant 0 : i32
      %dma_wait3A_89 = tpu.memref_slice %arg3[%add3A, %dma_wait3A_87, %dma_wait3A_88] : memref<32x80x128xi32, #tpu.memory_space<hbm>> -> memref<1x80x128xi32, #tpu.memory_space<hbm>>
      %dma_wait3A_90 = tpu.memref_squeeze %dma_wait3A_89 : memref<1x80x128xi32, #tpu.memory_space<hbm>> -> memref<80x128xi32, #tpu.memory_space<hbm>>
      tpu.wait_dma2 semaphore(%run_scoped3A : memref<!tpu.dma_semaphore, #tpu.memory_space<semaphore_mem>>) src(%dma_wait3A_90 : memref<80x128xi32, #tpu.memory_space<hbm>>) dst(%arg7 : memref<80x128xi32, #tpu.memory_space<vmem>>)
      tpu.yield
    }) : () -> ()
    "tpu.region"() ({
      %run_scoped3A = tpu.sem_alloc : memref<!tpu.dma_semaphore, #tpu.memory_space<semaphore_mem>>
      %dma_start3A_75 = arith.constant 0 : i32
      %dma_start3A_76 = arith.constant 0 : i32
      %dma_start3A_77 = tpu.memref_slice %arg4[%add3A, %dma_start3A_75, %dma_start3A_76] : memref<32x80x128xi32, #tpu.memory_space<hbm>> -> memref<1x80x128xi32, #tpu.memory_space<hbm>>
      %dma_start3A_78 = tpu.memref_squeeze %dma_start3A_77 : memref<1x80x128xi32, #tpu.memory_space<hbm>> -> memref<80x128xi32, #tpu.memory_space<hbm>>
      %dma_start3A_79 = arith.constant 0 : i32
      %dma_start3A_80 = arith.constant 0 : i32
      %dma_start3A_81 = tpu.memref_slice %arg4[%add3A, %dma_start3A_79, %dma_start3A_80] : memref<32x80x128xi32, #tpu.memory_space<hbm>> -> memref<1x80x128xi32, #tpu.memory_space<hbm>>
      %dma_start3A_82 = tpu.memref_squeeze %dma_start3A_81 : memref<1x80x128xi32, #tpu.memory_space<hbm>> -> memref<80x128xi32, #tpu.memory_space<hbm>>
      tpu.enqueue_dma source(%dma_start3A_82 : memref<80x128xi32, #tpu.memory_space<hbm>>) target(%arg8 : memref<80x128xi32, #tpu.memory_space<vmem>>) target_semaphore(%run_scoped3A : memref<!tpu.dma_semaphore, #tpu.memory_space<semaphore_mem>>)
      %dma_wait3A_83 = arith.constant 0 : i32
      %dma_wait3A_84 = arith.constant 0 : i32
      %dma_wait3A_85 = tpu.memref_slice %arg4[%add3A, %dma_wait3A_83, %dma_wait3A_84] : memref<32x80x128xi32, #tpu.memory_space<hbm>> -> memref<1x80x128xi32, #tpu.memory_space<hbm>>
      %dma_wait3A_86 = tpu.memref_squeeze %dma_wait3A_85 : memref<1x80x128xi32, #tpu.memory_space<hbm>> -> memref<80x128xi32, #tpu.memory_space<hbm>>
      %dma_wait3A_87 = arith.constant 0 : i32
      %dma_wait3A_88 = arith.constant 0 : i32
      %dma_wait3A_89 = tpu.memref_slice %arg4[%add3A, %dma_wait3A_87, %dma_wait3A_88] : memref<32x80x128xi32, #tpu.memory_space<hbm>> -> memref<1x80x128xi32, #tpu.memory_space<hbm>>
      %dma_wait3A_90 = tpu.memref_squeeze %dma_wait3A_89 : memref<1x80x128xi32, #tpu.memory_space<hbm>> -> memref<80x128xi32, #tpu.memory_space<hbm>>
      tpu.wait_dma2 semaphore(%run_scoped3A : memref<!tpu.dma_semaphore, #tpu.memory_space<semaphore_mem>>) src(%dma_wait3A_90 : memref<80x128xi32, #tpu.memory_space<hbm>>) dst(%arg8 : memref<80x128xi32, #tpu.memory_space<vmem>>)
      tpu.yield
    }) : () -> ()
    %mul3A_1 = arith.constant 640 : i32
    %mul3A_2 = arith.muli %arg1, %mul3A_1 : i32
    %mul3A_3 = arith.constant 640 : i32
    %mul3A_4 = arith.muli %arg1, %mul3A_3 : i32
    "tpu.region"() ({
      %run_scoped3A = tpu.sem_alloc : memref<!tpu.dma_semaphore, #tpu.memory_space<semaphore_mem>>
      %dma_start3A_75 = arith.constant 0 : i32
      %dma_start3A_76 = tpu.memref_slice %arg21[%mul3A_4, %dma_start3A_75] : memref<10240x16xf32, #tpu.memory_space<vmem_shared>> -> memref<640x16xf32, #tpu.memory_space<vmem_shared>>
      %dma_start3A_77 = arith.constant 0 : i32
      %dma_start3A_78 = tpu.memref_slice %arg5[%mul3A_2, %dma_start3A_77] : memref<10240x16xf32, #tpu.memory_space<hbm>> -> memref<640x16xf32, #tpu.memory_space<hbm>>
      tpu.enqueue_dma source(%dma_start3A_78 : memref<640x16xf32, #tpu.memory_space<hbm>>) target(%dma_start3A_76 : memref<640x16xf32, #tpu.memory_space<vmem_shared>>) target_semaphore(%run_scoped3A : memref<!tpu.dma_semaphore, #tpu.memory_space<semaphore_mem>>)
      %dma_wait3A_79 = arith.constant 0 : i32
      %dma_wait3A_80 = tpu.memref_slice %arg21[%mul3A_4, %dma_wait3A_79] : memref<10240x16xf32, #tpu.memory_space<vmem_shared>> -> memref<640x16xf32, #tpu.memory_space<vmem_shared>>
      %dma_wait3A_81 = arith.constant 0 : i32
      %dma_wait3A_82 = tpu.memref_slice %arg5[%mul3A_2, %dma_wait3A_81] : memref<10240x16xf32, #tpu.memory_space<hbm>> -> memref<640x16xf32, #tpu.memory_space<hbm>>
      tpu.wait_dma2 semaphore(%run_scoped3A : memref<!tpu.dma_semaphore, #tpu.memory_space<semaphore_mem>>) src(%dma_wait3A_82 : memref<640x16xf32, #tpu.memory_space<hbm>>) dst(%dma_wait3A_80 : memref<640x16xf32, #tpu.memory_space<vmem_shared>>)
      tpu.yield
    }) : () -> ()
    %barrier3A = arith.constant 0 : index
    tpu.barrier barrier_id(%barrier3A)
    %iota3A = tpu.iota {dimensions = array<i32: 0>} : vector<16xi32>
    %eq3A = arith.constant 0 : i32
    %eq3A_5 = vector.broadcast %eq3A : i32 to vector<16xi32>
    %eq3A_6 = arith.cmpi eq, %iota3A, %eq3A_5 : vector<16xi32>
    %eq3A_7 = arith.constant 1 : i32
    %eq3A_8 = vector.broadcast %eq3A_7 : i32 to vector<16xi32>
    %eq3A_9 = arith.cmpi eq, %iota3A, %eq3A_8 : vector<16xi32>
    %eq3A_10 = arith.constant 2 : i32
    %eq3A_11 = vector.broadcast %eq3A_10 : i32 to vector<16xi32>
    %eq3A_12 = arith.cmpi eq, %iota3A, %eq3A_11 : vector<16xi32>
    %mul3A_13 = arith.constant 0 : i32
    %mul3A_14 = vector.broadcast %mul3A_13 : i32 to vector<16xi32>
    %mul3A_15 = arith.muli %iota3A, %mul3A_14 : vector<16xi32>
    %add3A_16 = arith.constant 1 : i32
    %add3A_17 = vector.broadcast %add3A_16 : i32 to vector<16xi32>
    %add3A_18 = arith.addi %mul3A_15, %add3A_17 : vector<16xi32>
    %add3A_19 = arith.constant 2 : i32
    %add3A_20 = vector.broadcast %add3A_19 : i32 to vector<16xi32>
    %add3A_21 = arith.addi %mul3A_15, %add3A_20 : vector<16xi32>
    %add3A_22 = arith.constant 3 : i32
    %add3A_23 = vector.broadcast %add3A_22 : i32 to vector<16xi32>
    %add3A_24 = arith.addi %mul3A_15, %add3A_23 : vector<16xi32>
    %dma_start3A = arith.constant 0 : i32
    %dma_start3A_25 = arith.constant 0 : i32
    %dma_start3A_26 = tpu.memref_slice %arg7[%dma_start3A, %dma_start3A_25] : memref<80x128xi32, #tpu.memory_space<vmem>> -> memref<1x128xi32, #tpu.memory_space<vmem>>
    %dma_start3A_27 = tpu.memref_squeeze %dma_start3A_26 : memref<1x128xi32, #tpu.memory_space<vmem>> -> memref<128xi32, #tpu.memory_space<vmem>>
    %dma_start3A_28 = arith.constant 0 : i32
    %dma_start3A_29 = arith.constant 0 : i32
    %dma_start3A_30 = tpu.memref_slice %arg2[%dma_start3A_28, %dma_start3A_29] : memref<10240x16xf32, #tpu.memory_space<hbm>> -> memref<10240x16xf32, #tpu.memory_space<hbm>>
    tpu.enqueue_indirect_dma source(%dma_start3A_30 : memref<10240x16xf32, #tpu.memory_space<hbm>>) target(%arg9 : memref<128x16xf32, #tpu.memory_space<vmem>>) offsets(%dma_start3A_27 : memref<128xi32, #tpu.memory_space<vmem>>) semaphore(%arg15 : memref<!tpu.dma_semaphore, #tpu.memory_space<semaphore_mem>>)
    %dma_start3A_31 = arith.constant 0 : i32
    %dma_start3A_32 = arith.constant 0 : i32
    %dma_start3A_33 = tpu.memref_slice %arg8[%dma_start3A_31, %dma_start3A_32] : memref<80x128xi32, #tpu.memory_space<vmem>> -> memref<1x128xi32, #tpu.memory_space<vmem>>
    %dma_start3A_34 = tpu.memref_squeeze %dma_start3A_33 : memref<1x128xi32, #tpu.memory_space<vmem>> -> memref<128xi32, #tpu.memory_space<vmem>>
    %dma_start3A_35 = arith.constant 0 : i32
    %dma_start3A_36 = arith.constant 0 : i32
    %dma_start3A_37 = tpu.memref_slice %arg2[%dma_start3A_35, %dma_start3A_36] : memref<10240x16xf32, #tpu.memory_space<hbm>> -> memref<10240x16xf32, #tpu.memory_space<hbm>>
    tpu.enqueue_indirect_dma source(%dma_start3A_37 : memref<10240x16xf32, #tpu.memory_space<hbm>>) target(%arg11 : memref<128x16xf32, #tpu.memory_space<vmem>>) offsets(%dma_start3A_34 : memref<128xi32, #tpu.memory_space<vmem>>) semaphore(%arg17 : memref<!tpu.dma_semaphore, #tpu.memory_space<semaphore_mem>>)
    %dma_start3A_38 = arith.constant 1 : i32
    %dma_start3A_39 = arith.constant 0 : i32
    %dma_start3A_40 = tpu.memref_slice %arg7[%dma_start3A_38, %dma_start3A_39] : memref<80x128xi32, #tpu.memory_space<vmem>> -> memref<1x128xi32, #tpu.memory_space<vmem>>
    %dma_start3A_41 = tpu.memref_squeeze %dma_start3A_40 : memref<1x128xi32, #tpu.memory_space<vmem>> -> memref<128xi32, #tpu.memory_space<vmem>>
    %dma_start3A_42 = arith.constant 0 : i32
    %dma_start3A_43 = arith.constant 0 : i32
    %dma_start3A_44 = tpu.memref_slice %arg2[%dma_start3A_42, %dma_start3A_43] : memref<10240x16xf32, #tpu.memory_space<hbm>> -> memref<10240x16xf32, #tpu.memory_space<hbm>>
    tpu.enqueue_indirect_dma source(%dma_start3A_44 : memref<10240x16xf32, #tpu.memory_space<hbm>>) target(%arg10 : memref<128x16xf32, #tpu.memory_space<vmem>>) offsets(%dma_start3A_41 : memref<128xi32, #tpu.memory_space<vmem>>) semaphore(%arg16 : memref<!tpu.dma_semaphore, #tpu.memory_space<semaphore_mem>>)
    %dma_start3A_45 = arith.constant 1 : i32
    %dma_start3A_46 = arith.constant 0 : i32
    %dma_start3A_47 = tpu.memref_slice %arg8[%dma_start3A_45, %dma_start3A_46] : memref<80x128xi32, #tpu.memory_space<vmem>> -> memref<1x128xi32, #tpu.memory_space<vmem>>
    %dma_start3A_48 = tpu.memref_squeeze %dma_start3A_47 : memref<1x128xi32, #tpu.memory_space<vmem>> -> memref<128xi32, #tpu.memory_space<vmem>>
    %dma_start3A_49 = arith.constant 0 : i32
    %dma_start3A_50 = arith.constant 0 : i32
    %dma_start3A_51 = tpu.memref_slice %arg2[%dma_start3A_49, %dma_start3A_50] : memref<10240x16xf32, #tpu.memory_space<hbm>> -> memref<10240x16xf32, #tpu.memory_space<hbm>>
    tpu.enqueue_indirect_dma source(%dma_start3A_51 : memref<10240x16xf32, #tpu.memory_space<hbm>>) target(%arg12 : memref<128x16xf32, #tpu.memory_space<vmem>>) offsets(%dma_start3A_48 : memref<128xi32, #tpu.memory_space<vmem>>) semaphore(%arg18 : memref<!tpu.dma_semaphore, #tpu.memory_space<semaphore_mem>>)
    %scan3A = arith.constant 0 : i32
    %scan3A_52 = arith.constant 0 : i32
    %scan3A_53 = arith.constant 40 : i32
    %scan3A_54 = arith.addi %scan3A_52, %scan3A_53 : i32
    %scan3A_55 = arith.constant 1 : i32
    scf.for %scan3A_75 = %scan3A_52 to %scan3A_54 step %scan3A_55  : i32 {
      %mul3A_76 = arith.constant 2 : i32
      %mul3A_77 = arith.muli %mul3A_76, %scan3A_75 : i32
      %add3A_78 = arith.constant 0 : i32
      %add3A_79 = arith.addi %mul3A_77, %add3A_78 : i32
      %ge3A = arith.constant 1 : i32
      %ge3A_80 = arith.cmpi sge, %scan3A_75, %ge3A : i32
      %convert_element_type3A = arith.extui %ge3A_80 : i1 to i32
      %cond3A = arith.constant 0 : i32
      %cond3A_81 = arith.cmpi ne, %convert_element_type3A, %cond3A : i32
      scf.if %cond3A_81 {
        %dma_wait3A_141 = arith.constant 0 : i32
        %dma_wait3A_142 = tpu.memref_slice %arg8[%add3A_79, %dma_wait3A_141] : memref<80x128xi32, #tpu.memory_space<vmem>> -> memref<1x128xi32, #tpu.memory_space<vmem>>
        %dma_wait3A_143 = tpu.memref_squeeze %dma_wait3A_142 : memref<1x128xi32, #tpu.memory_space<vmem>> -> memref<128xi32, #tpu.memory_space<vmem>>
        %dma_wait3A_144 = arith.constant 0 : i32
        %dma_wait3A_145 = arith.constant 0 : i32
        %dma_wait3A_146 = tpu.memref_slice %arg21[%dma_wait3A_144, %dma_wait3A_145] : memref<10240x16xf32, #tpu.memory_space<vmem_shared>> -> memref<10240x16xf32, #tpu.memory_space<vmem_shared>>
        tpu.wait_indirect_dma semaphore(%arg19 : memref<!tpu.dma_semaphore, #tpu.memory_space<semaphore_mem>>) src(%arg13 : memref<128x16xf32, #tpu.memory_space<vmem>>) dst(%dma_wait3A_146 : memref<10240x16xf32, #tpu.memory_space<vmem_shared>>)
      } else {
      }
      %dma_wait3A_82 = arith.constant 0 : i32
      %dma_wait3A_83 = tpu.memref_slice %arg7[%add3A_79, %dma_wait3A_82] : memref<80x128xi32, #tpu.memory_space<vmem>> -> memref<1x128xi32, #tpu.memory_space<vmem>>
      %dma_wait3A_84 = tpu.memref_squeeze %dma_wait3A_83 : memref<1x128xi32, #tpu.memory_space<vmem>> -> memref<128xi32, #tpu.memory_space<vmem>>
      %dma_wait3A_85 = arith.constant 0 : i32
      %dma_wait3A_86 = arith.constant 0 : i32
      %dma_wait3A_87 = tpu.memref_slice %arg2[%dma_wait3A_85, %dma_wait3A_86] : memref<10240x16xf32, #tpu.memory_space<hbm>> -> memref<10240x16xf32, #tpu.memory_space<hbm>>
      tpu.wait_indirect_dma semaphore(%arg15 : memref<!tpu.dma_semaphore, #tpu.memory_space<semaphore_mem>>) src(%dma_wait3A_87 : memref<10240x16xf32, #tpu.memory_space<hbm>>) dst(%arg9 : memref<128x16xf32, #tpu.memory_space<vmem>>)
      %dma_wait3A_88 = arith.constant 0 : i32
      %dma_wait3A_89 = tpu.memref_slice %arg8[%add3A_79, %dma_wait3A_88] : memref<80x128xi32, #tpu.memory_space<vmem>> -> memref<1x128xi32, #tpu.memory_space<vmem>>
      %dma_wait3A_90 = tpu.memref_squeeze %dma_wait3A_89 : memref<1x128xi32, #tpu.memory_space<vmem>> -> memref<128xi32, #tpu.memory_space<vmem>>
      %dma_wait3A_91 = arith.constant 0 : i32
      %dma_wait3A_92 = arith.constant 0 : i32
      %dma_wait3A_93 = tpu.memref_slice %arg2[%dma_wait3A_91, %dma_wait3A_92] : memref<10240x16xf32, #tpu.memory_space<hbm>> -> memref<10240x16xf32, #tpu.memory_space<hbm>>
      tpu.wait_indirect_dma semaphore(%arg17 : memref<!tpu.dma_semaphore, #tpu.memory_space<semaphore_mem>>) src(%dma_wait3A_93 : memref<10240x16xf32, #tpu.memory_space<hbm>>) dst(%arg11 : memref<128x16xf32, #tpu.memory_space<vmem>>)
      %parallel_loop3A = arith.constant 0 : i32
      %parallel_loop3A_94 = arith.constant 128 : i32
      %parallel_loop3A_95 = arith.constant 1 : i32
      scf.for %parallel_loop3A_141 = %parallel_loop3A to %parallel_loop3A_94 step %parallel_loop3A_95  : i32 {
        %parallel_loop3A_142 = arith.index_cast %parallel_loop3A_141 : i32 to index
        %parallel_loop3A_143 = arith.constant 0 : index
        %parallel_loop3A_144 = tpu.vector_load %arg9[%parallel_loop3A_142, %parallel_loop3A_143] {strides = array<i32>} : memref<128x16xf32, #tpu.memory_space<vmem>>, vector<1x16xf32>,
        %parallel_loop3A_145 = vector.shape_cast %parallel_loop3A_144 : vector<1x16xf32> to vector<16xf32>
        %parallel_loop3A_146 = arith.index_cast %parallel_loop3A_141 : i32 to index
        %parallel_loop3A_147 = arith.constant 0 : index
        %parallel_loop3A_148 = tpu.vector_load %arg11[%parallel_loop3A_146, %parallel_loop3A_147] {strides = array<i32>} : memref<128x16xf32, #tpu.memory_space<vmem>>, vector<1x16xf32>,
        %parallel_loop3A_149 = vector.shape_cast %parallel_loop3A_148 : vector<1x16xf32> to vector<16xf32>
        %parallel_loop3A_150 = vector.shape_cast %add3A_21 : vector<16xi32> to vector<16x1xi32>
        %parallel_loop3A_151 = vector.shape_cast %parallel_loop3A_150 : vector<16x1xi32> to vector<16xi32>
        %parallel_loop3A_152 = tpu.dynamic_gather %parallel_loop3A_145[%parallel_loop3A_151] in [0] : vector<16xf32>, vector<16xi32> -> vector<16xf32>
        %parallel_loop3A_153 = vector.shape_cast %add3A_24 : vector<16xi32> to vector<16x1xi32>
        %parallel_loop3A_154 = vector.shape_cast %parallel_loop3A_153 : vector<16x1xi32> to vector<16xi32>
        %parallel_loop3A_155 = tpu.dynamic_gather %parallel_loop3A_149[%parallel_loop3A_154] in [0] : vector<16xf32>, vector<16xi32> -> vector<16xf32>
        %parallel_loop3A_156 = arith.addf %parallel_loop3A_152, %parallel_loop3A_155 : vector<16xf32>
        %parallel_loop3A_157 = arith.constant 0.000000e+00 : f32
        %parallel_loop3A_158 = vector.broadcast %parallel_loop3A_157 : f32 to vector<16xf32>
        %parallel_loop3A_159 = arith.cmpf oge, %parallel_loop3A_156, %parallel_loop3A_158 : vector<16xf32>
        %parallel_loop3A_160 = arith.constant 2.000000e-01 : f32
        %parallel_loop3A_161 = vector.broadcast %parallel_loop3A_160 : f32 to vector<16xf32>
        %parallel_loop3A_162 = arith.mulf %parallel_loop3A_161, %parallel_loop3A_156 : vector<16xf32>
        %parallel_loop3A_163 = arith.select %parallel_loop3A_159, %parallel_loop3A_156, %parallel_loop3A_162 : vector<16xi1>, vector<16xf32>
        %parallel_loop3A_164 = math.exp %parallel_loop3A_163 : vector<16xf32>
        %parallel_loop3A_165 = vector.shape_cast %mul3A_15 : vector<16xi32> to vector<16x1xi32>
        %parallel_loop3A_166 = vector.shape_cast %parallel_loop3A_165 : vector<16x1xi32> to vector<16xi32>
        %parallel_loop3A_167 = tpu.dynamic_gather %parallel_loop3A_145[%parallel_loop3A_166] in [0] : vector<16xf32>, vector<16xi32> -> vector<16xf32>
        %parallel_loop3A_168 = vector.shape_cast %add3A_18 : vector<16xi32> to vector<16x1xi32>
        %parallel_loop3A_169 = vector.shape_cast %parallel_loop3A_168 : vector<16x1xi32> to vector<16xi32>
        %parallel_loop3A_170 = tpu.dynamic_gather %parallel_loop3A_145[%parallel_loop3A_169] in [0] : vector<16xf32>, vector<16xi32> -> vector<16xf32>
        %parallel_loop3A_171 = arith.constant 1.000000e+00 : f32
        %parallel_loop3A_172 = arith.constant 0.000000e+00 : f32
        %parallel_loop3A_173 = vector.broadcast %parallel_loop3A_171 : f32 to vector<16xf32>
        %parallel_loop3A_174 = vector.broadcast %parallel_loop3A_172 : f32 to vector<16xf32>
        %parallel_loop3A_175 = arith.select %eq3A_12, %parallel_loop3A_173, %parallel_loop3A_174 : vector<16xi1>, vector<16xf32>
        %parallel_loop3A_176 = arith.select %eq3A_9, %parallel_loop3A_170, %parallel_loop3A_175 : vector<16xi1>, vector<16xf32>
        %parallel_loop3A_177 = arith.select %eq3A_6, %parallel_loop3A_167, %parallel_loop3A_176 : vector<16xi1>, vector<16xf32>
        %parallel_loop3A_178 = arith.mulf %parallel_loop3A_164, %parallel_loop3A_177 : vector<16xf32>
        %parallel_loop3A_179 = arith.index_cast %parallel_loop3A_141 : i32 to index
        %parallel_loop3A_180 = arith.constant 0 : index
        %parallel_loop3A_181 = tpu.vector_load %arg13[%parallel_loop3A_179, %parallel_loop3A_180] {strides = array<i32>} : memref<128x16xf32, #tpu.memory_space<vmem>>, vector<1x16xf32>,
        %parallel_loop3A_182 = vector.shape_cast %parallel_loop3A_181 : vector<1x16xf32> to vector<16xf32>
        %parallel_loop3A_183 = vector.shape_cast %parallel_loop3A_178 : vector<16xf32> to vector<1x16xf32>
        tpu.vector_store %arg13[%parallel_loop3A_179, %parallel_loop3A_180], %parallel_loop3A_183 {strides = array<i32>} : memref<128x16xf32, #tpu.memory_space<vmem>>, vector<1x16xf32>,
      } {sc.loop_unroll_factor = 4 : i64, sc.parallel_access}
      %dma_start3A_96 = arith.constant 0 : i32
      %dma_start3A_97 = tpu.memref_slice %arg8[%add3A_79, %dma_start3A_96] : memref<80x128xi32, #tpu.memory_space<vmem>> -> memref<1x128xi32, #tpu.memory_space<vmem>>
      %dma_start3A_98 = tpu.memref_squeeze %dma_start3A_97 : memref<1x128xi32, #tpu.memory_space<vmem>> -> memref<128xi32, #tpu.memory_space<vmem>>
      %dma_start3A_99 = arith.constant 0 : i32
      %dma_start3A_100 = arith.constant 0 : i32
      %dma_start3A_101 = tpu.memref_slice %arg21[%dma_start3A_99, %dma_start3A_100] : memref<10240x16xf32, #tpu.memory_space<vmem_shared>> -> memref<10240x16xf32, #tpu.memory_space<vmem_shared>>
      tpu.enqueue_indirect_dma source(%arg13 : memref<128x16xf32, #tpu.memory_space<vmem>>) target(%dma_start3A_101 : memref<10240x16xf32, #tpu.memory_space<vmem_shared>>) offsets(%dma_start3A_98 : memref<128xi32, #tpu.memory_space<vmem>>) semaphore(%arg19 : memref<!tpu.dma_semaphore, #tpu.memory_space<semaphore_mem>>) {add = true}
      %lt3A = arith.constant 39 : i32
      %lt3A_102 = arith.cmpi slt, %scan3A_75, %lt3A : i32
      %convert_element_type3A_103 = arith.extui %lt3A_102 : i1 to i32
      %cond3A_104 = arith.constant 0 : i32
      %cond3A_105 = arith.cmpi ne, %convert_element_type3A_103, %cond3A_104 : i32
      scf.if %cond3A_105 {
        %add3A_141 = arith.constant 2 : i32
        %add3A_142 = arith.addi %add3A_79, %add3A_141 : i32
        %dma_start3A_143 = arith.constant 0 : i32
        %dma_start3A_144 = tpu.memref_slice %arg7[%add3A_142, %dma_start3A_143] : memref<80x128xi32, #tpu.memory_space<vmem>> -> memref<1x128xi32, #tpu.memory_space<vmem>>
        %dma_start3A_145 = tpu.memref_squeeze %dma_start3A_144 : memref<1x128xi32, #tpu.memory_space<vmem>> -> memref<128xi32, #tpu.memory_space<vmem>>
        %dma_start3A_146 = arith.constant 0 : i32
        %dma_start3A_147 = arith.constant 0 : i32
        %dma_start3A_148 = tpu.memref_slice %arg2[%dma_start3A_146, %dma_start3A_147] : memref<10240x16xf32, #tpu.memory_space<hbm>> -> memref<10240x16xf32, #tpu.memory_space<hbm>>
        tpu.enqueue_indirect_dma source(%dma_start3A_148 : memref<10240x16xf32, #tpu.memory_space<hbm>>) target(%arg9 : memref<128x16xf32, #tpu.memory_space<vmem>>) offsets(%dma_start3A_145 : memref<128xi32, #tpu.memory_space<vmem>>) semaphore(%arg15 : memref<!tpu.dma_semaphore, #tpu.memory_space<semaphore_mem>>)
        %add3A_149 = arith.constant 2 : i32
        %add3A_150 = arith.addi %add3A_79, %add3A_149 : i32
        %dma_start3A_151 = arith.constant 0 : i32
        %dma_start3A_152 = tpu.memref_slice %arg8[%add3A_150, %dma_start3A_151] : memref<80x128xi32, #tpu.memory_space<vmem>> -> memref<1x128xi32, #tpu.memory_space<vmem>>
        %dma_start3A_153 = tpu.memref_squeeze %dma_start3A_152 : memref<1x128xi32, #tpu.memory_space<vmem>> -> memref<128xi32, #tpu.memory_space<vmem>>
        %dma_start3A_154 = arith.constant 0 : i32
        %dma_start3A_155 = arith.constant 0 : i32
        %dma_start3A_156 = tpu.memref_slice %arg2[%dma_start3A_154, %dma_start3A_155] : memref<10240x16xf32, #tpu.memory_space<hbm>> -> memref<10240x16xf32, #tpu.memory_space<hbm>>
        tpu.enqueue_indirect_dma source(%dma_start3A_156 : memref<10240x16xf32, #tpu.memory_space<hbm>>) target(%arg11 : memref<128x16xf32, #tpu.memory_space<vmem>>) offsets(%dma_start3A_153 : memref<128xi32, #tpu.memory_space<vmem>>) semaphore(%arg17 : memref<!tpu.dma_semaphore, #tpu.memory_space<semaphore_mem>>)
      } else {
      }
      %mul3A_106 = arith.constant 2 : i32
      %mul3A_107 = arith.muli %mul3A_106, %scan3A_75 : i32
      %add3A_108 = arith.constant 1 : i32
      %add3A_109 = arith.addi %mul3A_107, %add3A_108 : i32
      %ge3A_110 = arith.constant 1 : i32
      %ge3A_111 = arith.cmpi sge, %scan3A_75, %ge3A_110 : i32
      %convert_element_type3A_112 = arith.extui %ge3A_111 : i1 to i32
      %cond3A_113 = arith.constant 0 : i32
      %cond3A_114 = arith.cmpi ne, %convert_element_type3A_112, %cond3A_113 : i32
      scf.if %cond3A_114 {
        %dma_wait3A_141 = arith.constant 0 : i32
        %dma_wait3A_142 = tpu.memref_slice %arg8[%add3A_109, %dma_wait3A_141] : memref<80x128xi32, #tpu.memory_space<vmem>> -> memref<1x128xi32, #tpu.memory_space<vmem>>
        %dma_wait3A_143 = tpu.memref_squeeze %dma_wait3A_142 : memref<1x128xi32, #tpu.memory_space<vmem>> -> memref<128xi32, #tpu.memory_space<vmem>>
        %dma_wait3A_144 = arith.constant 0 : i32
        %dma_wait3A_145 = arith.constant 0 : i32
        %dma_wait3A_146 = tpu.memref_slice %arg21[%dma_wait3A_144, %dma_wait3A_145] : memref<10240x16xf32, #tpu.memory_space<vmem_shared>> -> memref<10240x16xf32, #tpu.memory_space<vmem_shared>>
        tpu.wait_indirect_dma semaphore(%arg20 : memref<!tpu.dma_semaphore, #tpu.memory_space<semaphore_mem>>) src(%arg14 : memref<128x16xf32, #tpu.memory_space<vmem>>) dst(%dma_wait3A_146 : memref<10240x16xf32, #tpu.memory_space<vmem_shared>>)
      } else {
      }
      %dma_wait3A_115 = arith.constant 0 : i32
      %dma_wait3A_116 = tpu.memref_slice %arg7[%add3A_109, %dma_wait3A_115] : memref<80x128xi32, #tpu.memory_space<vmem>> -> memref<1x128xi32, #tpu.memory_space<vmem>>
      %dma_wait3A_117 = tpu.memref_squeeze %dma_wait3A_116 : memref<1x128xi32, #tpu.memory_space<vmem>> -> memref<128xi32, #tpu.memory_space<vmem>>
      %dma_wait3A_118 = arith.constant 0 : i32
      %dma_wait3A_119 = arith.constant 0 : i32
      %dma_wait3A_120 = tpu.memref_slice %arg2[%dma_wait3A_118, %dma_wait3A_119] : memref<10240x16xf32, #tpu.memory_space<hbm>> -> memref<10240x16xf32, #tpu.memory_space<hbm>>
      tpu.wait_indirect_dma semaphore(%arg16 : memref<!tpu.dma_semaphore, #tpu.memory_space<semaphore_mem>>) src(%dma_wait3A_120 : memref<10240x16xf32, #tpu.memory_space<hbm>>) dst(%arg10 : memref<128x16xf32, #tpu.memory_space<vmem>>)
      %dma_wait3A_121 = arith.constant 0 : i32
      %dma_wait3A_122 = tpu.memref_slice %arg8[%add3A_109, %dma_wait3A_121] : memref<80x128xi32, #tpu.memory_space<vmem>> -> memref<1x128xi32, #tpu.memory_space<vmem>>
      %dma_wait3A_123 = tpu.memref_squeeze %dma_wait3A_122 : memref<1x128xi32, #tpu.memory_space<vmem>> -> memref<128xi32, #tpu.memory_space<vmem>>
      %dma_wait3A_124 = arith.constant 0 : i32
      %dma_wait3A_125 = arith.constant 0 : i32
      %dma_wait3A_126 = tpu.memref_slice %arg2[%dma_wait3A_124, %dma_wait3A_125] : memref<10240x16xf32, #tpu.memory_space<hbm>> -> memref<10240x16xf32, #tpu.memory_space<hbm>>
      tpu.wait_indirect_dma semaphore(%arg18 : memref<!tpu.dma_semaphore, #tpu.memory_space<semaphore_mem>>) src(%dma_wait3A_126 : memref<10240x16xf32, #tpu.memory_space<hbm>>) dst(%arg12 : memref<128x16xf32, #tpu.memory_space<vmem>>)
      %parallel_loop3A_127 = arith.constant 0 : i32
      %parallel_loop3A_128 = arith.constant 128 : i32
      %parallel_loop3A_129 = arith.constant 1 : i32
      scf.for %parallel_loop3A_141 = %parallel_loop3A_127 to %parallel_loop3A_128 step %parallel_loop3A_129  : i32 {
        %parallel_loop3A_142 = arith.index_cast %parallel_loop3A_141 : i32 to index
        %parallel_loop3A_143 = arith.constant 0 : index
        %parallel_loop3A_144 = tpu.vector_load %arg10[%parallel_loop3A_142, %parallel_loop3A_143] {strides = array<i32>} : memref<128x16xf32, #tpu.memory_space<vmem>>, vector<1x16xf32>,
        %parallel_loop3A_145 = vector.shape_cast %parallel_loop3A_144 : vector<1x16xf32> to vector<16xf32>
        %parallel_loop3A_146 = arith.index_cast %parallel_loop3A_141 : i32 to index
        %parallel_loop3A_147 = arith.constant 0 : index
        %parallel_loop3A_148 = tpu.vector_load %arg12[%parallel_loop3A_146, %parallel_loop3A_147] {strides = array<i32>} : memref<128x16xf32, #tpu.memory_space<vmem>>, vector<1x16xf32>,
        %parallel_loop3A_149 = vector.shape_cast %parallel_loop3A_148 : vector<1x16xf32> to vector<16xf32>
        %parallel_loop3A_150 = vector.shape_cast %add3A_21 : vector<16xi32> to vector<16x1xi32>
        %parallel_loop3A_151 = vector.shape_cast %parallel_loop3A_150 : vector<16x1xi32> to vector<16xi32>
        %parallel_loop3A_152 = tpu.dynamic_gather %parallel_loop3A_145[%parallel_loop3A_151] in [0] : vector<16xf32>, vector<16xi32> -> vector<16xf32>
        %parallel_loop3A_153 = vector.shape_cast %add3A_24 : vector<16xi32> to vector<16x1xi32>
        %parallel_loop3A_154 = vector.shape_cast %parallel_loop3A_153 : vector<16x1xi32> to vector<16xi32>
        %parallel_loop3A_155 = tpu.dynamic_gather %parallel_loop3A_149[%parallel_loop3A_154] in [0] : vector<16xf32>, vector<16xi32> -> vector<16xf32>
        %parallel_loop3A_156 = arith.addf %parallel_loop3A_152, %parallel_loop3A_155 : vector<16xf32>
        %parallel_loop3A_157 = arith.constant 0.000000e+00 : f32
        %parallel_loop3A_158 = vector.broadcast %parallel_loop3A_157 : f32 to vector<16xf32>
        %parallel_loop3A_159 = arith.cmpf oge, %parallel_loop3A_156, %parallel_loop3A_158 : vector<16xf32>
        %parallel_loop3A_160 = arith.constant 2.000000e-01 : f32
        %parallel_loop3A_161 = vector.broadcast %parallel_loop3A_160 : f32 to vector<16xf32>
        %parallel_loop3A_162 = arith.mulf %parallel_loop3A_161, %parallel_loop3A_156 : vector<16xf32>
        %parallel_loop3A_163 = arith.select %parallel_loop3A_159, %parallel_loop3A_156, %parallel_loop3A_162 : vector<16xi1>, vector<16xf32>
        %parallel_loop3A_164 = math.exp %parallel_loop3A_163 : vector<16xf32>
        %parallel_loop3A_165 = vector.shape_cast %mul3A_15 : vector<16xi32> to vector<16x1xi32>
        %parallel_loop3A_166 = vector.shape_cast %parallel_loop3A_165 : vector<16x1xi32> to vector<16xi32>
        %parallel_loop3A_167 = tpu.dynamic_gather %parallel_loop3A_145[%parallel_loop3A_166] in [0] : vector<16xf32>, vector<16xi32> -> vector<16xf32>
        %parallel_loop3A_168 = vector.shape_cast %add3A_18 : vector<16xi32> to vector<16x1xi32>
        %parallel_loop3A_169 = vector.shape_cast %parallel_loop3A_168 : vector<16x1xi32> to vector<16xi32>
        %parallel_loop3A_170 = tpu.dynamic_gather %parallel_loop3A_145[%parallel_loop3A_169] in [0] : vector<16xf32>, vector<16xi32> -> vector<16xf32>
        %parallel_loop3A_171 = arith.constant 1.000000e+00 : f32
        %parallel_loop3A_172 = arith.constant 0.000000e+00 : f32
        %parallel_loop3A_173 = vector.broadcast %parallel_loop3A_171 : f32 to vector<16xf32>
        %parallel_loop3A_174 = vector.broadcast %parallel_loop3A_172 : f32 to vector<16xf32>
        %parallel_loop3A_175 = arith.select %eq3A_12, %parallel_loop3A_173, %parallel_loop3A_174 : vector<16xi1>, vector<16xf32>
        %parallel_loop3A_176 = arith.select %eq3A_9, %parallel_loop3A_170, %parallel_loop3A_175 : vector<16xi1>, vector<16xf32>
        %parallel_loop3A_177 = arith.select %eq3A_6, %parallel_loop3A_167, %parallel_loop3A_176 : vector<16xi1>, vector<16xf32>
        %parallel_loop3A_178 = arith.mulf %parallel_loop3A_164, %parallel_loop3A_177 : vector<16xf32>
        %parallel_loop3A_179 = arith.index_cast %parallel_loop3A_141 : i32 to index
        %parallel_loop3A_180 = arith.constant 0 : index
        %parallel_loop3A_181 = tpu.vector_load %arg14[%parallel_loop3A_179, %parallel_loop3A_180] {strides = array<i32>} : memref<128x16xf32, #tpu.memory_space<vmem>>, vector<1x16xf32>,
        %parallel_loop3A_182 = vector.shape_cast %parallel_loop3A_181 : vector<1x16xf32> to vector<16xf32>
        %parallel_loop3A_183 = vector.shape_cast %parallel_loop3A_178 : vector<16xf32> to vector<1x16xf32>
        tpu.vector_store %arg14[%parallel_loop3A_179, %parallel_loop3A_180], %parallel_loop3A_183 {strides = array<i32>} : memref<128x16xf32, #tpu.memory_space<vmem>>, vector<1x16xf32>,
      } {sc.loop_unroll_factor = 4 : i64, sc.parallel_access}
      %dma_start3A_130 = arith.constant 0 : i32
      %dma_start3A_131 = tpu.memref_slice %arg8[%add3A_109, %dma_start3A_130] : memref<80x128xi32, #tpu.memory_space<vmem>> -> memref<1x128xi32, #tpu.memory_space<vmem>>
      %dma_start3A_132 = tpu.memref_squeeze %dma_start3A_131 : memref<1x128xi32, #tpu.memory_space<vmem>> -> memref<128xi32, #tpu.memory_space<vmem>>
      %dma_start3A_133 = arith.constant 0 : i32
      %dma_start3A_134 = arith.constant 0 : i32
      %dma_start3A_135 = tpu.memref_slice %arg21[%dma_start3A_133, %dma_start3A_134] : memref<10240x16xf32, #tpu.memory_space<vmem_shared>> -> memref<10240x16xf32, #tpu.memory_space<vmem_shared>>
      tpu.enqueue_indirect_dma source(%arg14 : memref<128x16xf32, #tpu.memory_space<vmem>>) target(%dma_start3A_135 : memref<10240x16xf32, #tpu.memory_space<vmem_shared>>) offsets(%dma_start3A_132 : memref<128xi32, #tpu.memory_space<vmem>>) semaphore(%arg20 : memref<!tpu.dma_semaphore, #tpu.memory_space<semaphore_mem>>) {add = true}
      %lt3A_136 = arith.constant 39 : i32
      %lt3A_137 = arith.cmpi slt, %scan3A_75, %lt3A_136 : i32
      %convert_element_type3A_138 = arith.extui %lt3A_137 : i1 to i32
      %cond3A_139 = arith.constant 0 : i32
      %cond3A_140 = arith.cmpi ne, %convert_element_type3A_138, %cond3A_139 : i32
      scf.if %cond3A_140 {
        %add3A_141 = arith.constant 2 : i32
        %add3A_142 = arith.addi %add3A_109, %add3A_141 : i32
        %dma_start3A_143 = arith.constant 0 : i32
        %dma_start3A_144 = tpu.memref_slice %arg7[%add3A_142, %dma_start3A_143] : memref<80x128xi32, #tpu.memory_space<vmem>> -> memref<1x128xi32, #tpu.memory_space<vmem>>
        %dma_start3A_145 = tpu.memref_squeeze %dma_start3A_144 : memref<1x128xi32, #tpu.memory_space<vmem>> -> memref<128xi32, #tpu.memory_space<vmem>>
        %dma_start3A_146 = arith.constant 0 : i32
        %dma_start3A_147 = arith.constant 0 : i32
        %dma_start3A_148 = tpu.memref_slice %arg2[%dma_start3A_146, %dma_start3A_147] : memref<10240x16xf32, #tpu.memory_space<hbm>> -> memref<10240x16xf32, #tpu.memory_space<hbm>>
        tpu.enqueue_indirect_dma source(%dma_start3A_148 : memref<10240x16xf32, #tpu.memory_space<hbm>>) target(%arg10 : memref<128x16xf32, #tpu.memory_space<vmem>>) offsets(%dma_start3A_145 : memref<128xi32, #tpu.memory_space<vmem>>) semaphore(%arg16 : memref<!tpu.dma_semaphore, #tpu.memory_space<semaphore_mem>>)
        %add3A_149 = arith.constant 2 : i32
        %add3A_150 = arith.addi %add3A_109, %add3A_149 : i32
        %dma_start3A_151 = arith.constant 0 : i32
        %dma_start3A_152 = tpu.memref_slice %arg8[%add3A_150, %dma_start3A_151] : memref<80x128xi32, #tpu.memory_space<vmem>> -> memref<1x128xi32, #tpu.memory_space<vmem>>
        %dma_start3A_153 = tpu.memref_squeeze %dma_start3A_152 : memref<1x128xi32, #tpu.memory_space<vmem>> -> memref<128xi32, #tpu.memory_space<vmem>>
        %dma_start3A_154 = arith.constant 0 : i32
        %dma_start3A_155 = arith.constant 0 : i32
        %dma_start3A_156 = tpu.memref_slice %arg2[%dma_start3A_154, %dma_start3A_155] : memref<10240x16xf32, #tpu.memory_space<hbm>> -> memref<10240x16xf32, #tpu.memory_space<hbm>>
        tpu.enqueue_indirect_dma source(%dma_start3A_156 : memref<10240x16xf32, #tpu.memory_space<hbm>>) target(%arg12 : memref<128x16xf32, #tpu.memory_space<vmem>>) offsets(%dma_start3A_153 : memref<128xi32, #tpu.memory_space<vmem>>) semaphore(%arg18 : memref<!tpu.dma_semaphore, #tpu.memory_space<semaphore_mem>>)
      } else {
      }
    }
    %scan3A_56 = arith.constant 40 : i32
    %dma_wait3A = arith.constant 78 : i32
    %dma_wait3A_57 = arith.constant 0 : i32
    %dma_wait3A_58 = tpu.memref_slice %arg8[%dma_wait3A, %dma_wait3A_57] : memref<80x128xi32, #tpu.memory_space<vmem>> -> memref<1x128xi32, #tpu.memory_space<vmem>>
    %dma_wait3A_59 = tpu.memref_squeeze %dma_wait3A_58 : memref<1x128xi32, #tpu.memory_space<vmem>> -> memref<128xi32, #tpu.memory_space<vmem>>
    %dma_wait3A_60 = arith.constant 0 : i32
    %dma_wait3A_61 = arith.constant 0 : i32
    %dma_wait3A_62 = tpu.memref_slice %arg21[%dma_wait3A_60, %dma_wait3A_61] : memref<10240x16xf32, #tpu.memory_space<vmem_shared>> -> memref<10240x16xf32, #tpu.memory_space<vmem_shared>>
    tpu.wait_indirect_dma semaphore(%arg19 : memref<!tpu.dma_semaphore, #tpu.memory_space<semaphore_mem>>) src(%arg13 : memref<128x16xf32, #tpu.memory_space<vmem>>) dst(%dma_wait3A_62 : memref<10240x16xf32, #tpu.memory_space<vmem_shared>>)
    %dma_wait3A_63 = arith.constant 79 : i32
    %dma_wait3A_64 = arith.constant 0 : i32
    %dma_wait3A_65 = tpu.memref_slice %arg8[%dma_wait3A_63, %dma_wait3A_64] : memref<80x128xi32, #tpu.memory_space<vmem>> -> memref<1x128xi32, #tpu.memory_space<vmem>>
    %dma_wait3A_66 = tpu.memref_squeeze %dma_wait3A_65 : memref<1x128xi32, #tpu.memory_space<vmem>> -> memref<128xi32, #tpu.memory_space<vmem>>
    %dma_wait3A_67 = arith.constant 0 : i32
    %dma_wait3A_68 = arith.constant 0 : i32
    %dma_wait3A_69 = tpu.memref_slice %arg21[%dma_wait3A_67, %dma_wait3A_68] : memref<10240x16xf32, #tpu.memory_space<vmem_shared>> -> memref<10240x16xf32, #tpu.memory_space<vmem_shared>>
    tpu.wait_indirect_dma semaphore(%arg20 : memref<!tpu.dma_semaphore, #tpu.memory_space<semaphore_mem>>) src(%arg14 : memref<128x16xf32, #tpu.memory_space<vmem>>) dst(%dma_wait3A_69 : memref<10240x16xf32, #tpu.memory_space<vmem_shared>>)
    %barrier3A_70 = arith.constant 0 : index
    tpu.barrier barrier_id(%barrier3A_70)
    %mul3A_71 = arith.constant 640 : i32
    %mul3A_72 = arith.muli %arg1, %mul3A_71 : i32
    %mul3A_73 = arith.constant 640 : i32
    %mul3A_74 = arith.muli %arg1, %mul3A_73 : i32
    "tpu.region"() ({
      %run_scoped3A = tpu.sem_alloc : memref<!tpu.dma_semaphore, #tpu.memory_space<semaphore_mem>>
      %dma_start3A_75 = arith.constant 0 : i32
      %dma_start3A_76 = arith.constant 0 : i32
      %dma_start3A_77 = tpu.memref_slice %arg6[%arg0, %dma_start3A_75, %dma_start3A_76] : memref<2x10240x16xf32, #tpu.memory_space<hbm>> -> memref<1x10240x16xf32, #tpu.memory_space<hbm>>
      %dma_start3A_78 = tpu.memref_squeeze %dma_start3A_77 : memref<1x10240x16xf32, #tpu.memory_space<hbm>> -> memref<10240x16xf32, #tpu.memory_space<hbm>>
      %dma_start3A_79 = arith.constant 0 : i32
      %dma_start3A_80 = tpu.memref_slice %dma_start3A_78[%mul3A_74, %dma_start3A_79] : memref<10240x16xf32, #tpu.memory_space<hbm>> -> memref<640x16xf32, #tpu.memory_space<hbm>>
      %dma_start3A_81 = arith.constant 0 : i32
      %dma_start3A_82 = tpu.memref_slice %arg21[%mul3A_72, %dma_start3A_81] : memref<10240x16xf32, #tpu.memory_space<vmem_shared>> -> memref<640x16xf32, #tpu.memory_space<vmem_shared>>
      tpu.enqueue_dma source(%dma_start3A_82 : memref<640x16xf32, #tpu.memory_space<vmem_shared>>) target(%dma_start3A_80 : memref<640x16xf32, #tpu.memory_space<hbm>>) target_semaphore(%run_scoped3A : memref<!tpu.dma_semaphore, #tpu.memory_space<semaphore_mem>>)
      %dma_wait3A_83 = arith.constant 0 : i32
      %dma_wait3A_84 = arith.constant 0 : i32
      %dma_wait3A_85 = tpu.memref_slice %arg6[%arg0, %dma_wait3A_83, %dma_wait3A_84] : memref<2x10240x16xf32, #tpu.memory_space<hbm>> -> memref<1x10240x16xf32, #tpu.memory_space<hbm>>
      %dma_wait3A_86 = tpu.memref_squeeze %dma_wait3A_85 : memref<1x10240x16xf32, #tpu.memory_space<hbm>> -> memref<10240x16xf32, #tpu.memory_space<hbm>>
      %dma_wait3A_87 = arith.constant 0 : i32
      %dma_wait3A_88 = tpu.memref_slice %dma_wait3A_86[%mul3A_74, %dma_wait3A_87] : memref<10240x16xf32, #tpu.memory_space<hbm>> -> memref<640x16xf32, #tpu.memory_space<hbm>>
      %dma_wait3A_89 = arith.constant 0 : i32
      %dma_wait3A_90 = tpu.memref_slice %arg21[%mul3A_72, %dma_wait3A_89] : memref<10240x16xf32, #tpu.memory_space<vmem_shared>> -> memref<640x16xf32, #tpu.memory_space<vmem_shared>>
      tpu.wait_dma2 semaphore(%run_scoped3A : memref<!tpu.dma_semaphore, #tpu.memory_space<semaphore_mem>>) src(%dma_wait3A_90 : memref<640x16xf32, #tpu.memory_space<vmem_shared>>) dst(%dma_wait3A_88 : memref<640x16xf32, #tpu.memory_space<hbm>>)
      tpu.yield
    }) : () -> ()
    return
  }
}

module attributes {stable_mosaic.version = 14 : i64} {
  func.func @_dense1_body(%arg0: i32, %arg1: memref<1024x128xf32, #tpu.memory_space<vmem>>, %arg2: memref<128x64xf32, #tpu.memory_space<vmem>>, %arg3: memref<8x8xf32, #tpu.memory_space<vmem>>, %arg4: memref<8x8xf32, #tpu.memory_space<vmem>>, %arg5: memref<1024x80xf32, #tpu.memory_space<vmem>>, %arg6: memref<1024x16xf32, #tpu.memory_space<vmem>>) attributes {dimension_semantics = [#tpu.dimension_semantics<arbitrary>], iteration_bounds = array<i64: 10>, scalar_prefetch = 0 : i64, scratch_operands = 0 : i64, tpu.core_type = #tpu.core_type<tc>, window_params = [{transform_indices = @transform_0, window_bounds = array<i64: 1024, 128>}, {pipeline_mode = #tpu.pipeline_mode<synchronous>, transform_indices = @transform_1, window_bounds = array<i64: 128, 64>}, {pipeline_mode = #tpu.pipeline_mode<synchronous>, transform_indices = @transform_2, window_bounds = array<i64: 8, 8>}, {pipeline_mode = #tpu.pipeline_mode<synchronous>, transform_indices = @transform_3, window_bounds = array<i64: 8, 8>}, {transform_indices = @transform_4, window_bounds = array<i64: 1024, 80>}, {transform_indices = @transform_5, window_bounds = array<i64: 1024, 16>}]} {
    %get3A = arith.constant 0 : index
    %get3A_0 = arith.constant 0 : index
    %get3A_1 = vector.load %arg1[%get3A, %get3A_0] : memref<1024x128xf32, #tpu.memory_space<vmem>>, vector<1024x128xf32>
    %get3A_2 = arith.constant 0 : index
    %get3A_3 = arith.constant 0 : index
    %get3A_4 = vector.load %arg2[%get3A_2, %get3A_3] : memref<128x64xf32, #tpu.memory_space<vmem>>, vector<128x64xf32>
    %dot_general3A = arith.constant dense<0.000000e+00> : vector<1024x64xf32>
    %dot_general3A_5 = tpu.matmul %get3A_1, %get3A_4, %dot_general3A {dimension_numbers = #tpu.dot_dimension_numbers<[1], [0], [0], [1], [0, 0, 1, 1], [], []>, transpose_lhs_hint = false} : vector<1024x128xf32>, vector<128x64xf32>, vector<1024x64xf32> -> vector<1024x64xf32>
    %reshape3A = vector.shape_cast %dot_general3A_5 : vector<1024x64xf32> to vector<1024x8x8xf32>
    %get3A_6 = arith.constant 0 : index
    %get3A_7 = arith.constant 0 : index
    %get3A_8 = vector.load %arg3[%get3A_6, %get3A_7] : memref<8x8xf32, #tpu.memory_space<vmem>>, vector<8x8xf32>
    %broadcast_in_dim3A = vector.shape_cast %get3A_8 : vector<8x8xf32> to vector<1x8x8xf32>
    %mul3A = vector.broadcast %broadcast_in_dim3A : vector<1x8x8xf32> to vector<1024x8x8xf32>
    %mul3A_9 = arith.mulf %reshape3A, %mul3A : vector<1024x8x8xf32>
    %reduce_sum3A = arith.constant dense<0.000000e+00> : vector<1024x8xf32>
    %reduce_sum3A_10 = vector.multi_reduction <add>, %mul3A_9, %reduce_sum3A [2] : vector<1024x8x8xf32> to vector<1024x8xf32>
    %get3A_11 = arith.constant 0 : index
    %get3A_12 = arith.constant 0 : index
    %get3A_13 = vector.load %arg4[%get3A_11, %get3A_12] : memref<8x8xf32, #tpu.memory_space<vmem>>, vector<8x8xf32>
    %broadcast_in_dim3A_14 = vector.shape_cast %get3A_13 : vector<8x8xf32> to vector<1x8x8xf32>
    %mul3A_15 = vector.broadcast %broadcast_in_dim3A_14 : vector<1x8x8xf32> to vector<1024x8x8xf32>
    %mul3A_16 = arith.mulf %reshape3A, %mul3A_15 : vector<1024x8x8xf32>
    %reduce_sum3A_17 = arith.constant dense<0.000000e+00> : vector<1024x8xf32>
    %reduce_sum3A_18 = vector.multi_reduction <add>, %mul3A_16, %reduce_sum3A_17 [2] : vector<1024x8x8xf32> to vector<1024x8xf32>
    %broadcast_in_dim3A_19 = arith.constant 0.000000e+00 : f32
    %broadcast_in_dim3A_20 = vector.broadcast %broadcast_in_dim3A_19 : f32 to vector<1024x8xf32>
    %concatenate3A = tpu.concatenate %dot_general3A_5, %reduce_sum3A_10, %broadcast_in_dim3A_20 in 1 : vector<1024x64xf32>, vector<1024x8xf32>, vector<1024x8xf32> -> vector<1024x80xf32>
    %swap3A = arith.constant 0 : index
    %swap3A_21 = arith.constant 0 : index
    %swap3A_22 = vector.load %arg5[%swap3A, %swap3A_21] : memref<1024x80xf32, #tpu.memory_space<vmem>>, vector<1024x80xf32>
    tpu.vector_store %arg5[%swap3A, %swap3A_21], %concatenate3A {strides = array<i32>} : memref<1024x80xf32, #tpu.memory_space<vmem>>, vector<1024x80xf32>,
    %concatenate3A_23 = tpu.concatenate %reduce_sum3A_18, %broadcast_in_dim3A_20 in 1 : vector<1024x8xf32>, vector<1024x8xf32> -> vector<1024x16xf32>
    %swap3A_24 = arith.constant 0 : index
    %swap3A_25 = arith.constant 0 : index
    %swap3A_26 = vector.load %arg6[%swap3A_24, %swap3A_25] : memref<1024x16xf32, #tpu.memory_space<vmem>>, vector<1024x16xf32>
    tpu.vector_store %arg6[%swap3A_24, %swap3A_25], %concatenate3A_23 {strides = array<i32>} : memref<1024x16xf32, #tpu.memory_space<vmem>>, vector<1024x16xf32>,
    return
  }
  func.func @transform_0(%arg0: i32) -> (i32, i32) {
    %c0_i32 = arith.constant 0 : i32
    %c0_i32_0 = arith.constant 0 : i32
    return %arg0, %c0_i32 : i32, i32
  }
  func.func @transform_1(%arg0: i32) -> (i32, i32) {
    %c0_i32 = arith.constant 0 : i32
    %c0_i32_0 = arith.constant 0 : i32
    %c0_i32_1 = arith.constant 0 : i32
    return %c0_i32, %c0_i32_0 : i32, i32
  }
  func.func @transform_2(%arg0: i32) -> (i32, i32) {
    %c0_i32 = arith.constant 0 : i32
    %c0_i32_0 = arith.constant 0 : i32
    %c0_i32_1 = arith.constant 0 : i32
    return %c0_i32, %c0_i32_0 : i32, i32
  }
  func.func @transform_3(%arg0: i32) -> (i32, i32) {
    %c0_i32 = arith.constant 0 : i32
    %c0_i32_0 = arith.constant 0 : i32
    %c0_i32_1 = arith.constant 0 : i32
    return %c0_i32, %c0_i32_0 : i32, i32
  }
  func.func @transform_4(%arg0: i32) -> (i32, i32) {
    %c0_i32 = arith.constant 0 : i32
    %c0_i32_0 = arith.constant 0 : i32
    return %arg0, %c0_i32 : i32, i32
  }
  func.func @transform_5(%arg0: i32) -> (i32, i32) {
    %c0_i32 = arith.constant 0 : i32
    %c0_i32_0 = arith.constant 0 : i32
    return %arg0, %c0_i32 : i32, i32
  }
}

module attributes {stable_mosaic.version = 14 : i64} {
  func.func @_combine1_body(%arg0: i32, %arg1: memref<1024x80xf32, #tpu.memory_space<vmem>>, %arg2: memref<1024x80xf32, #tpu.memory_space<vmem>>, %arg3: memref<1024x80xf32, #tpu.memory_space<vmem>>, %arg4: memref<1024x16xf32, #tpu.memory_space<vmem>>, %arg5: memref<1x64xf32, #tpu.memory_space<vmem>>, %arg6: memref<64x2xf32, #tpu.memory_space<vmem>>, %arg7: memref<1x2xf32, #tpu.memory_space<vmem>>, %arg8: memref<1x2xf32, #tpu.memory_space<vmem>>, %arg9: memref<1024x16xf32, #tpu.memory_space<vmem>>) attributes {dimension_semantics = [#tpu.dimension_semantics<arbitrary>], iteration_bounds = array<i64: 10>, scalar_prefetch = 0 : i64, scratch_operands = 0 : i64, tpu.core_type = #tpu.core_type<tc>, window_params = [{transform_indices = @transform_0, window_bounds = array<i64: 1024, 80>}, {transform_indices = @transform_1, window_bounds = array<i64: 1024, 80>}, {transform_indices = @transform_2, window_bounds = array<i64: 1024, 80>}, {transform_indices = @transform_3, window_bounds = array<i64: 1024, 16>}, {pipeline_mode = #tpu.pipeline_mode<synchronous>, transform_indices = @transform_4, window_bounds = array<i64: 1, 64>}, {pipeline_mode = #tpu.pipeline_mode<synchronous>, transform_indices = @transform_5, window_bounds = array<i64: 64, 2>}, {pipeline_mode = #tpu.pipeline_mode<synchronous>, transform_indices = @transform_6, window_bounds = array<i64: 1, 2>}, {pipeline_mode = #tpu.pipeline_mode<synchronous>, transform_indices = @transform_7, window_bounds = array<i64: 1, 2>}, {transform_indices = @transform_8, window_bounds = array<i64: 1024, 16>}]} {
    %get3A = arith.constant 0 : index
    %get3A_0 = arith.constant 0 : index
    %get3A_1 = vector.load %arg1[%get3A, %get3A_0] : memref<1024x80xf32, #tpu.memory_space<vmem>>, vector<1024x80xf32>
    %get3A_2 = arith.constant 0 : index
    %get3A_3 = arith.constant 0 : index
    %get3A_4 = vector.load %arg2[%get3A_2, %get3A_3] : memref<1024x80xf32, #tpu.memory_space<vmem>>, vector<1024x80xf32>
    %add3A = arith.addf %get3A_1, %get3A_4 : vector<1024x80xf32>
    %get3A_5 = arith.constant 0 : index
    %get3A_6 = arith.constant 0 : index
    %get3A_7 = vector.load %arg3[%get3A_5, %get3A_6] : memref<1024x80xf32, #tpu.memory_space<vmem>>, vector<1024x64xf32>
    %get3A_8 = arith.constant 0 : index
    %get3A_9 = arith.constant 64 : index
    %get3A_10 = vector.load %arg3[%get3A_8, %get3A_9] : memref<1024x80xf32, #tpu.memory_space<vmem>>, vector<1024x8xf32>
    %get3A_11 = arith.constant 0 : index
    %get3A_12 = arith.constant 0 : index
    %get3A_13 = vector.load %arg4[%get3A_11, %get3A_12] : memref<1024x16xf32, #tpu.memory_space<vmem>>, vector<1024x8xf32>
    %add3A_14 = arith.addf %get3A_10, %get3A_13 : vector<1024x8xf32>
    %ge3A = arith.constant 0.000000e+00 : f32
    %ge3A_15 = vector.broadcast %ge3A : f32 to vector<1024x8xf32>
    %ge3A_16 = arith.cmpf oge, %add3A_14, %ge3A_15 : vector<1024x8xf32>
    %mul3A = arith.constant 2.000000e-01 : f32
    %mul3A_17 = vector.broadcast %mul3A : f32 to vector<1024x8xf32>
    %mul3A_18 = arith.mulf %mul3A_17, %add3A_14 : vector<1024x8xf32>
    %select_n3A = arith.select %ge3A_16, %add3A_14, %mul3A_18 : vector<1024x8xi1>, vector<1024x8xf32>
    %exp3A = math.exp %select_n3A : vector<1024x8xf32>
    %slice3A = vector.extract_strided_slice %add3A {offsets = [0, 0], sizes = [1024, 64], strides = [1, 1]} : vector<1024x80xf32> to vector<1024x64xf32>
    %reshape3A = vector.shape_cast %slice3A : vector<1024x64xf32> to vector<1024x8x8xf32>
    %broadcast_in_dim3A = vector.shape_cast %exp3A : vector<1024x8xf32> to vector<1024x8x1xf32>
    %reshape3A_19 = vector.shape_cast %get3A_7 : vector<1024x64xf32> to vector<1024x8x8xf32>
    %mul3A_20 = vector.broadcast %broadcast_in_dim3A : vector<1024x8x1xf32> to vector<1024x8x8xf32>
    %mul3A_21 = arith.mulf %mul3A_20, %reshape3A_19 : vector<1024x8x8xf32>
    %add3A_22 = arith.addf %reshape3A, %mul3A_21 : vector<1024x8x8xf32>
    %slice3A_23 = vector.extract_strided_slice %add3A {offsets = [0, 64], sizes = [1024, 8], strides = [1, 1]} : vector<1024x80xf32> to vector<1024x8xf32>
    %add3A_24 = arith.addf %slice3A_23, %exp3A : vector<1024x8xf32>
    %broadcast_in_dim3A_25 = vector.shape_cast %add3A_24 : vector<1024x8xf32> to vector<1024x8x1xf32>
    %add3A_26 = arith.constant 1.000000e-16 : f32
    %add3A_27 = vector.broadcast %add3A_26 : f32 to vector<1024x8x1xf32>
    %add3A_28 = arith.addf %broadcast_in_dim3A_25, %add3A_27 : vector<1024x8x1xf32>
    %div3A = vector.broadcast %add3A_28 : vector<1024x8x1xf32> to vector<1024x8x8xf32>
    %div3A_29 = arith.divf %add3A_22, %div3A : vector<1024x8x8xf32>
    %reshape3A_30 = vector.shape_cast %div3A_29 : vector<1024x8x8xf32> to vector<1024x64xf32>
    %get3A_31 = arith.constant 0 : index
    %get3A_32 = arith.constant 0 : index
    %get3A_33 = vector.load %arg5[%get3A_31, %get3A_32] : memref<1x64xf32, #tpu.memory_space<vmem>>, vector<1x64xf32>
    %add3A_34 = vector.broadcast %get3A_33 : vector<1x64xf32> to vector<1024x64xf32>
    %add3A_35 = arith.addf %reshape3A_30, %add3A_34 : vector<1024x64xf32>
    %gt3A = arith.constant 0.000000e+00 : f32
    %gt3A_36 = vector.broadcast %gt3A : f32 to vector<1024x64xf32>
    %gt3A_37 = arith.cmpf ogt, %add3A_35, %gt3A_36 : vector<1024x64xf32>
    %min3A = arith.constant 0.000000e+00 : f32
    %min3A_38 = vector.broadcast %min3A : f32 to vector<1024x64xf32>
    %min3A_39 = arith.minimumf %add3A_35, %min3A_38 : vector<1024x64xf32>
    %exp3A_40 = math.exp %min3A_39 : vector<1024x64xf32>
    %sub3A = arith.constant 1.000000e+00 : f32
    %sub3A_41 = vector.broadcast %sub3A : f32 to vector<1024x64xf32>
    %sub3A_42 = arith.subf %exp3A_40, %sub3A_41 : vector<1024x64xf32>
    %select_n3A_43 = arith.select %gt3A_37, %add3A_35, %sub3A_42 : vector<1024x64xi1>, vector<1024x64xf32>
    %get3A_44 = arith.constant 0 : index
    %get3A_45 = arith.constant 0 : index
    %get3A_46 = vector.load %arg6[%get3A_44, %get3A_45] : memref<64x2xf32, #tpu.memory_space<vmem>>, vector<64x2xf32>
    %dot_general3A = arith.constant dense<0.000000e+00> : vector<1024x2xf32>
    %dot_general3A_47 = tpu.matmul %select_n3A_43, %get3A_46, %dot_general3A {dimension_numbers = #tpu.dot_dimension_numbers<[1], [0], [0], [1], [0, 0, 1, 1], [], []>, transpose_lhs_hint = false} : vector<1024x64xf32>, vector<64x2xf32>, vector<1024x2xf32> -> vector<1024x2xf32>
    %reshape3A_48 = vector.shape_cast %dot_general3A_47 : vector<1024x2xf32> to vector<1024x1x2xf32>
    %get3A_49 = arith.constant 0 : index
    %get3A_50 = arith.constant 0 : index
    %get3A_51 = vector.load %arg7[%get3A_49, %get3A_50] : memref<1x2xf32, #tpu.memory_space<vmem>>, vector<1x2xf32>
    %broadcast_in_dim3A_52 = vector.shape_cast %get3A_51 : vector<1x2xf32> to vector<1x1x2xf32>
    %mul3A_53 = vector.broadcast %broadcast_in_dim3A_52 : vector<1x1x2xf32> to vector<1024x1x2xf32>
    %mul3A_54 = arith.mulf %reshape3A_48, %mul3A_53 : vector<1024x1x2xf32>
    %reduce_sum3A = arith.constant dense<0.000000e+00> : vector<1024x1xf32>
    %reduce_sum3A_55 = vector.multi_reduction <add>, %mul3A_54, %reduce_sum3A [2] : vector<1024x1x2xf32> to vector<1024x1xf32>
    %get3A_56 = arith.constant 0 : index
    %get3A_57 = arith.constant 0 : index
    %get3A_58 = vector.load %arg8[%get3A_56, %get3A_57] : memref<1x2xf32, #tpu.memory_space<vmem>>, vector<1x2xf32>
    %broadcast_in_dim3A_59 = vector.shape_cast %get3A_58 : vector<1x2xf32> to vector<1x1x2xf32>
    %mul3A_60 = vector.broadcast %broadcast_in_dim3A_59 : vector<1x1x2xf32> to vector<1024x1x2xf32>
    %mul3A_61 = arith.mulf %reshape3A_48, %mul3A_60 : vector<1024x1x2xf32>
    %reduce_sum3A_62 = arith.constant dense<0.000000e+00> : vector<1024x1xf32>
    %reduce_sum3A_63 = vector.multi_reduction <add>, %mul3A_61, %reduce_sum3A_62 [2] : vector<1024x1x2xf32> to vector<1024x1xf32>
    %broadcast_in_dim3A_64 = arith.constant 0.000000e+00 : f32
    %broadcast_in_dim3A_65 = vector.broadcast %broadcast_in_dim3A_64 : f32 to vector<1024x12xf32>
    %concatenate3A = tpu.concatenate %dot_general3A_47, %reduce_sum3A_55, %reduce_sum3A_63, %broadcast_in_dim3A_65 in 1 : vector<1024x2xf32>, vector<1024x1xf32>, vector<1024x1xf32>, vector<1024x12xf32> -> vector<1024x16xf32>
    %swap3A = arith.constant 0 : index
    %swap3A_66 = arith.constant 0 : index
    %swap3A_67 = vector.load %arg9[%swap3A, %swap3A_66] : memref<1024x16xf32, #tpu.memory_space<vmem>>, vector<1024x16xf32>
    tpu.vector_store %arg9[%swap3A, %swap3A_66], %concatenate3A {strides = array<i32>} : memref<1024x16xf32, #tpu.memory_space<vmem>>, vector<1024x16xf32>,
    return
  }
  func.func @transform_0(%arg0: i32) -> (i32, i32) {
    %c0_i32 = arith.constant 0 : i32
    %c0_i32_0 = arith.constant 0 : i32
    return %arg0, %c0_i32 : i32, i32
  }
  func.func @transform_1(%arg0: i32) -> (i32, i32) {
    %c0_i32 = arith.constant 0 : i32
    %c0_i32_0 = arith.constant 0 : i32
    return %arg0, %c0_i32 : i32, i32
  }
  func.func @transform_2(%arg0: i32) -> (i32, i32) {
    %c0_i32 = arith.constant 0 : i32
    %c0_i32_0 = arith.constant 0 : i32
    return %arg0, %c0_i32 : i32, i32
  }
  func.func @transform_3(%arg0: i32) -> (i32, i32) {
    %c0_i32 = arith.constant 0 : i32
    %c0_i32_0 = arith.constant 0 : i32
    return %arg0, %c0_i32 : i32, i32
  }
  func.func @transform_4(%arg0: i32) -> (i32, i32) {
    %c0_i32 = arith.constant 0 : i32
    %c0_i32_0 = arith.constant 0 : i32
    %c0_i32_1 = arith.constant 0 : i32
    return %c0_i32, %c0_i32_0 : i32, i32
  }
  func.func @transform_5(%arg0: i32) -> (i32, i32) {
    %c0_i32 = arith.constant 0 : i32
    %c0_i32_0 = arith.constant 0 : i32
    %c0_i32_1 = arith.constant 0 : i32
    return %c0_i32, %c0_i32_0 : i32, i32
  }
  func.func @transform_6(%arg0: i32) -> (i32, i32) {
    %c0_i32 = arith.constant 0 : i32
    %c0_i32_0 = arith.constant 0 : i32
    %c0_i32_1 = arith.constant 0 : i32
    return %c0_i32, %c0_i32_0 : i32, i32
  }
  func.func @transform_7(%arg0: i32) -> (i32, i32) {
    %c0_i32 = arith.constant 0 : i32
    %c0_i32_0 = arith.constant 0 : i32
    %c0_i32_1 = arith.constant 0 : i32
    return %c0_i32, %c0_i32_0 : i32, i32
  }
  func.func @transform_8(%arg0: i32) -> (i32, i32) {
    %c0_i32 = arith.constant 0 : i32
    %c0_i32_0 = arith.constant 0 : i32
    return %arg0, %c0_i32 : i32, i32
  }
}

module attributes {stable_mosaic.version = 14 : i64} {
  func.func @_final_body(%arg0: i32, %arg1: memref<1024x16xf32, #tpu.memory_space<vmem>>, %arg2: memref<1024x16xf32, #tpu.memory_space<vmem>>, %arg3: memref<1024x16xf32, #tpu.memory_space<vmem>>, %arg4: memref<1x2xf32, #tpu.memory_space<vmem>>, %arg5: memref<1024x2xf32, #tpu.memory_space<vmem>>) attributes {dimension_semantics = [#tpu.dimension_semantics<arbitrary>], iteration_bounds = array<i64: 10>, scalar_prefetch = 0 : i64, scratch_operands = 0 : i64, tpu.core_type = #tpu.core_type<tc>, window_params = [{transform_indices = @transform_0, window_bounds = array<i64: 1024, 16>}, {transform_indices = @transform_1, window_bounds = array<i64: 1024, 16>}, {transform_indices = @transform_2, window_bounds = array<i64: 1024, 16>}, {pipeline_mode = #tpu.pipeline_mode<synchronous>, transform_indices = @transform_3, window_bounds = array<i64: 1, 2>}, {transform_indices = @transform_4, window_bounds = array<i64: 1024, 2>}]} {
    %get3A = arith.constant 0 : index
    %get3A_0 = arith.constant 0 : index
    %get3A_1 = vector.load %arg1[%get3A, %get3A_0] : memref<1024x16xf32, #tpu.memory_space<vmem>>, vector<1024x16xf32>
    %get3A_2 = arith.constant 0 : index
    %get3A_3 = arith.constant 0 : index
    %get3A_4 = vector.load %arg2[%get3A_2, %get3A_3] : memref<1024x16xf32, #tpu.memory_space<vmem>>, vector<1024x16xf32>
    %add3A = arith.addf %get3A_1, %get3A_4 : vector<1024x16xf32>
    %get3A_5 = arith.constant 0 : index
    %get3A_6 = arith.constant 0 : index
    %get3A_7 = vector.load %arg3[%get3A_5, %get3A_6] : memref<1024x16xf32, #tpu.memory_space<vmem>>, vector<1024x2xf32>
    %get3A_8 = arith.constant 0 : index
    %get3A_9 = arith.constant 2 : index
    %get3A_10 = vector.load %arg3[%get3A_8, %get3A_9] : memref<1024x16xf32, #tpu.memory_space<vmem>>, vector<1024x1xf32>
    %get3A_11 = arith.constant 0 : index
    %get3A_12 = arith.constant 3 : index
    %get3A_13 = vector.load %arg3[%get3A_11, %get3A_12] : memref<1024x16xf32, #tpu.memory_space<vmem>>, vector<1024x1xf32>
    %add3A_14 = arith.addf %get3A_10, %get3A_13 : vector<1024x1xf32>
    %ge3A = arith.constant 0.000000e+00 : f32
    %ge3A_15 = vector.broadcast %ge3A : f32 to vector<1024x1xf32>
    %ge3A_16 = arith.cmpf oge, %add3A_14, %ge3A_15 : vector<1024x1xf32>
    %mul3A = arith.constant 2.000000e-01 : f32
    %mul3A_17 = vector.broadcast %mul3A : f32 to vector<1024x1xf32>
    %mul3A_18 = arith.mulf %mul3A_17, %add3A_14 : vector<1024x1xf32>
    %select_n3A = arith.select %ge3A_16, %add3A_14, %mul3A_18 : vector<1024x1xi1>, vector<1024x1xf32>
    %exp3A = math.exp %select_n3A : vector<1024x1xf32>
    %slice3A = vector.extract_strided_slice %add3A {offsets = [0, 0], sizes = [1024, 2], strides = [1, 1]} : vector<1024x16xf32> to vector<1024x2xf32>
    %mul3A_19 = vector.broadcast %exp3A : vector<1024x1xf32> to vector<1024x2xf32>
    %mul3A_20 = arith.mulf %mul3A_19, %get3A_7 : vector<1024x2xf32>
    %add3A_21 = arith.addf %slice3A, %mul3A_20 : vector<1024x2xf32>
    %slice3A_22 = vector.extract_strided_slice %add3A {offsets = [0, 2], sizes = [1024, 1], strides = [1, 1]} : vector<1024x16xf32> to vector<1024x1xf32>
    %add3A_23 = arith.addf %slice3A_22, %exp3A : vector<1024x1xf32>
    %add3A_24 = arith.constant 1.000000e-16 : f32
    %add3A_25 = vector.broadcast %add3A_24 : f32 to vector<1024x1xf32>
    %add3A_26 = arith.addf %add3A_23, %add3A_25 : vector<1024x1xf32>
    %div3A = vector.broadcast %add3A_26 : vector<1024x1xf32> to vector<1024x2xf32>
    %div3A_27 = arith.divf %add3A_21, %div3A : vector<1024x2xf32>
    %get3A_28 = arith.constant 0 : index
    %get3A_29 = arith.constant 0 : index
    %get3A_30 = vector.load %arg4[%get3A_28, %get3A_29] : memref<1x2xf32, #tpu.memory_space<vmem>>, vector<1x2xf32>
    %add3A_31 = vector.broadcast %get3A_30 : vector<1x2xf32> to vector<1024x2xf32>
    %add3A_32 = arith.addf %div3A_27, %add3A_31 : vector<1024x2xf32>
    %reduce_max3A = arith.constant dense<0xFF800000> : vector<1024xf32>
    %reduce_max3A_33 = vector.multi_reduction <maximumf>, %add3A_32, %reduce_max3A [1] : vector<1024x2xf32> to vector<1024xf32>
    %broadcast_in_dim3A = vector.shape_cast %reduce_max3A_33 : vector<1024xf32> to vector<1024x1xf32>
    %sub3A = vector.broadcast %broadcast_in_dim3A : vector<1024x1xf32> to vector<1024x2xf32>
    %sub3A_34 = arith.subf %add3A_32, %sub3A : vector<1024x2xf32>
    %sub3A_35 = vector.broadcast %broadcast_in_dim3A : vector<1024x1xf32> to vector<1024x2xf32>
    %sub3A_36 = arith.subf %add3A_32, %sub3A_35 : vector<1024x2xf32>
    %exp3A_37 = math.exp %sub3A_36 : vector<1024x2xf32>
    %reduce_sum3A = arith.constant dense<0.000000e+00> : vector<1024xf32>
    %reduce_sum3A_38 = vector.multi_reduction <add>, %exp3A_37, %reduce_sum3A [1] : vector<1024x2xf32> to vector<1024xf32>
    %broadcast_in_dim3A_39 = vector.shape_cast %reduce_sum3A_38 : vector<1024xf32> to vector<1024x1xf32>
    %log3A = math.log %broadcast_in_dim3A_39 : vector<1024x1xf32>
    %sub3A_40 = vector.broadcast %log3A : vector<1024x1xf32> to vector<1024x2xf32>
    %sub3A_41 = arith.subf %sub3A_34, %sub3A_40 : vector<1024x2xf32>
    %swap3A = arith.constant 0 : index
    %swap3A_42 = arith.constant 0 : index
    %swap3A_43 = vector.load %arg5[%swap3A, %swap3A_42] : memref<1024x2xf32, #tpu.memory_space<vmem>>, vector<1024x2xf32>
    tpu.vector_store %arg5[%swap3A, %swap3A_42], %sub3A_41 {strides = array<i32>} : memref<1024x2xf32, #tpu.memory_space<vmem>>, vector<1024x2xf32>,
    return
  }
  func.func @transform_0(%arg0: i32) -> (i32, i32) {
    %c0_i32 = arith.constant 0 : i32
    %c0_i32_0 = arith.constant 0 : i32
    return %arg0, %c0_i32 : i32, i32
  }
  func.func @transform_1(%arg0: i32) -> (i32, i32) {
    %c0_i32 = arith.constant 0 : i32
    %c0_i32_0 = arith.constant 0 : i32
    return %arg0, %c0_i32 : i32, i32
  }
  func.func @transform_2(%arg0: i32) -> (i32, i32) {
    %c0_i32 = arith.constant 0 : i32
    %c0_i32_0 = arith.constant 0 : i32
    return %arg0, %c0_i32 : i32, i32
  }
  func.func @transform_3(%arg0: i32) -> (i32, i32) {
    %c0_i32 = arith.constant 0 : i32
    %c0_i32_0 = arith.constant 0 : i32
    %c0_i32_1 = arith.constant 0 : i32
    return %c0_i32, %c0_i32_0 : i32, i32
  }
  func.func @transform_4(%arg0: i32) -> (i32, i32) {
    %c0_i32 = arith.constant 0 : i32
    %c0_i32_0 = arith.constant 0 : i32
    return %arg0, %c0_i32 : i32, i32
  }
}

</mosaic_0001>

<sc_bundles>
// kernel: kernel.10.cloned.1.call-start
scs
__scs_entry_jumppad:
0x0: {  	(pc) =	sbr.rel $0x88, $3  }
0x1: {  	(tag) =	ssettag $0x0;
	lr =	simm.s32 $0x1  }
0x2: {  	[smem:$0x3F97] =	sst lr;
	_ =	strace $0xD0000000  }
0x3: {  	_ = 	snop  }
0x4: {  	_ = 	snop  }
0x5: {  	_ = 	snop  }
0x6: {  	_ = 	snop  }
0x7: {  	_ = 	snop  }
__scs_overlays_trampoline_lowered:
0x8: {  	[smem:$0x3FA6] =	sst s0  }
0x9: {  	[smem:$0x3FA7] =	sst s1  }
0xa: {  	[smem:$0x3FA8] =	sst s2  }
0xb: {  	[smem:$0x3FA9] =	sst s3  }
0xc: {  	[smem:$0x3FAA] =	sst s4  }
0xd: {  	[smem:$0x3FAB] =	sst s5  }
0xe: {  	[smem:$0x3FAC] =	sst s6  }
0xf: {  	[smem:$0x3FAD] =	sst s7  }
0x10: {  	[smem:$0x3FAE] =	sst s8  }
0x11: {  	[smem:$0x3FAF] =	sst s9;
	s0 =	simm.s32 @!p0 $0x0  }
0x12: {  	s1 =	sld [smem:$0x3F95];
	s0 =	simm.s32 @p0 $0x1  }
0x13: {  	[smem:$0x3FB0] =	sst s0;
	s0 =	simm.s32 @!p1 $0x0  }
0x14: {  	s2 =	sld [smem:$0x3F94];
	s0 =	simm.s32 @p1 $0x1  }
0x15: {  	[smem:$0x3FB1] =	sst s0;
	s0 =	simm.s32 @!p2 $0x0  }
0x16: {  	s3 =	sld [smem:$0x3FDB];
	s0 =	simm.s32 @p2 $0x1  }
0x17: {  	s4 =	simm.s32 $0x1BF5;
	[smem:$0x3FB3] =	sst s0  }
0x18: {  	s0 =	sld [smem:$0x3F96];
	_ =	swait.ge [sflag:s4], $0x0  }
0x19: {  	s7 =	sld [smem:$0x3F97]  }
0x1a: {  	s8 =	sadd.s32 $0xFFFFE003, lr  }
0x1b: {  	s9 =	sadd.s32 $0xFFFFFEF7, lr;
	s5 =	simm.s32 $0xFFFFFFFF;
	p2 =	slt.u32 s8, $0xFFFFF086  }
0x1c: {  	p1 =	slt.u32 s9, $0xF7A;
	s5 =	simm.s32 @!p2 $0x0  }
0x1d: {  	s5 =	simm.s32 @p1 $0x1;
	p0 =	seq.s32 s7, s2  }
0x1e: {  	s7 =	smul.u32 @!p0 $0xF7A, s2;
	p2 =	seq.s32 @!p0 s5, $0x0  }
0x1f: {  	s9 =	smul.u32 $0xF7A, s1;
	s8 =	simm.s32 @!p0 $0x1BF5;
	p2 =	por !p2, p0  }
0x20: {  	[sflag:s8] =	ssyncset.s32 @!p0 $0xFFFFF086;
	s6 =	sadd.s32 @!p0 s3, s7;
	s7 =	simm.s32 @!p0 $0x108  }
0x21: {  	s3 =	sadd.s32 s3, s9;
	s6 =	sadd.s32 @!p0 $0x88, s6;
	s7 =	simm.s32 @p2 $0x1082  }
0x22: {  	[simem:s7], [sflag:s8] =	dma.local @!p0 [hbm:s6], $0xF7A  }
0x23: {  	s9 =	sor.u32 $0xD0000000, s2;
	s6 =	simm.s32 $0x108;
	_ =	swait.ge @!p0 [sflag:s8], $0x0  }
0x24: {  	s3 =	sadd.s32 $0x88, s3;
	s6 =	simm.s32 @!p1 $0x1082;
	[sflag:s4] =	ssyncset.s32 $0xFFFFF086  }
0x25: {  	[simem:s6], [sflag:s4] =	dma.local [hbm:s3], $0xF7A  }
0x26: {  	[smem:$0x3F97] =	sst s1;
	(tag) =	ssettag s2;
	_ =	strace s9  }
0x27: {  	s1 =	sld [smem:$0x3FA7]  }
0x28: {  	s2 =	sld [smem:$0x3FA8]  }
0x29: {  	s4 =	sld [smem:$0x3FAA]  }
0x2a: {  	p0 =	seq.s32 s5, $0x0;
	s5 =	sld [smem:$0x3FAB]  }
0x2b: {  	s6 =	sld [smem:$0x3FAC]  }
0x2c: {  	s7 =	sld [smem:$0x3FAD]  }
0x2d: {  	s3 =	simm.s32 $0x108;
	s8 =	sld [smem:$0x3FAE]  }
0x2e: {  	s3 =	simm.s32 @!p0 $0x1082;
	s9 =	sld [smem:$0x3FAF]  }
0x2f: {  	lr =	sadd.s32 s0, s3;
	s0 =	sld [smem:$0x3FA6]  }
0x30: {  	s3 =	sld [smem:$0x3FA9]  }
0x31: {  	[smem:$0x3FB2] =	sst s10  }
0x32: {  	s10 =	sld [smem:$0x3FB0];
	_ =	sdelay $0x3  }
0x33: {  	p0 =	seq.s32 s10, $0x1;
	s10 =	sld [smem:$0x3FB2];
	_ =	sdelay $0x3  }
0x34: {  	[smem:$0x3FB2] =	sst s10  }
0x35: {  	s10 =	sld [smem:$0x3FB1];
	_ =	sdelay $0x3  }
0x36: {  	p1 =	seq.s32 s10, $0x1;
	s10 =	sld [smem:$0x3FB2];
	_ =	sdelay $0x3  }
0x37: {  	[smem:$0x3FB2] =	sst s10  }
0x38: {  	s10 =	sld [smem:$0x3FB3]  }
0x39: {  	_ = 	snop;
	(pc) =	sbr.ind lr, $3  }
0x3a: {  	_ = 	snop  }
0x3b: {  	_ = 	snop  }
0x3c: {  	p2 =	seq.s32 s10, $0x1;
	s10 =	sld [smem:$0x3FB2]  }
0x3d: {  	_ =	shalt  }
0x3e: {  	_ =	shalt  }
0x3f: {  	_ =	shalt  }
0x40: {  	_ =	shalt  }
0x41: {  	_ =	shalt  }
0x42: {  	_ =	shalt  }
0x43: {  	_ =	shalt  }
0x44: {  	_ =	shalt  }
0x45: {  	_ =	shalt  }
0x46: {  	_ =	shalt  }
0x47: {  	_ =	shalt  }
0x48: {  	_ =	shalt  }
0x49: {  	_ =	shalt  }
0x4a: {  	_ =	shalt  }
0x4b: {  	_ =	shalt  }
0x4c: {  	_ =	shalt  }
0x4d: {  	_ =	shalt  }
0x4e: {  	_ =	shalt  }
0x4f: {  	_ =	shalt  }
0x50: {  	_ =	shalt  }
0x51: {  	_ =	shalt  }
0x52: {  	_ =	shalt  }
0x53: {  	_ =	shalt  }
0x54: {  	_ =	shalt  }
0x55: {  	_ =	shalt  }
0x56: {  	_ =	shalt  }
0x57: {  	_ =	shalt  }
0x58: {  	_ =	shalt  }
0x59: {  	_ =	shalt  }
0x5a: {  	_ =	shalt  }
0x5b: {  	_ =	shalt  }
0x5c: {  	_ =	shalt  }
0x5d: {  	_ =	shalt  }
0x5e: {  	_ =	shalt  }
0x5f: {  	_ =	shalt  }
0x60: {  	_ =	shalt  }
0x61: {  	_ =	shalt  }
0x62: {  	_ =	shalt  }
0x63: {  	_ =	shalt  }
0x64: {  	_ =	shalt  }
0x65: {  	_ =	shalt  }
0x66: {  	_ =	shalt  }
0x67: {  	_ =	shalt  }
0x68: {  	_ =	shalt  }
0x69: {  	_ =	shalt  }
0x6a: {  	_ =	shalt  }
0x6b: {  	_ =	shalt  }
0x6c: {  	_ =	shalt  }
0x6d: {  	_ =	shalt  }
0x6e: {  	_ =	shalt  }
0x6f: {  	_ =	shalt  }
0x70: {  	_ =	shalt  }
0x71: {  	_ =	shalt  }
0x72: {  	_ =	shalt  }
0x73: {  	_ =	shalt  }
0x74: {  	_ =	shalt  }
0x75: {  	_ =	shalt  }
0x76: {  	_ =	shalt  }
0x77: {  	_ =	shalt  }
0x78: {  	_ =	shalt  }
0x79: {  	_ =	shalt  }
0x7a: {  	_ =	shalt  }
0x7b: {  	_ =	shalt  }
0x7c: {  	_ =	shalt  }
0x7d: {  	_ =	shalt  }
0x7e: {  	_ =	shalt  }
0x7f: {  	_ =	shalt  }
0x80: {  	_ =	shalt  }
0x81: {  	_ =	shalt  }
0x82: {  	_ =	shalt  }
0x83: {  	_ =	shalt  }
0x84: {  	_ =	shalt  }
0x85: {  	_ =	shalt  }
0x86: {  	_ =	shalt  }
0x87: {  	_ =	shalt  }
.Lfunc_end0:
.L_simem_size_0:
called_computation.1_lowered:
.L_overlay_start_0:
0x88: {  	s2 =	sld [smem:$0x3FD9]  }
0x89: {  	s3 =	sld [smem:$0x3FFE];
	_ =	sdelay $0x1  }
0x8a: {  	s1 =	srdreg.scid  }
0x8b: {  	s0 =	sand.u32 $0x1, s1  }
0x8c: {  	s16 =	sshll.u32 s0, $0xA;
	s2 =	sadd.s32 s3, s2  }
0x8d: {  	s2 =	sadd.s32 s2, s16  }
0x8e: {  	[smem:$0x3FBE] =	sst s2  }
0x8f: {  	_ = 	snop  }
0x90: {  	(tm) =	ssettm $0x1  }
0x91: {  	s17 =	sld [smem:$0x3FFB];
	_ =	sdelay $0x3  }
0x92: {  	_ =	strace s17  }
0x93: {  	s2 =	sld [smem:$0x3FFC];
	_ =	sdelay $0x3  }
0x94: {  	_ =	strace s2  }
0x95: {  	s2 =	sld [smem:$0x3FFD];
	_ =	sdelay $0x3  }
0x96: {  	_ =	strace s2  }
0x97: {  	_ =	strace $0x8FFFFFFF  }
0x98: {  	s18 =	sld [smem:$0x3FDB];
	_ =	sdelay $0x1  }
0x99: {  	s19 =	simm.s32 $_scs_section_size  }
0x9a: {  	s4 =	simm.s32 $_size__tile_overlayer_lowered;
	s5 =	simm.s32 $_tile_overlayer_lowered  }
0x9b: {  	s22 =	simm.s32 $0x1BFF;
	s21 =	sshll.u32 s5, $0x1;
	s2 =	sadd.s32 s19, s18  }
0x9c: {  	s6 =	simm.s32 $0x0;
	s20 =	sshll.u32 s4, $0x1;
	s4 =	sadd.s32 s21, s2  }
0x9d: {  	[timem:s6], [sflag:s22] =	dma.local [hbm:s4], s20  }
0x9e: {  	_ =	swait.ge [sflag:s22], s20  }
0x9f: {  	s3 =	ssub.s32 $0x0, s20;
	[sflag:s22] =	ssyncset.done $0x0  }
0xa0: {  	[sflag:s22] =	ssyncadd.s32 s3;
	_ =	sdelay $0x1  }
0xa1: {  	s23 =	simm.s32 $0x1B8B  }
0xa2: {  	_ =	swait.ge [sflag:s23], $0x1  }
0xa3: {  	[sflag:s23] =	ssyncset.done $0x0  }
0xa4: {  	s25 =	simm.s32 $0x1B8E;
	s24 =	sld [smem:$0x3FFE];
	[sflag:s23] =	ssyncadd.s32 $0xFFFFFFFF  }
0xa5: {  	s26 =	simm.s32 $execute0_lowered;
	[smem:$0x3FD2] =	sst s25  }
0xa6: {  	s4 =	sshll.u32 s26, $0x1;
	_ =	strace $0x80000049;
	[dreg:$0x1] =	wrdreg $0xFFFFFFFF  }
0xa7: {  	s28 =	simm.s32 $_size_execute0_lowered;
	s2 =	sadd.s32 s2, s4;
	[dreg:$0x0] =	wrdreg $0x0  }
0xa8: {  	s4 =	sshll.u32 s28, $0x1;
	[dreg:$0x2] =	wrdreg s2  }
0xa9: {  	[dreg:$0x3] =	wrdreg s4  }
0xaa: {  	[dreg:$0x4] =	wrdreg $0xC0  }
0xab: {  	_ =	task [dreg:s6], $0x5FFFF  }
0xac: {  	[dreg:$0x1] =	wrdreg $0xFFFFFFFF  }
0xad: {  	[dreg:$0x0] =	wrdreg $0x60  }
0xae: {  	[dreg:$0x2] =	wrdreg s24  }
0xaf: {  	[dreg:$0x3] =	wrdreg $0x80000  }
0xb0: {  	[dreg:$0x4] =	wrdreg $0x9  }
0xb1: {  	_ =	task.clear_ibuf [dreg:s6], $0x5FFFF;
	_ =	strace $0x90000049  }
0xb2: {  	s29 =	simm.s32 $0x9;
	_ =	strace $0x8000004B  }
0xb3: {  	_ =	swait.ge [sflag:s29], $0x1  }
0xb4: {  	[sflag:s29] =	ssyncadd.s32 $0xFFFFFFFF  }
0xb5: {  	_ =	strace $0x9000004B  }
0xb6: {  	_ =	sfence  }
0xb7: {  	s30 =	sld [smem:$0x0];
	_ =	sdelay $0x2  }
0xb8: {  	s31 =	sshll.u32 s1, $0xD;
	s1 =	sshrl.u32 s1, $0x2  }
0xb9: {  	s3 =	sand.u32 $0x4000, s31;
	s1 =	sadd.s32 s1, s30  }
0xba: {  	s0 =	sor.u32 s3, s0;
	s1 =	sshll.u32 s1, $0x11  }
0xbb: {  	s0 =	sor.u32 s1, s0  }
0xbc: {  	s0 =	sadd.s32 $0x8F2B, s0  }
0xbd: {  	[sflag:s0] =	ssyncadd.remote.s32 $0x1  }
0xbe: {  	_ =	sfence.sel $0xFFFF  }
0xbf: {  	[dreg:$0x0] =	wrdreg $0xFFFFFFFF;
	(pc) =	sbr.abs _section_cstart, $3  }
0xc0: {  	[dreg:$0x1] =	wrdreg $0xFFFFFFFF  }
0xc1: {  	_ =	task.clear_ibuf [dreg:s6], $0x2FFFF;
	_ =	strace $0x9FFFFFFF  }
0xc2: {  	(tm) =	ssettm $0x7FFFFFFF  }
0xc3: {  	_ =	shalt  }
tec
execute0_lowered:
.L_overlay_start_1:
0x0: {  	(tag) =	ssettag $0x1  }
0x1: {  	s0 =	rddreg [dreg:$0x0];
	s1 =	srdreg.scid  }
0x2: {  	s11 =	stileid.u32;
	s2 =	rddreg [dreg:$0x1]  }
0x3: {  	s3 =	simm.s32 $0x0;
	s10 =	simm.s32 $0x2800;
	s13 =	simm.s32 $0x80  }
0x4: {  	s16 =	simm.s32 $0x5800;
	s18 =	simm.s32 $0x6800;
	s19 =	simm.s32 $0x1  }
0x5: {  	s20 =	simm.s32 $0x3;
	s21 =	simm.s32 $0x7000;
	s22 =	simm.s32 $0x2  }
0x6: {  	s23 =	simm.s32 $0x4;
	s25 =	simm.s32 $0x7800;
	s26 =	simm.s32 $0x5  }
0x7: {  	s28 =	simm.s32 $0x6;
	s29 =	simm.s32 $0x0;
	s1 =	sand.u32 $0x1, s1  }
0x8: {  	s4 =	sshll.u32 s11, $0x1;
	[smem:$0x7FF] =	sst s3;
	s7 =	smul.u32 $0x2800, s11  }
0x9: {  	s31 =	sshll.u32 s11, $0x6;
	s4 =	sor.u32 s1, s4;
	_ =	strace $0x8000004A  }
0xa: {  	s6 =	smul.u32 $0x5000, s1;
	s1 =	ssub.s32 $0x2, s1;
	s11 =	sor.u32 $0x1C07, s31  }
0xb: {  	s5 =	smul.u32 $0x500, s4;
	s4 =	sadd.s32 $0x2200, s0;
	s14 =	sshrl.u32 s7, $0x3  }
.Ltmp0:
0xc: {  	s30 =	sshrl.u32 s1, $0x1;
	s12 =	sadd.s32 s7, s2;
	(pc) =	sbr.rel .LBB2_1-.Ltmp0, $4  }
0xd: {  	s9 =	sadd.s32 s14, s0;
	s1 =	ssub.s32 s1, s30;
	s12 =	sshrl.u32 s12, $0x3  }
0xe: {  	v0 =	vimm.s32 $0x2;
	v1 =	vimm.s32 $0x3;
	v2 =	vimm.s32 $0x0;
	s8 =	sadd.s32 s5, s0;
	s0 =	sadd.s32 s6, s0;
	s7 =	sadd.s32 $0x7200, s9  }
0xf: {  	v3 =	vimm.s32 $0x1;
	v4 =	vimm.f32 $0.0e+00;
	vm0 =	vcmask $0xB08;
	s9 =	simm.s32 $0x7;
	s5 =	sadd.s32 $0x70200, s8;
	s0 =	sadd.s32 $0xC200, s0  }
0x10: {  	vm1 =	vmmov $0x1;
	v4 =	vsel vm0, $0x3F800000, v4;
	vm0 =	vcmask $0x3F08;
	s6 =	sadd.s32 $0x7A200, s8;
	s8 =	smax.u32 s1, $0x1;
	s24 =	sadd.s32 s14, s0  }
.LBB2_8:
0x11: {  	_ =	swait.ge [sflag:s26], $0x800  }
0x12: {  	[sflag:s26] =	ssyncset.done $0x0  }
0x13: {  	[sflag:s26] =	ssyncadd.s32 $0xFFFFF800  }
0x14: {  	_ =	swait.ge [sflag:s28], $0x800  }
0x15: {  	s29 =	sadd.s32 $0x1, s29;
	[sflag:s28] =	ssyncset.done $0x0  }
0x16: {  	p0 =	sne.s32 s29, s8;
	[sflag:s28] =	ssyncadd.s32 $0xFFFFF800  }
.Ltmp1:
0x17: {  	[bflag:$0x0] =	sbarrier.arrive $0xFFFF;
	(pc) =	sbr.rel @!p0 .LBB2_9-.Ltmp1, $4  }
0x18: {  	[hbm:s24], [sflag:s11] =	dma.local [spmem:s12], $0x500  }
0x19: {  	_ =	swait.ge [sflag:s9], $0x500  }
0x1a: {  	[sflag:s9] =	ssyncset.done $0x0  }
0x1b: {  	[sflag:s9] =	ssyncadd.s32 $0xFFFFFB00  }
.LBB2_1:
0x1c: {  	[tilespmem:s3], [sflag:$0x7] =	stream.linear.gather [hbm4b:s5+s3], $0x2800, $0x38;
	[tilespmem:$0xA800] =	vst v63  }
0x1d: {  	_ =	swait.ge [sflag:s9], $0x2800  }
0x1e: {  	[sflag:s9] =	ssyncset.done $0x0  }
0x1f: {  	[sflag:s9] =	ssyncadd.s32 $0xFFFFD800  }
0x20: {  	[tilespmem:s10], [sflag:$0x7] =	stream.linear.gather [hbm4b:s6+s3], $0x2800, $0x38;
	[tilespmem:$0xA800] =	vst v63  }
0x21: {  	_ =	swait.ge [sflag:s9], $0x2800  }
0x22: {  	[sflag:s9] =	ssyncset.done $0x0  }
0x23: {  	[sflag:s9] =	ssyncadd.s32 $0xFFFFD800  }
0x24: {  	[spmem:s12], [sflag:s11] =	dma.local [hbm:s7], $0x500  }
0x25: {  	_ =	swait.ge [sflag:s9], $0x500  }
0x26: {  	[sflag:s9] =	ssyncset.done $0x0  }
0x27: {  	[sflag:s9] =	ssyncadd.s32 $0xFFFFFB00  }
0x28: {  	s0 =	simm.s32 $0x5000;
	[bflag:$0x0] =	sbarrier.arrive $0xFFFF  }
0x29: {  	[tilespmem:s0], [sflag:$0x1] =	stream.indirect.gather [hbm4b:s4+s13], $0x10, s3, s13, $0xb8;
	[tilespmem:$0xA800] =	vst v63  }
0x2a: {  	s17 =	simm.s32 $0x6000  }
0x2b: {  	[tilespmem:s17], [sflag:$0x3] =	stream.indirect.gather [hbm4b:s4+s13], $0x10, s10, s13, $0xb8;
	[tilespmem:$0xA800] =	vst v63  }
0x2c: {  	_ = 	snop  }
0x2d: {  	[tilespmem:s16], [sflag:$0x2] =	stream.indirect.gather [hbm4b:s4+s13], $0x10, s13, s13, $0xb8;
	[tilespmem:$0xA800] =	vst v63  }
0x2e: {  	s31 =	simm.s32 $0x2880;
	s30 =	simm.s32 $0x0  }
0x2f: {  	[tilespmem:s18], [sflag:$0x4] =	stream.indirect.gather [hbm4b:s4+s13], $0x10, s31, s13, $0xb8;
	[tilespmem:$0xA800] =	vst v63  }
.LBB2_2:
0x30: {  	p0 =	seq.s32 s30, $0x0  }
0x31: {  	s0 =	simm.s32 @!p0 $0x5  }
0x32: {  	_ =	swait.ge @!p0 [sflag:s0], $0x800  }
0x33: {  	[sflag:s0] =	ssyncset.done @!p0 $0x0  }
0x34: {  	[sflag:s0] =	ssyncadd.s32 @!p0 $0xFFFFF800  }
0x35: {  	_ =	swait.ge [sflag:s19], $0x800  }
0x36: {  	[sflag:s19] =	ssyncset.done $0x0  }
0x37: {  	[sflag:s19] =	ssyncadd.s32 $0xFFFFF800  }
0x38: {  	_ =	swait.ge [sflag:s20], $0x800  }
0x39: {  	[sflag:s20] =	ssyncset.done $0x0  }
0x3a: {  	s15 =	simm.s32 $0x5020;
	[sflag:s20] =	ssyncadd.s32 $0xFFFFF800  }
0x3b: {  	s1 =	simm.s32 $0x6020;
	v7 =	vld [tilespmem:s15+$0x10]  }
0x3c: {  	v5 =	vld [tilespmem:s1+$0x10]  }
0x3d: {  	v6 =	vld [tilespmem:s1+$0xFFFFFFE0]  }
0x3e: {  	v8 =	vld [tilespmem:s15+$0xFFFFFFF0]  }
0x3f: {  	v9 =	vld [tilespmem:s1+$0xFFFFFFF0]  }
0x40: {  	v10 =	vld [tilespmem:s15+$0x0]  }
0x41: {  	v12 =	vld [tilespmem:s1+$0x0];
	_ =	sdelay $0x1  }
0x42: {  	v11 =	vperm.xlane v7, v0;
	v5 =	vperm.xlane v5, v1  }
0x43: {  	v13 =	vld [tilespmem:s15+$0xFFFFFFE0];
	s1 =	simm.s32 $0x6060;
	v6 =	vperm.xlane v6, v1;
	v15 =	vperm.xlane v8, v3  }
0x44: {  	v18 =	vld [tilespmem:s1+$0xFFFFFFE0];
	v9 =	vperm.xlane v9, v1;
	v16 =	vperm.xlane v10, v0;
	v5 =	vadd.f32 v5, v11  }
0x45: {  	v12 =	vperm.xlane v12, v1;
	v11 =	vperm.xlane v8, v0  }
0x46: {  	v8 =	vperm.xlane v8, v2;
	v14 =	vmul.f32 $2.000000030e-01, v5  }
0x47: {  	v12 =	vadd.f32 v12, v16;
	v15 =	vsel vm0, v4, v15;
	vm2 =	vge.f32 v5, $0.0e+00  }
0x48: {  	v9 =	vadd.f32 v9, v11;
	v11 =	vperm.xlane v13, v0;
	v5 =	vsel vm2, v5, v14  }
0x49: {  	v8 =	vsel vm1, v8, v15;
	v15 =	vperm.xlane v18, v1;
	v5 =	vmul.f32 $1.442695020e+00, v5  }
0x4a: {  	v14 =	vperm.xlane v13, v3;
	v16 =	vmul.f32 $2.000000030e-01, v9;
	v6 =	vadd.f32 v6, v11  }
0x4b: {  	vm3 =	vge.f32 v12, $0.0e+00;
	v11 =	vperm.xlane v10, v3;
	(erf) = vpow2.f32 v5  }
0x4c: {  	vm2 =	vge.f32 v9, $0.0e+00;
	v17 =	vmul.f32 $2.000000030e-01, v6;
	v5 =	vmul.f32 $2.000000030e-01, v12  }
0x4d: {  	s17 =	simm.s32 $0x5060;
	v13 =	vperm.xlane v13, v2;
	vm4 =	vge.f32 v6, $0.0e+00;
	v9 =	vsel vm2, v9, v16;
	v16 =	vld [tilespmem:s1+$0x10]  }
0x4e: {  	v9 =	vmul.f32 $1.442695020e+00, v9;
	v6 =	vsel vm4, v6, v17;
	v12 =	vsel vm3, v12, v5;
	v5 =	vld [tilespmem:s17+$0x10]  }
0x4f: {  	v17 =	vmul.f32 $1.442695020e+00, v6;
	v6 =	vsel vm0, v4, v14;
	v14 =	vld [tilespmem:s17+$0xFFFFFFF0];
	v12 =	vmul.f32 $1.442695020e+00, v12  }
0x50: {  	(erf) = vpow2.f32 v9;
	v6 =	vsel vm1, v13, v6;
	v13 =	vperm.xlane v7, v2  }
0x51: {  	v9 =	vperm.xlane v7, v3;
	(erf) = vpow2.f32 v12;
	v12 =	vld [tilespmem:s1+$0xFFFFFFF0]  }
0x52: {  	v10 =	vperm.xlane v10, v2;
	v7 =	vld [tilespmem:s17+$0x0];
	v16 =	vperm.xlane v16, v1  }
0x53: {  	v9 =	vsel vm0, v4, v9;
	(erf) = vpow2.f32 v17;
	v17 =	vld [tilespmem:s1+$0x0];
	v19 =	vperm.xlane v5, v0  }
0x54: {  	v21 =	vld [tilespmem:s17+$0xFFFFFFE0];
	v11 =	vsel vm0, v4, v11;
	v9 =	vsel vm1, v13, v9;
	v18 =	vperm.xlane v14, v3;
	v13 =	vpop (erf)  }
0x55: {  	v16 =	vadd.f32 v16, v19;
	v22 =	vmul.f32 v13, v9;
	v13 =	vperm.xlane v14, v0  }
0x56: {  	v9 =	vsel vm1, v10, v11;
	v12 =	vperm.xlane v12, v1;
	v10 =	vperm.xlane v14, v2  }
0x57: {  	v11 =	vsel vm0, v4, v18;
	v18 =	vperm.xlane v7, v0;
	v19 =	vmul.f32 $2.000000030e-01, v16  }
0x58: {  	vm2 =	vge.f32 v16, $0.0e+00;
	v23 =	vadd.f32 v12, v13;
	v12 =	vperm.xlane v17, v1  }
0x59: {  	v14 =	vperm.xlane v21, v3;
	v13 =	vperm.xlane v21, v0;
	v16 =	vsel vm2, v16, v19  }
0x5a: {  	v17 =	vmul.f32 $2.000000030e-01, v23;
	v24 =	vadd.f32 v12, v18;
	v16 =	vmul.f32 $1.442695020e+00, v16  }
0x5b: {  	v18 =	vadd.f32 v15, v13;
	vm3 =	vge.f32 v23, $0.0e+00;
	v15 =	vperm.xlane v7, v3  }
0x5c: {  	v12 =	vpop (erf);
	vm15 =	vge.f32 v24, $0.0e+00;
	v25 =	vmul.f32 $2.000000030e-01, v24;
	(erf) = vpow2.f32 v16  }
0x5d: {  	s0 =	simm.s32 $0x7020;
	vm2 =	vge.f32 v18, $0.0e+00;
	v20 =	vmul.f32 $2.000000030e-01, v18;
	v19 =	vsel vm3, v23, v17;
	v13 =	vpop (erf)  }
0x5e: {  	s31 =	sshll.u32 s30, $0x8;
	s14 =	simm.s32 $0x4;
	s15 =	simm.s32 $0x50A0;
	[tilespmem:s0+$0x10] =	vst v22;
	v17 =	vperm.xlane v21, v2;
	v19 =	vmul.f32 $1.442695020e+00, v19;
	v16 =	vpop (erf);
	v21 =	vsel vm15, v24, v25  }
.LBB2_3:
0x5f: {  	v22 =	vld [tilespmem:s15+$0x10];
	v18 =	vsel vm2, v18, v20;
	v20 =	vmul.f32 $1.442695020e+00, v21;
	v7 =	vperm.xlane v7, v2;
	s1 =	sadd.s32 $0x40, s1  }
0x60: {  	s14 =	sadd.s32 $0x4, s14;
	v14 =	vsel vm0, v4, v14;
	v21 =	vld [tilespmem:s1+$0x10];
	v18 =	vmul.f32 $1.442695020e+00, v18;
	(erf) = vpow2.f32 v19  }
0x61: {  	v15 =	vsel vm0, v4, v15;
	p0 =	slt.u32 s14, $0x7C;
	v14 =	vsel vm1, v17, v14;
	v19 =	vld [tilespmem:s1+$0xFFFFFFE0];
	(erf) = vpow2.f32 v20  }
0x62: {  	v10 =	vsel vm1, v10, v11;
	v25 =	vperm.xlane v5, v3;
	v17 =	vld [tilespmem:s15+$0xFFFFFFF0];
	(erf) = vpow2.f32 v18  }
0x63: {  	v16 =	vmul.f32 v16, v6;
	v15 =	vsel vm1, v7, v15;
	v20 =	vperm.xlane v5, v2;
	v6 =	vmovc v14;
	v18 =	vld [tilespmem:s1+$0xFFFFFFF0]  }
0x64: {  	v24 =	vmul.f32 v12, v8;
	v12 =	vmul.f32 v13, v9;
	v23 =	vsel vm0, v4, v25;
	v7 =	vld [tilespmem:s15+$0x0];
	v5 =	vmovc v22  }
0x65: {  	v20 =	vsel vm1, v20, v23;
	v13 =	vld [tilespmem:s1+$0x0];
	v14 =	vperm.xlane v5, v0;
	v21 =	vperm.xlane v21, v1;
	v11 =	vpop (erf);
	[tilespmem:s0+$0xFFFFFFE0] =	vst v16  }
0x66: {  	v8 =	vmovc v10;
	v9 =	vmov v15;
	v22 =	vld [tilespmem:s15+$0xFFFFFFE0];
	v19 =	vperm.xlane v19, v1;
	v11 =	vmul.f32 v11, v20;
	[tilespmem:s0+$0xFFFFFFF0] =	vst v24  }
0x67: {  	v15 =	vperm.xlane v17, v0;
	v16 =	vperm.xlane v17, v3;
	v20 =	vadd.f32 v21, v14;
	[tilespmem:s0+$0x0] =	vst v12;
	s0 =	sadd.s32 $0x40, s0  }
0x68: {  	v10 =	vperm.xlane v17, v2;
	v14 =	vperm.xlane v18, v1;
	[tilespmem:s0+$0x10] =	vst v11  }
0x69: {  	v11 =	vsel vm0, v4, v16;
	v17 =	vperm.xlane v7, v0;
	v23 =	vmul.f32 $2.000000030e-01, v20;
	v12 =	vpop (erf)  }
0x6a: {  	vm2 =	vge.f32 v20, $0.0e+00;
	v21 =	vadd.f32 v14, v15;
	v15 =	vperm.xlane v13, v1;
	v13 =	vpop (erf)  }
0x6b: {  	v18 =	vperm.xlane v22, v0;
	v14 =	vperm.xlane v22, v3;
	v20 =	vsel vm2, v20, v23;
	v16 =	vpop (erf)  }
.Ltmp2:
0x6c: {  	v23 =	vmul.f32 $2.000000030e-01, v21;
	v24 =	vadd.f32 v15, v17;
	v17 =	vmul.f32 $1.442695020e+00, v20;
	(pc) =	sbr.rel @p0 .LBB2_3-.Ltmp2, $4  }
0x6d: {  	vm3 =	vge.f32 v21, $0.0e+00;
	v15 =	vperm.xlane v7, v3;
	v18 =	vadd.f32 v19, v18  }
0x6e: {  	vm4 =	vge.f32 v24, $0.0e+00;
	v25 =	vmul.f32 $2.000000030e-01, v24;
	(erf) = vpow2.f32 v17  }
0x6f: {  	v19 =	vsel vm3, v21, v23;
	vm2 =	vge.f32 v18, $0.0e+00;
	v20 =	vmul.f32 $2.000000030e-01, v18  }
0x70: {  	s15 =	sadd.s32 $0x40, s15;
	v17 =	vperm.xlane v22, v2;
	v19 =	vmul.f32 $1.442695020e+00, v19;
	v21 =	vsel vm4, v24, v25  }
0x71: {  	v18 =	vsel vm2, v18, v20;
	v20 =	vmul.f32 $1.442695020e+00, v21  }
0x72: {  	v18 =	vmul.f32 $1.442695020e+00, v18;
	(erf) = vpow2.f32 v19  }
0x73: {  	(erf) = vpow2.f32 v20  }
0x74: {  	(erf) = vpow2.f32 v18;
	_ =	sdelay $0x1  }
0x75: {  	v18 =	vperm.xlane v5, v3  }
0x76: {  	v5 =	vperm.xlane v5, v2  }
0x77: {  	v6 =	vmul.f32 v16, v6;
	v18 =	vsel vm0, v4, v18  }
0x78: {  	v8 =	vmul.f32 v12, v8;
	v9 =	vmul.f32 v13, v9;
	v16 =	vpop (erf);
	v5 =	vsel vm1, v5, v18  }
0x79: {  	v14 =	vsel vm0, v4, v14;
	v7 =	vperm.xlane v7, v2;
	[tilespmem:s0+$0xFFFFFFE0] =	vst v6;
	v5 =	vmul.f32 v16, v5  }
0x7a: {  	v10 =	vsel vm1, v10, v11;
	s14 =	sadd.s32 $0x40, s0;
	v13 =	vsel vm1, v17, v14;
	v14 =	vsel vm0, v4, v15;
	[tilespmem:s0+$0xFFFFFFF0] =	vst v8;
	v12 =	vpop (erf)  }
0x7b: {  	v7 =	vsel vm1, v7, v14;
	[tilespmem:s14+$0x10] =	vst v5;
	v6 =	vpop (erf);
	v5 =	vmul.f32 v12, v10  }
0x7c: {  	[tilespmem:s0+$0x0] =	vst v9;
	v8 =	vpop (erf);
	v6 =	vmul.f32 v6, v7  }
0x7d: {  	v8 =	vmul.f32 v8, v13;
	[tilespmem:s14+$0xFFFFFFF0] =	vst v5  }
0x7e: {  	s1 =	sand.u32 $0x3FFFFF00, s31;
	p0 =	seq.s32 s30, $0x27;
	[tilespmem:s14+$0x0] =	vst v6  }
0x7f: {  	s15 =	sadd.s32 $0x2800, s1;
	p1 =	seq.s32 @!p0 s30, $0x0;
	[tilespmem:s14+$0xFFFFFFE0] =	vst v8  }
0x80: {  	[spmem:s2] =	stream.indirect.scatter.add.f32 [tilespmem:s21], [sflag:$0x5], $0x10, s15, s13, $0xb8;
	[tilespmem:$0xA800] =	vst v63  }
0x81: {  	s0 =	sadd.s32 @!p0 $0x100, s31;
	s14 =	simm.s32 @!p0 $0x80;
	s15 =	simm.s32 @!p0 $0x5000  }
0x82: {  	[tilespmem:s15], [sflag:$0x1] =	stream.indirect.gather @!p0 [hbm4b:s4+s14], $0x10, s0, s14, $0xb8;
	[tilespmem:$0xA800] =	vst v63  }
0x83: {  	p1 =	por p0, !p1;
	s0 =	sadd.s32 @!p0 $0x2900, s31;
	s15 =	simm.s32 @!p0 $0x6000  }
0x84: {  	[tilespmem:s15], [sflag:$0x3] =	stream.indirect.gather @!p0 [hbm4b:s4+s14], $0x10, s0, s14, $0xb8;
	[tilespmem:$0xA800] =	vst v63  }
0x85: {  	_ =	swait.ge @p1 [sflag:s28], $0x800  }
0x86: {  	[sflag:s28] =	ssyncset.done @p1 $0x0  }
0x87: {  	[sflag:s28] =	ssyncadd.s32 @p1 $0xFFFFF800  }
0x88: {  	_ =	swait.ge [sflag:s22], $0x800  }
0x89: {  	[sflag:s22] =	ssyncset.done $0x0  }
0x8a: {  	[sflag:s22] =	ssyncadd.s32 $0xFFFFF800  }
0x8b: {  	_ =	swait.ge [sflag:s23], $0x800  }
0x8c: {  	[sflag:s23] =	ssyncset.done $0x0  }
0x8d: {  	s17 =	simm.s32 $0x5820;
	[sflag:s23] =	ssyncadd.s32 $0xFFFFF800  }
0x8e: {  	s15 =	simm.s32 $0x6820;
	v7 =	vld [tilespmem:s17+$0x10]  }
0x8f: {  	v5 =	vld [tilespmem:s15+$0x10]  }
0x90: {  	v6 =	vld [tilespmem:s15+$0xFFFFFFE0]  }
0x91: {  	v8 =	vld [tilespmem:s17+$0xFFFFFFF0]  }
0x92: {  	v9 =	vld [tilespmem:s15+$0xFFFFFFF0]  }
0x93: {  	v10 =	vld [tilespmem:s17+$0x0]  }
0x94: {  	v12 =	vld [tilespmem:s15+$0x0];
	_ =	sdelay $0x1  }
0x95: {  	v11 =	vperm.xlane v7, v0;
	v5 =	vperm.xlane v5, v1  }
0x96: {  	s0 =	simm.s32 $0x6860;
	v13 =	vld [tilespmem:s17+$0xFFFFFFE0];
	v6 =	vperm.xlane v6, v1;
	v15 =	vperm.xlane v8, v3  }
0x97: {  	v18 =	vld [tilespmem:s0+$0xFFFFFFE0];
	v9 =	vperm.xlane v9, v1;
	v16 =	vperm.xlane v10, v0;
	v5 =	vadd.f32 v5, v11  }
0x98: {  	v12 =	vperm.xlane v12, v1;
	v11 =	vperm.xlane v8, v0  }
0x99: {  	v8 =	vperm.xlane v8, v2;
	v14 =	vmul.f32 $2.000000030e-01, v5  }
0x9a: {  	v12 =	vadd.f32 v12, v16;
	v15 =	vsel vm0, v4, v15;
	vm2 =	vge.f32 v5, $0.0e+00  }
0x9b: {  	v9 =	vadd.f32 v9, v11;
	v11 =	vperm.xlane v13, v0;
	v5 =	vsel vm2, v5, v14  }
0x9c: {  	v8 =	vsel vm1, v8, v15;
	v15 =	vperm.xlane v18, v1;
	v5 =	vmul.f32 $1.442695020e+00, v5  }
0x9d: {  	v14 =	vperm.xlane v13, v3;
	v16 =	vmul.f32 $2.000000030e-01, v9;
	v6 =	vadd.f32 v6, v11  }
0x9e: {  	vm3 =	vge.f32 v12, $0.0e+00;
	v11 =	vperm.xlane v10, v3;
	(erf) = vpow2.f32 v5  }
0x9f: {  	vm2 =	vge.f32 v9, $0.0e+00;
	v17 =	vmul.f32 $2.000000030e-01, v6;
	v5 =	vmul.f32 $2.000000030e-01, v12  }
0xa0: {  	s17 =	simm.s32 $0x5860;
	v13 =	vperm.xlane v13, v2;
	vm4 =	vge.f32 v6, $0.0e+00;
	v9 =	vsel vm2, v9, v16;
	v16 =	vld [tilespmem:s0+$0x10]  }
0xa1: {  	v9 =	vmul.f32 $1.442695020e+00, v9;
	v6 =	vsel vm4, v6, v17;
	v12 =	vsel vm3, v12, v5;
	v5 =	vld [tilespmem:s17+$0x10]  }
0xa2: {  	v17 =	vmul.f32 $1.442695020e+00, v6;
	v6 =	vsel vm0, v4, v14;
	v14 =	vld [tilespmem:s17+$0xFFFFFFF0];
	v12 =	vmul.f32 $1.442695020e+00, v12  }
0xa3: {  	(erf) = vpow2.f32 v9;
	v6 =	vsel vm1, v13, v6;
	v13 =	vperm.xlane v7, v2  }
0xa4: {  	v9 =	vperm.xlane v7, v3;
	(erf) = vpow2.f32 v12;
	v12 =	vld [tilespmem:s0+$0xFFFFFFF0]  }
0xa5: {  	v10 =	vperm.xlane v10, v2;
	v7 =	vld [tilespmem:s17+$0x0];
	v16 =	vperm.xlane v16, v1  }
0xa6: {  	v9 =	vsel vm0, v4, v9;
	(erf) = vpow2.f32 v17;
	v17 =	vld [tilespmem:s0+$0x0];
	v19 =	vperm.xlane v5, v0  }
0xa7: {  	v21 =	vld [tilespmem:s17+$0xFFFFFFE0];
	v11 =	vsel vm0, v4, v11;
	v9 =	vsel vm1, v13, v9;
	v18 =	vperm.xlane v14, v3;
	v13 =	vpop (erf)  }
0xa8: {  	v16 =	vadd.f32 v16, v19;
	v22 =	vmul.f32 v13, v9;
	v13 =	vperm.xlane v14, v0  }
0xa9: {  	v9 =	vsel vm1, v10, v11;
	v12 =	vperm.xlane v12, v1;
	v10 =	vperm.xlane v14, v2  }
0xaa: {  	v11 =	vsel vm0, v4, v18;
	v18 =	vperm.xlane v7, v0;
	v19 =	vmul.f32 $2.000000030e-01, v16  }
0xab: {  	vm2 =	vge.f32 v16, $0.0e+00;
	v23 =	vadd.f32 v12, v13;
	v12 =	vperm.xlane v17, v1  }
0xac: {  	v14 =	vperm.xlane v21, v3;
	v13 =	vperm.xlane v21, v0;
	v16 =	vsel vm2, v16, v19  }
0xad: {  	v17 =	vmul.f32 $2.000000030e-01, v23;
	v24 =	vadd.f32 v12, v18;
	v16 =	vmul.f32 $1.442695020e+00, v16  }
0xae: {  	v18 =	vadd.f32 v15, v13;
	vm3 =	vge.f32 v23, $0.0e+00;
	v15 =	vperm.xlane v7, v3  }
0xaf: {  	v12 =	vpop (erf);
	vm15 =	vge.f32 v24, $0.0e+00;
	v25 =	vmul.f32 $2.000000030e-01, v24;
	(erf) = vpow2.f32 v16  }
0xb0: {  	s14 =	simm.s32 $0x7820;
	vm2 =	vge.f32 v18, $0.0e+00;
	v20 =	vmul.f32 $2.000000030e-01, v18;
	v19 =	vsel vm3, v23, v17;
	v13 =	vpop (erf)  }
0xb1: {  	s15 =	simm.s32 $0x4;
	s17 =	simm.s32 $0x58A0;
	[tilespmem:s14+$0x10] =	vst v22;
	v17 =	vperm.xlane v21, v2;
	v19 =	vmul.f32 $1.442695020e+00, v19;
	v16 =	vpop (erf);
	v21 =	vsel vm15, v24, v25  }
.LBB2_5:
0xb2: {  	v22 =	vld [tilespmem:s17+$0x10];
	v18 =	vsel vm2, v18, v20;
	v20 =	vmul.f32 $1.442695020e+00, v21;
	v7 =	vperm.xlane v7, v2;
	s0 =	sadd.s32 $0x40, s0  }
0xb3: {  	s15 =	sadd.s32 $0x4, s15;
	v14 =	vsel vm0, v4, v14;
	v21 =	vld [tilespmem:s0+$0x10];
	v18 =	vmul.f32 $1.442695020e+00, v18;
	(erf) = vpow2.f32 v19  }
0xb4: {  	v15 =	vsel vm0, v4, v15;
	p1 =	slt.u32 s15, $0x7C;
	v14 =	vsel vm1, v17, v14;
	v19 =	vld [tilespmem:s0+$0xFFFFFFE0];
	(erf) = vpow2.f32 v20  }
0xb5: {  	v10 =	vsel vm1, v10, v11;
	v25 =	vperm.xlane v5, v3;
	v17 =	vld [tilespmem:s17+$0xFFFFFFF0];
	(erf) = vpow2.f32 v18  }
0xb6: {  	v16 =	vmul.f32 v16, v6;
	v15 =	vsel vm1, v7, v15;
	v20 =	vperm.xlane v5, v2;
	v6 =	vmovc v14;
	v18 =	vld [tilespmem:s0+$0xFFFFFFF0]  }
0xb7: {  	v24 =	vmul.f32 v12, v8;
	v12 =	vmul.f32 v13, v9;
	v23 =	vsel vm0, v4, v25;
	v7 =	vld [tilespmem:s17+$0x0];
	v5 =	vmovc v22  }
0xb8: {  	v20 =	vsel vm1, v20, v23;
	v13 =	vld [tilespmem:s0+$0x0];
	v14 =	vperm.xlane v5, v0;
	v21 =	vperm.xlane v21, v1;
	v11 =	vpop (erf);
	[tilespmem:s14+$0xFFFFFFE0] =	vst v16  }
0xb9: {  	v8 =	vmovc v10;
	v9 =	vmov v15;
	v22 =	vld [tilespmem:s17+$0xFFFFFFE0];
	v19 =	vperm.xlane v19, v1;
	v11 =	vmul.f32 v11, v20;
	[tilespmem:s14+$0xFFFFFFF0] =	vst v24  }
0xba: {  	v15 =	vperm.xlane v17, v0;
	v16 =	vperm.xlane v17, v3;
	v20 =	vadd.f32 v21, v14;
	[tilespmem:s14+$0x0] =	vst v12;
	s14 =	sadd.s32 $0x40, s14  }
0xbb: {  	v10 =	vperm.xlane v17, v2;
	v14 =	vperm.xlane v18, v1;
	[tilespmem:s14+$0x10] =	vst v11  }
0xbc: {  	v11 =	vsel vm0, v4, v16;
	v17 =	vperm.xlane v7, v0;
	v23 =	vmul.f32 $2.000000030e-01, v20;
	v12 =	vpop (erf)  }
0xbd: {  	vm2 =	vge.f32 v20, $0.0e+00;
	v21 =	vadd.f32 v14, v15;
	v15 =	vperm.xlane v13, v1;
	v13 =	vpop (erf)  }
0xbe: {  	v18 =	vperm.xlane v22, v0;
	v14 =	vperm.xlane v22, v3;
	v20 =	vsel vm2, v20, v23;
	v16 =	vpop (erf)  }
.Ltmp3:
0xbf: {  	v23 =	vmul.f32 $2.000000030e-01, v21;
	v24 =	vadd.f32 v15, v17;
	v17 =	vmul.f32 $1.442695020e+00, v20;
	(pc) =	sbr.rel @p1 .LBB2_5-.Ltmp3, $4  }
0xc0: {  	vm3 =	vge.f32 v21, $0.0e+00;
	v15 =	vperm.xlane v7, v3;
	v18 =	vadd.f32 v19, v18  }
0xc1: {  	vm4 =	vge.f32 v24, $0.0e+00;
	v25 =	vmul.f32 $2.000000030e-01, v24;
	(erf) = vpow2.f32 v17  }
0xc2: {  	v19 =	vsel vm3, v21, v23;
	vm2 =	vge.f32 v18, $0.0e+00;
	v20 =	vmul.f32 $2.000000030e-01, v18  }
0xc3: {  	s17 =	sadd.s32 $0x40, s17;
	v17 =	vperm.xlane v22, v2;
	v19 =	vmul.f32 $1.442695020e+00, v19;
	v21 =	vsel vm4, v24, v25  }
0xc4: {  	v18 =	vsel vm2, v18, v20;
	v57 =	vmul.f32 $1.442695020e+00, v21  }
0xc5: {  	v18 =	vmul.f32 $1.442695020e+00, v18;
	(erf) = vpow2.f32 v19  }
0xc6: {  	(erf) = vpow2.f32 v57  }
0xc7: {  	(erf) = vpow2.f32 v18;
	_ =	sdelay $0x1  }
0xc8: {  	v58 =	vperm.xlane v5, v3  }
0xc9: {  	v5 =	vperm.xlane v5, v2  }
0xca: {  	v6 =	vmul.f32 v16, v6;
	v18 =	vsel vm0, v4, v58  }
0xcb: {  	v8 =	vmul.f32 v12, v8;
	v5 =	vsel vm1, v5, v18;
	v59 =	vpop (erf)  }
0xcc: {  	v7 =	vperm.xlane v7, v2;
	[tilespmem:s14+$0xFFFFFFE0] =	vst v6;
	v5 =	vmul.f32 v59, v5  }
0xcd: {  	v9 =	vmul.f32 v13, v9;
	v63 =	vsel vm0, v4, v15;
	v10 =	vsel vm1, v10, v11;
	s0 =	sadd.s32 $0x40, s14;
	[tilespmem:s14+$0xFFFFFFF0] =	vst v8;
	v60 =	vpop (erf)  }
0xce: {  	v14 =	vsel vm0, v4, v14;
	v7 =	vsel vm1, v7, v63;
	[tilespmem:s0+$0x10] =	vst v5;
	v6 =	vpop (erf);
	v5 =	vmul.f32 v60, v10  }
.Ltmp4:
0xcf: {  	v61 =	vsel vm1, v17, v14;
	[tilespmem:s14+$0x0] =	vst v9;
	v62 =	vpop (erf);
	v6 =	vmul.f32 v6, v7;
	(pc) =	sbr.rel @p0 .LBB2_8-.Ltmp4, $4  }
0xd0: {  	v8 =	vmul.f32 v62, v61;
	[tilespmem:s0+$0xFFFFFFF0] =	vst v5  }
0xd1: {  	[tilespmem:s0+$0x0] =	vst v6  }
0xd2: {  	s17 =	sadd.s32 $0x2880, s1;
	[tilespmem:s0+$0xFFFFFFE0] =	vst v8  }
0xd3: {  	[spmem:s2] =	stream.indirect.scatter.add.f32 [tilespmem:s25], [sflag:$0x6], $0x10, s17, s13, $0xb8;
	[tilespmem:$0xA800] =	vst v63  }
.Ltmp5:
0xd4: {  	(pc) =	sbr.rel .LBB2_2-.Ltmp5, $4  }
0xd5: {  	s0 =	sadd.s32 $0x180, s31  }
0xd6: {  	[tilespmem:s16], [sflag:$0x2] =	stream.indirect.gather [hbm4b:s4+s13], $0x10, s0, s13, $0xb8;
	[tilespmem:$0xA800] =	vst v63  }
0xd7: {  	s31 =	sadd.s32 $0x2980, s31;
	s30 =	sadd.s32 $0x1, s30  }
0xd8: {  	[tilespmem:s18], [sflag:$0x4] =	stream.indirect.gather [hbm4b:s4+s13], $0x10, s31, s13, $0xb8;
	[tilespmem:$0xA800] =	vst v63  }
.LBB2_9:
0xd9: {  	_ =	sfence.sel $0x180000  }
0xda: {  	[bflag:$0x0] =	sbarrier.arrive $0xFFFF  }
0xdb: {  	_ =	strace $0x9000004A  }
0xdc: {  	s0 =	stileid.u32;
	[bflag:$0x2] =	sbarrier.arrive $0xFFFF  }
0xdd: {  	p0 =	sne.s32 s0, $0x0;
	s0 =	rddreg [dreg:$0x2]  }
0xde: {  	s0 =	sadd.s32 @!p0 $0x100000, s0  }
0xdf: {  	[sflag:s0] =	ssyncadd.tile.s32 @!p0 $0x1;
	_ =	shalt  }
.Lfunc_end2:
_tile_overlayer_lowered:
.L_overlay_start_2:
0xe0: {  	(tag) =	ssettag $0x2  }
0xe1: {  	s0 =	rddreg [dreg:$0x0];
	s2 =	stileid.u32  }
0xe2: {  	s1 =	rddreg [dreg:$0x1];
	p0 =	sne.s32 s2, $0x0  }
0xe3: {  	s3 =	rddreg [dreg:$0x2];
	[bflag:$0x3] =	sbarrier.arrive $0xFFFF;
	s2 =	simm.s32 @!p0 $0x1C07  }
0xe4: {  	[timem:s3], [sflag:s2] =	dma.local @!p0 [hbm:s0], s1  }
0xe5: {  	s0 =	simm.s32 @!p0 $0x7  }
0xe6: {  	_ =	swait.ge @!p0 [sflag:s0], s1  }
0xe7: {  	s1 =	ssub.s32 @!p0 $0x0, s1;
	[sflag:s0] =	ssyncset.done @!p0 $0x0  }
0xe8: {  	[sflag:s0] =	ssyncadd.s32 @!p0 s1  }
0xe9: {  	[bflag:$0x3] =	sbarrier.arrive $0xFFFF  }
0xea: {  	_ =	shalt  }

// kernel: kernel.7.cloned.1.call-start
scs
__scs_entry_jumppad:
0x0: {  	(pc) =	sbr.rel $0x88, $3  }
0x1: {  	(tag) =	ssettag $0x0;
	lr =	simm.s32 $0x1  }
0x2: {  	[smem:$0x3F97] =	sst lr;
	_ =	strace $0xD0000000  }
0x3: {  	_ = 	snop  }
0x4: {  	_ = 	snop  }
0x5: {  	_ = 	snop  }
0x6: {  	_ = 	snop  }
0x7: {  	_ = 	snop  }
__scs_overlays_trampoline_lowered:
0x8: {  	[smem:$0x3FA6] =	sst s0  }
0x9: {  	[smem:$0x3FA7] =	sst s1  }
0xa: {  	[smem:$0x3FA8] =	sst s2  }
0xb: {  	[smem:$0x3FA9] =	sst s3  }
0xc: {  	[smem:$0x3FAA] =	sst s4  }
0xd: {  	[smem:$0x3FAB] =	sst s5  }
0xe: {  	[smem:$0x3FAC] =	sst s6  }
0xf: {  	[smem:$0x3FAD] =	sst s7  }
0x10: {  	[smem:$0x3FAE] =	sst s8  }
0x11: {  	[smem:$0x3FAF] =	sst s9;
	s0 =	simm.s32 @!p0 $0x0  }
0x12: {  	s1 =	sld [smem:$0x3F95];
	s0 =	simm.s32 @p0 $0x1  }
0x13: {  	[smem:$0x3FB0] =	sst s0;
	s0 =	simm.s32 @!p1 $0x0  }
0x14: {  	s2 =	sld [smem:$0x3F94];
	s0 =	simm.s32 @p1 $0x1  }
0x15: {  	[smem:$0x3FB1] =	sst s0;
	s0 =	simm.s32 @!p2 $0x0  }
0x16: {  	s3 =	sld [smem:$0x3FDB];
	s0 =	simm.s32 @p2 $0x1  }
0x17: {  	s4 =	simm.s32 $0x1BF5;
	[smem:$0x3FB3] =	sst s0  }
0x18: {  	s0 =	sld [smem:$0x3F96];
	_ =	swait.ge [sflag:s4], $0x0  }
0x19: {  	s7 =	sld [smem:$0x3F97]  }
0x1a: {  	s8 =	sadd.s32 $0xFFFFE003, lr  }
0x1b: {  	s9 =	sadd.s32 $0xFFFFFEF7, lr;
	s5 =	simm.s32 $0xFFFFFFFF;
	p2 =	slt.u32 s8, $0xFFFFF086  }
0x1c: {  	p1 =	slt.u32 s9, $0xF7A;
	s5 =	simm.s32 @!p2 $0x0  }
0x1d: {  	s5 =	simm.s32 @p1 $0x1;
	p0 =	seq.s32 s7, s2  }
0x1e: {  	s7 =	smul.u32 @!p0 $0xF7A, s2;
	p2 =	seq.s32 @!p0 s5, $0x0  }
0x1f: {  	s9 =	smul.u32 $0xF7A, s1;
	s8 =	simm.s32 @!p0 $0x1BF5;
	p2 =	por !p2, p0  }
0x20: {  	[sflag:s8] =	ssyncset.s32 @!p0 $0xFFFFF086;
	s6 =	sadd.s32 @!p0 s3, s7;
	s7 =	simm.s32 @!p0 $0x108  }
0x21: {  	s3 =	sadd.s32 s3, s9;
	s6 =	sadd.s32 @!p0 $0x88, s6;
	s7 =	simm.s32 @p2 $0x1082  }
0x22: {  	[simem:s7], [sflag:s8] =	dma.local @!p0 [hbm:s6], $0xF7A  }
0x23: {  	s9 =	sor.u32 $0xD0000000, s2;
	s6 =	simm.s32 $0x108;
	_ =	swait.ge @!p0 [sflag:s8], $0x0  }
0x24: {  	s3 =	sadd.s32 $0x88, s3;
	s6 =	simm.s32 @!p1 $0x1082;
	[sflag:s4] =	ssyncset.s32 $0xFFFFF086  }
0x25: {  	[simem:s6], [sflag:s4] =	dma.local [hbm:s3], $0xF7A  }
0x26: {  	[smem:$0x3F97] =	sst s1;
	(tag) =	ssettag s2;
	_ =	strace s9  }
0x27: {  	s1 =	sld [smem:$0x3FA7]  }
0x28: {  	s2 =	sld [smem:$0x3FA8]  }
0x29: {  	s4 =	sld [smem:$0x3FAA]  }
0x2a: {  	p0 =	seq.s32 s5, $0x0;
	s5 =	sld [smem:$0x3FAB]  }
0x2b: {  	s6 =	sld [smem:$0x3FAC]  }
0x2c: {  	s7 =	sld [smem:$0x3FAD]  }
0x2d: {  	s3 =	simm.s32 $0x108;
	s8 =	sld [smem:$0x3FAE]  }
0x2e: {  	s3 =	simm.s32 @!p0 $0x1082;
	s9 =	sld [smem:$0x3FAF]  }
0x2f: {  	lr =	sadd.s32 s0, s3;
	s0 =	sld [smem:$0x3FA6]  }
0x30: {  	s3 =	sld [smem:$0x3FA9]  }
0x31: {  	[smem:$0x3FB2] =	sst s10  }
0x32: {  	s10 =	sld [smem:$0x3FB0];
	_ =	sdelay $0x3  }
0x33: {  	p0 =	seq.s32 s10, $0x1;
	s10 =	sld [smem:$0x3FB2];
	_ =	sdelay $0x3  }
0x34: {  	[smem:$0x3FB2] =	sst s10  }
0x35: {  	s10 =	sld [smem:$0x3FB1];
	_ =	sdelay $0x3  }
0x36: {  	p1 =	seq.s32 s10, $0x1;
	s10 =	sld [smem:$0x3FB2];
	_ =	sdelay $0x3  }
0x37: {  	[smem:$0x3FB2] =	sst s10  }
0x38: {  	s10 =	sld [smem:$0x3FB3]  }
0x39: {  	_ = 	snop;
	(pc) =	sbr.ind lr, $3  }
0x3a: {  	_ = 	snop  }
0x3b: {  	_ = 	snop  }
0x3c: {  	p2 =	seq.s32 s10, $0x1;
	s10 =	sld [smem:$0x3FB2]  }
0x3d: {  	_ =	shalt  }
0x3e: {  	_ =	shalt  }
0x3f: {  	_ =	shalt  }
0x40: {  	_ =	shalt  }
0x41: {  	_ =	shalt  }
0x42: {  	_ =	shalt  }
0x43: {  	_ =	shalt  }
0x44: {  	_ =	shalt  }
0x45: {  	_ =	shalt  }
0x46: {  	_ =	shalt  }
0x47: {  	_ =	shalt  }
0x48: {  	_ =	shalt  }
0x49: {  	_ =	shalt  }
0x4a: {  	_ =	shalt  }
0x4b: {  	_ =	shalt  }
0x4c: {  	_ =	shalt  }
0x4d: {  	_ =	shalt  }
0x4e: {  	_ =	shalt  }
0x4f: {  	_ =	shalt  }
0x50: {  	_ =	shalt  }
0x51: {  	_ =	shalt  }
0x52: {  	_ =	shalt  }
0x53: {  	_ =	shalt  }
0x54: {  	_ =	shalt  }
0x55: {  	_ =	shalt  }
0x56: {  	_ =	shalt  }
0x57: {  	_ =	shalt  }
0x58: {  	_ =	shalt  }
0x59: {  	_ =	shalt  }
0x5a: {  	_ =	shalt  }
0x5b: {  	_ =	shalt  }
0x5c: {  	_ =	shalt  }
0x5d: {  	_ =	shalt  }
0x5e: {  	_ =	shalt  }
0x5f: {  	_ =	shalt  }
0x60: {  	_ =	shalt  }
0x61: {  	_ =	shalt  }
0x62: {  	_ =	shalt  }
0x63: {  	_ =	shalt  }
0x64: {  	_ =	shalt  }
0x65: {  	_ =	shalt  }
0x66: {  	_ =	shalt  }
0x67: {  	_ =	shalt  }
0x68: {  	_ =	shalt  }
0x69: {  	_ =	shalt  }
0x6a: {  	_ =	shalt  }
0x6b: {  	_ =	shalt  }
0x6c: {  	_ =	shalt  }
0x6d: {  	_ =	shalt  }
0x6e: {  	_ =	shalt  }
0x6f: {  	_ =	shalt  }
0x70: {  	_ =	shalt  }
0x71: {  	_ =	shalt  }
0x72: {  	_ =	shalt  }
0x73: {  	_ =	shalt  }
0x74: {  	_ =	shalt  }
0x75: {  	_ =	shalt  }
0x76: {  	_ =	shalt  }
0x77: {  	_ =	shalt  }
0x78: {  	_ =	shalt  }
0x79: {  	_ =	shalt  }
0x7a: {  	_ =	shalt  }
0x7b: {  	_ =	shalt  }
0x7c: {  	_ =	shalt  }
0x7d: {  	_ =	shalt  }
0x7e: {  	_ =	shalt  }
0x7f: {  	_ =	shalt  }
0x80: {  	_ =	shalt  }
0x81: {  	_ =	shalt  }
0x82: {  	_ =	shalt  }
0x83: {  	_ =	shalt  }
0x84: {  	_ =	shalt  }
0x85: {  	_ =	shalt  }
0x86: {  	_ =	shalt  }
0x87: {  	_ =	shalt  }
.Lfunc_end0:
.L_simem_size_0:
called_computation_lowered:
.L_overlay_start_0:
0x88: {  	s2 =	sld [smem:$0x3FD9]  }
0x89: {  	s3 =	sld [smem:$0x3FFE];
	_ =	sdelay $0x1  }
0x8a: {  	s1 =	srdreg.scid  }
0x8b: {  	s0 =	sand.u32 $0x1, s1  }
0x8c: {  	s16 =	sshll.u32 s0, $0xA;
	s2 =	sadd.s32 s3, s2  }
0x8d: {  	s2 =	sadd.s32 s2, s16  }
0x8e: {  	[smem:$0x3FBE] =	sst s2  }
0x8f: {  	_ = 	snop  }
0x90: {  	(tm) =	ssettm $0x1  }
0x91: {  	s17 =	sld [smem:$0x3FFB];
	_ =	sdelay $0x3  }
0x92: {  	_ =	strace s17  }
0x93: {  	s2 =	sld [smem:$0x3FFC];
	_ =	sdelay $0x3  }
0x94: {  	_ =	strace s2  }
0x95: {  	s2 =	sld [smem:$0x3FFD];
	_ =	sdelay $0x3  }
0x96: {  	_ =	strace s2  }
0x97: {  	_ =	strace $0x8FFFFFFF  }
0x98: {  	s18 =	sld [smem:$0x3FDB];
	_ =	sdelay $0x1  }
0x99: {  	s19 =	simm.s32 $_scs_section_size  }
0x9a: {  	s4 =	simm.s32 $_size__tile_overlayer_lowered;
	s5 =	simm.s32 $_tile_overlayer_lowered  }
0x9b: {  	s22 =	simm.s32 $0x1BFF;
	s21 =	sshll.u32 s5, $0x1;
	s2 =	sadd.s32 s19, s18  }
0x9c: {  	s6 =	simm.s32 $0x0;
	s20 =	sshll.u32 s4, $0x1;
	s4 =	sadd.s32 s21, s2  }
0x9d: {  	[timem:s6], [sflag:s22] =	dma.local [hbm:s4], s20  }
0x9e: {  	_ =	swait.ge [sflag:s22], s20  }
0x9f: {  	s3 =	ssub.s32 $0x0, s20;
	[sflag:s22] =	ssyncset.done $0x0  }
0xa0: {  	[sflag:s22] =	ssyncadd.s32 s3;
	_ =	sdelay $0x1  }
0xa1: {  	s23 =	simm.s32 $0x1B8B  }
0xa2: {  	_ =	swait.ge [sflag:s23], $0x1  }
0xa3: {  	[sflag:s23] =	ssyncset.done $0x0  }
0xa4: {  	s25 =	simm.s32 $0x1B8E;
	s24 =	sld [smem:$0x3FFE];
	[sflag:s23] =	ssyncadd.s32 $0xFFFFFFFF  }
0xa5: {  	s26 =	simm.s32 $execute0_lowered;
	[smem:$0x3FD2] =	sst s25  }
0xa6: {  	s4 =	sshll.u32 s26, $0x1;
	_ =	strace $0x80000046;
	[dreg:$0x1] =	wrdreg $0xFFFFFFFF  }
0xa7: {  	s28 =	simm.s32 $_size_execute0_lowered;
	s2 =	sadd.s32 s2, s4;
	[dreg:$0x0] =	wrdreg $0x0  }
0xa8: {  	s4 =	sshll.u32 s28, $0x1;
	[dreg:$0x2] =	wrdreg s2  }
0xa9: {  	[dreg:$0x3] =	wrdreg s4  }
0xaa: {  	[dreg:$0x4] =	wrdreg $0xC0  }
0xab: {  	_ =	task [dreg:s6], $0x5FFFF  }
0xac: {  	[dreg:$0x1] =	wrdreg $0xFFFFFFFF  }
0xad: {  	[dreg:$0x0] =	wrdreg $0x60  }
0xae: {  	[dreg:$0x2] =	wrdreg s24  }
0xaf: {  	[dreg:$0x3] =	wrdreg $0x100000  }
0xb0: {  	[dreg:$0x4] =	wrdreg $0x9  }
0xb1: {  	_ =	task.clear_ibuf [dreg:s6], $0x5FFFF;
	_ =	strace $0x90000046  }
0xb2: {  	s29 =	simm.s32 $0x9;
	_ =	strace $0x80000048  }
0xb3: {  	_ =	swait.ge [sflag:s29], $0x1  }
0xb4: {  	[sflag:s29] =	ssyncadd.s32 $0xFFFFFFFF  }
0xb5: {  	_ =	strace $0x90000048  }
0xb6: {  	_ =	sfence  }
0xb7: {  	s30 =	sld [smem:$0x0];
	_ =	sdelay $0x2  }
0xb8: {  	s31 =	sshll.u32 s1, $0xD;
	s1 =	sshrl.u32 s1, $0x2  }
0xb9: {  	s3 =	sand.u32 $0x4000, s31;
	s1 =	sadd.s32 s1, s30  }
0xba: {  	s0 =	sor.u32 s3, s0;
	s1 =	sshll.u32 s1, $0x11  }
0xbb: {  	s0 =	sor.u32 s1, s0  }
0xbc: {  	s0 =	sadd.s32 $0x8F2B, s0  }
0xbd: {  	[sflag:s0] =	ssyncadd.remote.s32 $0x1  }
0xbe: {  	_ =	sfence.sel $0xFFFF  }
0xbf: {  	[dreg:$0x0] =	wrdreg $0xFFFFFFFF;
	(pc) =	sbr.abs _section_cstart, $3  }
0xc0: {  	[dreg:$0x1] =	wrdreg $0xFFFFFFFF  }
0xc1: {  	_ =	task.clear_ibuf [dreg:s6], $0x2FFFF;
	_ =	strace $0x9FFFFFFF  }
0xc2: {  	(tm) =	ssettm $0x7FFFFFFF  }
0xc3: {  	_ =	shalt  }
tec
execute0_lowered:
.L_overlay_start_1:
0x0: {  	(tag) =	ssettag $0x1  }
0x1: {  	s0 =	rddreg [dreg:$0x0]  }
0x2: {  	s1 =	srdreg.scid;
	s11 =	stileid.u32  }
0x3: {  	s2 =	rddreg [dreg:$0x1];
	s4 =	simm.s32 $0x0;
	s14 =	simm.s32 $0x80  }
0x4: {  	s17 =	simm.s32 $0x7800;
	s19 =	simm.s32 $0xA800;
	s20 =	simm.s32 $0x1  }
0x5: {  	s21 =	simm.s32 $0x3;
	s22 =	simm.s32 $0xB000;
	s23 =	simm.s32 $0x2  }
0x6: {  	s28 =	simm.s32 $0x5;
	s29 =	simm.s32 $0x6;
	s30 =	simm.s32 $0x0  }
0x7: {  	s1 =	sand.u32 $0x1, s1;
	s3 =	sshll.u32 s11, $0x1;
	[smem:$0x7FF] =	sst s4  }
0x8: {  	s4 =	sadd.s32 $0x52200, s0;
	s6 =	smul.u32 $0xC800, s11;
	s5 =	sadd.s32 $0x6B200, s0  }
0x9: {  	s31 =	sshll.u32 s11, $0x6;
	s3 =	sor.u32 s1, s3;
	_ =	strace $0x80000047  }
0xa: {  	s7 =	smul.u32 $0x19000, s1;
	s1 =	ssub.s32 $0x2, s1;
	s12 =	sor.u32 $0x1C07, s31  }
0xb: {  	s3 =	smul.u32 $0x500, s3;
	s8 =	sshrl.u32 s6, $0x3;
	s9 =	sshrl.u32 s1, $0x1  }
0xc: {  	s25 =	sadd.s32 s6, s2;
	s10 =	sadd.s32 s8, s0;
	s1 =	ssub.s32 s1, s9  }
0xd: {  	s13 =	sshrl.u32 s25, $0x3;
	s3 =	sadd.s32 s3, s0;
	s26 =	sadd.s32 $0x84200, s10  }
.Ltmp0:
0xe: {  	s1 =	smax.u32 s1, $0x1;
	[dreg:$0x5] =	wrdreg s26;
	(pc) =	sbr.rel .LBB2_1-.Ltmp0, $4  }
0xf: {  	s0 =	sadd.s32 s7, s0;
	s24 =	sadd.s32 $0x70200, s3;
	[dreg:$0x6] =	wrdreg s1  }
0x10: {  	v0 =	vlaneseq.u32;
	s3 =	sadd.s32 $0x7A200, s3;
	s0 =	sadd.s32 $0x9D200, s0;
	[dreg:$0x3] =	wrdreg s24  }
0x11: {  	vm0 =	vmmov $0xff;
	v0 =	vshrl.u32 v0, $0x3;
	s25 =	simm.s32 $0x4;
	[dreg:$0x4] =	wrdreg s3;
	s0 =	sadd.s32 s8, s0  }
0x12: {  	v1 =	vor.u32 $0x2, v0;
	v2 =	vor.u32 $0x4, v0;
	v3 =	vor.u32 $0x6, v0;
	s10 =	simm.s32 $0x7;
	s26 =	simm.s32 $0xD800;
	[dreg:$0x7] =	wrdreg s0  }
.LBB2_8:
0x13: {  	_ =	swait.ge [sflag:s28], $0x2800  }
0x14: {  	[sflag:s28] =	ssyncset.done $0x0  }
0x15: {  	[sflag:s28] =	ssyncadd.s32 $0xFFFFD800  }
0x16: {  	_ =	swait.ge [sflag:s29], $0x2800  }
0x17: {  	[sflag:s29] =	ssyncset.done $0x0  }
0x18: {  	[sflag:s29] =	ssyncadd.s32 $0xFFFFD800  }
0x19: {  	[bflag:$0x0] =	sbarrier.arrive $0xFFFF  }
0x1a: {  	s0 =	rddreg [dreg:$0x7]  }
0x1b: {  	[hbm:s0], [sflag:s12] =	dma.local [spmem:s13], $0x1900  }
0x1c: {  	_ =	swait.ge [sflag:s10], $0x1900  }
0x1d: {  	s30 =	sadd.s32 $0x1, s30;
	s31 =	rddreg [dreg:$0x6]  }
0x1e: {  	p0 =	sne.s32 s30, s31  }
.Ltmp1:
0x1f: {  	_ = 	snop;
	(pc) =	sbr.rel @!p0 .LBB2_9-.Ltmp1, $3  }
0x20: {  	_ =	sdelay $0x1  }
0x21: {  	[sflag:s10] =	ssyncset.done $0x0  }
0x22: {  	[sflag:s10] =	ssyncadd.s32 $0xFFFFE700  }
.LBB2_1:
0x23: {  	s0 =	simm.s32 $0x0;
	s1 =	rddreg [dreg:$0x3]  }
0x24: {  	[tilespmem:s0], [sflag:$0x7] =	stream.linear.gather [hbm4b:s1+s0], $0x2800, $0x38;
	[tilespmem:$0x1C800] =	vst v63  }
0x25: {  	_ =	swait.ge [sflag:s10], $0x2800  }
0x26: {  	[sflag:s10] =	ssyncset.done $0x0  }
0x27: {  	s3 =	simm.s32 $0x2800;
	s11 =	rddreg [dreg:$0x4];
	[sflag:s10] =	ssyncadd.s32 $0xFFFFD800  }
0x28: {  	[tilespmem:s3], [sflag:$0x7] =	stream.linear.gather [hbm4b:s11+s0], $0x2800, $0x38;
	[tilespmem:$0x1C800] =	vst v63  }
0x29: {  	_ =	swait.ge [sflag:s10], $0x2800  }
0x2a: {  	[sflag:s10] =	ssyncset.done $0x0  }
0x2b: {  	s15 =	rddreg [dreg:$0x5];
	[sflag:s10] =	ssyncadd.s32 $0xFFFFD800  }
0x2c: {  	[spmem:s13], [sflag:s12] =	dma.local [hbm:s15], $0x1900  }
0x2d: {  	_ =	swait.ge [sflag:s10], $0x1900  }
0x2e: {  	[sflag:s10] =	ssyncset.done $0x0  }
0x2f: {  	[sflag:s10] =	ssyncadd.s32 $0xFFFFE700  }
0x30: {  	s16 =	simm.s32 $0x5000;
	[bflag:$0x0] =	sbarrier.arrive $0xFFFF  }
0x31: {  	[tilespmem:s16], [sflag:$0x1] =	stream.indirect.gather [hbm4b:s4+s14], $0x50, s0, s14, $0xb8;
	[tilespmem:$0x1C800] =	vst v63  }
0x32: {  	s18 =	simm.s32 $0xA000  }
0x33: {  	[tilespmem:s18], [sflag:$0x3] =	stream.indirect.gather [hbm4b:s5+s14], $0x10, s3, s14, $0xb8;
	[tilespmem:$0x1C800] =	vst v63  }
0x34: {  	_ = 	snop  }
0x35: {  	[tilespmem:s17], [sflag:$0x2] =	stream.indirect.gather [hbm4b:s4+s14], $0x50, s14, s14, $0xb8;
	[tilespmem:$0x1C800] =	vst v63  }
0x36: {  	s24 =	simm.s32 $0x2880;
	s31 =	simm.s32 $0x0  }
0x37: {  	[tilespmem:s19], [sflag:$0x4] =	stream.indirect.gather [hbm4b:s5+s14], $0x10, s24, s14, $0xb8;
	[tilespmem:$0x1C800] =	vst v63  }
.LBB2_2:
0x38: {  	p0 =	seq.s32 s31, $0x0  }
0x39: {  	s0 =	simm.s32 @!p0 $0x5  }
0x3a: {  	_ =	swait.ge @!p0 [sflag:s0], $0x2800  }
0x3b: {  	[sflag:s0] =	ssyncset.done @!p0 $0x0  }
0x3c: {  	[sflag:s0] =	ssyncadd.s32 @!p0 $0xFFFFD800  }
0x3d: {  	_ =	swait.ge [sflag:s20], $0x2800  }
0x3e: {  	[sflag:s20] =	ssyncset.done $0x0  }
0x3f: {  	[sflag:s20] =	ssyncadd.s32 $0xFFFFD800  }
0x40: {  	_ =	swait.ge [sflag:s21], $0x800  }
0x41: {  	[sflag:s21] =	ssyncset.done $0x0  }
0x42: {  	s6 =	simm.s32 $0x50A0;
	[sflag:s21] =	ssyncadd.s32 $0xFFFFF800  }
0x43: {  	s18 =	simm.s32 $0xA020;
	v4 =	vld [tilespmem:s6+$0x90]  }
0x44: {  	v5 =	vld [tilespmem:s18+$0x10];
	_ =	sdelay $0x3  }
0x45: {  	v6 =	vld [tilespmem:s18+$0xFFFFFFE0]  }
0x46: {  	v7 =	vld [tilespmem:s18+$0xFFFFFFF0];
	v4 =	vadd.f32 v5, v4  }
0x47: {  	v9 =	vld [tilespmem:s6+$0x40]  }
0x48: {  	v5 =	vld [tilespmem:s6+$0xFFFFFFF0];
	v8 =	vmul.f32 $2.000000030e-01, v4  }
0x49: {  	v10 =	vld [tilespmem:s18+$0x0];
	vm1 =	vge.f32 v4, $0.0e+00  }
0x4a: {  	v4 =	vsel vm1, v4, v8;
	v8 =	vld [tilespmem:s6+$0xFFFFFFA0]  }
0x4b: {  	v4 =	vmul.f32 $1.442695020e+00, v4;
	_ =	sdelay $0x1  }
0x4c: {  	(erf) = vpow2.f32 v4;
	v4 =	vadd.f32 v7, v5  }
0x4d: {  	v5 =	vadd.f32 v10, v9  }
0x4e: {  	v7 =	vmul.f32 $2.000000030e-01, v4;
	v6 =	vadd.f32 v6, v8  }
0x4f: {  	vm1 =	vge.f32 v4, $0.0e+00;
	v8 =	vmul.f32 $2.000000030e-01, v5  }
0x50: {  	v4 =	vsel vm1, v4, v7;
	vm1 =	vge.f32 v5, $0.0e+00;
	v7 =	vmul.f32 $2.000000030e-01, v6  }
0x51: {  	vm2 =	vge.f32 v6, $0.0e+00;
	v4 =	vmul.f32 $1.442695020e+00, v4;
	v5 =	vsel vm1, v5, v8  }
0x52: {  	v6 =	vsel vm2, v6, v7;
	v5 =	vmul.f32 $1.442695020e+00, v5  }
0x53: {  	s0 =	simm.s32 $0x51E0;
	v6 =	vmul.f32 $1.442695020e+00, v6;
	(erf) = vpow2.f32 v4  }
0x54: {  	s1 =	simm.s32 $0xA060;
	v4 =	vld [tilespmem:s0+$0x90];
	(erf) = vpow2.f32 v5  }
0x55: {  	v7 =	vpop (erf);
	(erf) = vpow2.f32 v6;
	v6 =	vld [tilespmem:s1+$0x10]  }
0x56: {  	s15 =	simm.s32 $0xB0A0;
	v11 =	vld [tilespmem:s1+$0xFFFFFFF0];
	v5 =	vnsel vm0, $0x0, v7  }
0x57: {  	v12 =	vld [tilespmem:s0+$0x40];
	[tilespmem:s15+$0x90] =	vst v5  }
0x58: {  	v5 =	vld [tilespmem:s6+$0x50]  }
0x59: {  	v9 =	vld [tilespmem:s0+$0xFFFFFFF0];
	v10 =	vperm.xlane v7, v0  }
0x5a: {  	v13 =	vld [tilespmem:s1+$0x0];
	v4 =	vadd.f32 v6, v4  }
0x5b: {  	v16 =	vld [tilespmem:s0+$0xFFFFFFA0]  }
0x5c: {  	v8 =	vld [tilespmem:s1+$0xFFFFFFE0];
	v6 =	vpop (erf);
	v14 =	vmul.f32 $2.000000030e-01, v4  }
0x5d: {  	vm1 =	vge.f32 v4, $0.0e+00;
	v5 =	vmul.f32 v5, v10;
	v10 =	vpop (erf);
	v17 =	vnsel vm0, $0x0, v6  }
0x5e: {  	v9 =	vadd.f32 v11, v9;
	v15 =	vpop (erf);
	v4 =	vsel vm1, v4, v14;
	[tilespmem:s15+$0xFFFFFFF0] =	vst v17  }
0x5f: {  	[tilespmem:s15+$0x50] =	vst v5;
	v5 =	vnsel vm0, $0x0, v15;
	v4 =	vmul.f32 $1.442695020e+00, v4;
	v11 =	vld [tilespmem:s6+$0xFFFFFFB0]  }
0x60: {  	v12 =	vadd.f32 v13, v12;
	v19 =	vmul.f32 $2.000000030e-01, v9;
	v14 =	vld [tilespmem:s6+$0x60];
	[tilespmem:s15+$0xFFFFFFA0] =	vst v5  }
0x61: {  	v8 =	vadd.f32 v8, v16;
	v17 =	vnsel vm0, $0x0, v10;
	v18 =	vld [tilespmem:s6+$0xFFFFFF60];
	(erf) = vpow2.f32 v4  }
0x62: {  	v16 =	vmul.f32 $2.000000030e-01, v12;
	[tilespmem:s15+$0x40] =	vst v17;
	v5 =	vperm.xlane v6, v0  }
0x63: {  	vm2 =	vge.f32 v8, $0.0e+00;
	v21 =	vperm.xlane v6, v2;
	v13 =	vld [tilespmem:s6+$0x0];
	v4 =	vperm.xlane v7, v1  }
0x64: {  	vm1 =	vge.f32 v9, $0.0e+00;
	v17 =	vperm.xlane v15, v0;
	v5 =	vmul.f32 v11, v5  }
0x65: {  	s24 =	simm.s32 $0xA0A0;
	v9 =	vsel vm1, v9, v19;
	v19 =	vmul.f32 $2.000000030e-01, v8;
	v4 =	vmul.f32 v14, v4  }
0x66: {  	v24 =	vld [tilespmem:s24+$0xFFFFFFF0];
	vm1 =	vge.f32 v12, $0.0e+00;
	v14 =	vperm.xlane v10, v0;
	v17 =	vmul.f32 v18, v17;
	[tilespmem:s15+$0xFFFFFFB0] =	vst v5  }
0x67: {  	v23 =	vperm.xlane v10, v2;
	v11 =	vsel vm1, v12, v16;
	[tilespmem:s15+$0x60] =	vst v4;
	v4 =	vmul.f32 $1.442695020e+00, v9;
	v16 =	vld [tilespmem:s6+$0xFFFFFFC0]  }
0x68: {  	v8 =	vsel vm2, v8, v19;
	v11 =	vmul.f32 $1.442695020e+00, v11;
	v12 =	vmul.f32 v13, v14;
	v9 =	vld [tilespmem:s6+$0x70];
	[tilespmem:s15+$0xFFFFFF60] =	vst v17  }
0x69: {  	v8 =	vmul.f32 $1.442695020e+00, v8;
	v14 =	vld [tilespmem:s6+$0xFFFFFF70];
	(erf) = vpow2.f32 v4  }
0x6a: {  	s18 =	simm.s32 $0x5320;
	v20 =	vperm.xlane v15, v2;
	[tilespmem:s15+$0x0] =	vst v12;
	v12 =	vld [tilespmem:s24+$0x10];
	(erf) = vpow2.f32 v11;
	v13 =	vpop (erf)  }
0x6b: {  	s16 =	simm.s32 $0xB1E0;
	v4 =	vperm.xlane v7, v2;
	(erf) = vpow2.f32 v8;
	v8 =	vld [tilespmem:s18+$0x90];
	v5 =	vnsel vm0, $0x0, v13  }
0x6c: {  	v18 =	vperm.xlane v10, v1;
	v17 =	vperm.xlane v6, v1;
	v11 =	vld [tilespmem:s6+$0x10];
	[tilespmem:s16+$0x90] =	vst v5  }
0x6d: {  	v4 =	vmul.f32 v9, v4;
	v9 =	vperm.xlane v15, v1;
	v19 =	vld [tilespmem:s0+$0x50]  }
0x6e: {  	v29 =	vld [tilespmem:s18+$0xFFFFFFA0];
	v7 =	vperm.xlane v7, v3;
	v5 =	vperm.xlane v6, v3  }
0x6f: {  	v16 =	vmul.f32 v16, v17;
	v9 =	vmul.f32 v14, v9;
	v14 =	vld [tilespmem:s18+$0xFFFFFFF0]  }
0x70: {  	v17 =	vperm.xlane v13, v0;
	[tilespmem:s15+$0x70] =	vst v4;
	v4 =	vperm.xlane v15, v3;
	v15 =	vld [tilespmem:s24+$0xFFFFFFE0];
	v8 =	vadd.f32 v12, v8  }
0x71: {  	v6 =	vperm.xlane v10, v3;
	v11 =	vmul.f32 v11, v18;
	v22 =	vld [tilespmem:s6+$0x80]  }
0x72: {  	v18 =	vld [tilespmem:s18+$0x40];
	v10 =	vpop (erf);
	v17 =	vmul.f32 v19, v17;
	v30 =	vmul.f32 $2.000000030e-01, v8;
	vm1 =	vge.f32 v8, $0.0e+00  }
0x73: {  	s8 =	simm.s32 $0xA0E0;
	[tilespmem:s15+$0xFFFFFFC0] =	vst v16;
	v19 =	vld [tilespmem:s24+$0x0];
	v12 =	vperm.xlane v10, v0;
	v25 =	vpop (erf);
	v26 =	vnsel vm0, $0x0, v10;
	v33 =	vperm.xlane v10, v2  }
0x74: {  	v35 =	vld [tilespmem:s8+$0x0];
	[tilespmem:s15+$0xFFFFFF70] =	vst v9;
	v27 =	vperm.xlane v25, v0;
	v28 =	vpop (erf);
	v14 =	vadd.f32 v24, v14;
	v8 =	vsel vm1, v8, v30  }
0x75: {  	v16 =	vld [tilespmem:s6+$0xFFFFFF80];
	[tilespmem:s16+$0x50] =	vst v17;
	v34 =	vperm.xlane v25, v2;
	v31 =	vnsel vm0, $0x0, v28;
	v17 =	vperm.xlane v28, v0  }
0x76: {  	v30 =	vnsel vm0, $0x0, v25;
	v24 =	vld [tilespmem:s0+$0x60];
	v22 =	vmul.f32 v22, v7;
	v7 =	vmul.f32 $1.442695020e+00, v8;
	[tilespmem:s16+$0xFFFFFFA0] =	vst v31  }
0x77: {  	[tilespmem:s16+$0xFFFFFFF0] =	vst v26;
	v15 =	vadd.f32 v15, v29;
	v29 =	vperm.xlane v28, v1;
	v26 =	vmul.f32 $2.000000030e-01, v14;
	v8 =	vld [tilespmem:s0+$0xFFFFFF60]  }
0x78: {  	s11 =	simm.s32 $0x5460;
	vm1 =	vge.f32 v14, $0.0e+00;
	v18 =	vadd.f32 v19, v18;
	v19 =	vld [tilespmem:s0+$0xFFFFFFB0];
	(erf) = vpow2.f32 v7  }
0x79: {  	v39 =	vld [tilespmem:s11+$0xFFFFFFA0];
	[tilespmem:s16+$0x40] =	vst v30;
	v9 =	vmul.f32 $2.000000030e-01, v15;
	v7 =	vperm.xlane v13, v1;
	v14 =	vsel vm1, v14, v26  }
0x7a: {  	v30 =	vld [tilespmem:s0+$0x0];
	v20 =	vmul.f32 v16, v20;
	v14 =	vmul.f32 $1.442695020e+00, v14  }
0x7b: {  	vm2 =	vge.f32 v15, $0.0e+00;
	v16 =	vld [tilespmem:s8+$0x10];
	v26 =	vmul.f32 $2.000000030e-01, v18;
	v7 =	vmul.f32 v24, v7  }
0x7c: {  	[tilespmem:s15+$0x10] =	vst v11;
	v9 =	vsel vm2, v15, v9;
	vm1 =	vge.f32 v18, $0.0e+00;
	v24 =	vld [tilespmem:s6+$0xFFFFFFD0];
	(erf) = vpow2.f32 v14  }
0x7d: {  	v18 =	vsel vm1, v18, v26;
	v8 =	vmul.f32 v8, v17;
	[tilespmem:s16+$0x60] =	vst v7;
	v7 =	vmul.f32 v19, v12;
	v12 =	vld [tilespmem:s6+$0x20]  }
0x7e: {  	v9 =	vmul.f32 $1.442695020e+00, v9;
	v15 =	vmul.f32 $1.442695020e+00, v18;
	v11 =	vld [tilespmem:s0+$0x70]  }
0x7f: {  	v17 =	vperm.xlane v10, v1;
	[tilespmem:s16+$0xFFFFFF60] =	vst v8;
	v8 =	vmul.f32 v30, v27;
	v27 =	vld [tilespmem:s11+$0x90]  }
0x80: {  	v18 =	vperm.xlane v25, v1;
	(erf) = vpow2.f32 v15;
	[tilespmem:s16+$0xFFFFFFB0] =	vst v7;
	v15 =	vld [tilespmem:s0+$0xFFFFFF70]  }
0x81: {  	(erf) = vpow2.f32 v9;
	v7 =	vld [tilespmem:s0+$0xFFFFFFC0];
	[tilespmem:s16+$0x0] =	vst v8;
	v8 =	vperm.xlane v13, v2;
	v14 =	vpop (erf)  }
0x82: {  	s7 =	simm.s32 $0xB320;
	[tilespmem:s15+$0x80] =	vst v22;
	v19 =	vperm.xlane v28, v2;
	v10 =	vperm.xlane v10, v3;
	v26 =	vld [tilespmem:s0+$0x10];
	v9 =	vnsel vm0, $0x0, v14  }
0x83: {  	v22 =	vld [tilespmem:s8+$0xFFFFFFE0];
	v21 =	vmul.f32 v24, v21;
	v8 =	vmul.f32 v11, v8;
	[tilespmem:s7+$0x90] =	vst v9  }
0x84: {  	v13 =	vperm.xlane v13, v3;
	v24 =	vmul.f32 v12, v23;
	v23 =	vld [tilespmem:s18+$0x50]  }
0x85: {  	v30 =	vld [tilespmem:s11+$0xFFFFFFF0];
	[tilespmem:s16+$0x70] =	vst v8;
	v8 =	vperm.xlane v28, v3;
	v15 =	vmul.f32 v15, v29  }
0x86: {  	v16 =	vadd.f32 v16, v27;
	v29 =	vmul.f32 v7, v17;
	v7 =	vperm.xlane v25, v3;
	v9 =	vpop (erf);
	v28 =	vld [tilespmem:s0+$0x80]  }
0x87: {  	[tilespmem:s15+$0xFFFFFF80] =	vst v20;
	v17 =	vnsel vm0, $0x0, v9;
	v25 =	vmul.f32 v26, v18;
	v26 =	vld [tilespmem:s8+$0xFFFFFFF0];
	v18 =	vperm.xlane v14, v0  }
0x88: {  	v31 =	vld [tilespmem:s11+$0x40];
	v27 =	vperm.xlane v9, v0;
	v37 =	vmul.f32 $2.000000030e-01, v16;
	[tilespmem:s7+$0xFFFFFFF0] =	vst v17  }
0x89: {  	v17 =	vperm.xlane v9, v1;
	[tilespmem:s16+$0xFFFFFFC0] =	vst v29;
	v29 =	vadd.f32 v22, v39;
	v11 =	vpop (erf);
	v23 =	vmul.f32 v23, v18  }
0x8a: {  	vm1 =	vge.f32 v16, $0.0e+00;
	[tilespmem:s16+$0xFFFFFF70] =	vst v15;
	v22 =	vperm.xlane v14, v1;
	v15 =	vperm.xlane v9, v2;
	v12 =	vpop (erf)  }
0x8b: {  	v59 =	vld [tilespmem:s18+$0xFFFFFFB0];
	v38 =	vperm.xlane v11, v0;
	v20 =	vmul.f32 $2.000000030e-01, v29;
	v36 =	vnsel vm0, $0x0, v12;
	[tilespmem:s7+$0x50] =	vst v23  }
0x8c: {  	[tilespmem:s7+$0xFFFFFFA0] =	vst v36;
	v40 =	vmul.f32 v28, v13;
	v13 =	vsel vm1, v16, v37;
	v26 =	vadd.f32 v26, v30;
	v28 =	vld [tilespmem:s18+$0x60]  }
0x8d: {  	v31 =	vadd.f32 v35, v31;
	[tilespmem:s15+$0x20] =	vst v24;
	v24 =	vperm.xlane v11, v2;
	v23 =	vld [tilespmem:s18+$0xFFFFFF60];
	v30 =	vmul.f32 $1.442695020e+00, v13  }
0x8e: {  	v62 =	vld [tilespmem:s0+$0xFFFFFF80];
	v32 =	vnsel vm0, $0x0, v11;
	[tilespmem:s16+$0x10] =	vst v25;
	v58 =	vperm.xlane v12, v0;
	v60 =	vmul.f32 $2.000000030e-01, v26  }
0x8f: {  	[tilespmem:s7+$0x40] =	vst v32;
	v63 =	vld [tilespmem:s0+$0x20];
	vm1 =	vge.f32 v26, $0.0e+00;
	(erf) = vpow2.f32 v30;
	v30 =	vmul.f32 $2.000000030e-01, v31  }
0x90: {  	v18 =	vperm.xlane v12, v1;
	v61 =	vld [tilespmem:s18+$0x0];
	v25 =	vsel vm1, v26, v60;
	vm1 =	vge.f32 v31, $0.0e+00  }
0x91: {  	v32 =	vperm.xlane v14, v2;
	v26 =	vld [tilespmem:s0+$0xFFFFFFD0];
	v30 =	vsel vm1, v31, v30;
	v28 =	vmul.f32 v28, v22  }
0x92: {  	[tilespmem:s15+$0xFFFFFFD0] =	vst v21;
	vm1 =	vge.f32 v29, $0.0e+00;
	v21 =	vmul.f32 $1.442695020e+00, v25;
	v25 =	vmul.f32 v23, v58;
	v22 =	vld [tilespmem:s6+$0xFFFFFF90]  }
0x93: {  	v27 =	vmul.f32 v59, v27;
	v23 =	vld [tilespmem:s6+$0xFFFFFFE0];
	v20 =	vsel vm1, v29, v20;
	v29 =	vmul.f32 $1.442695020e+00, v30;
	[tilespmem:s7+$0x60] =	vst v28  }
0x94: {  	v20 =	vmul.f32 $1.442695020e+00, v20;
	(erf) = vpow2.f32 v21;
	[tilespmem:s7+$0xFFFFFF60] =	vst v25;
	v30 =	vld [tilespmem:s18+$0x70]  }
0x95: {  	[tilespmem:s7+$0xFFFFFFB0] =	vst v27;
	v21 =	vmul.f32 v61, v38;
	(erf) = vpow2.f32 v29;
	v29 =	vld [tilespmem:s18+$0xFFFFFF70]  }
0x96: {  	v16 =	vperm.xlane v11, v1;
	v28 =	vld [tilespmem:s18+$0xFFFFFFC0];
	(erf) = vpow2.f32 v20  }
0x97: {  	s9 =	simm.s32 $0xC;
	v13 =	vperm.xlane v12, v2;
	v31 =	vmul.f32 v62, v19;
	v25 =	vld [tilespmem:s6+$0x30];
	[tilespmem:s7+$0x0] =	vst v21  }
0x98: {  	s1 =	sshll.u32 s31, $0x8;
	s24 =	simm.s32 $0x55A0;
	[tilespmem:s16+$0x80] =	vst v40;
	s6 =	simm.s32 $0xB320;
	v26 =	vmul.f32 v26, v33;
	v20 =	vmul.f32 v63, v34;
	v27 =	vld [tilespmem:s18+$0x10];
	v19 =	vpop (erf)  }
.LBB2_3:
0x99: {  	v33 =	vld [tilespmem:s24+$0x90];
	v34 =	vnsel vm0, $0x0, v19;
	s8 =	sadd.s32 $0x40, s8;
	v12 =	vperm.xlane v12, v3;
	v30 =	vmul.f32 v30, v32;
	s7 =	sadd.s32 $0x140, s7;
	[tilespmem:s16+$0xFFFFFF80] =	vst v31;
	v21 =	vmovc v24  }
0x9a: {  	v24 =	vld [tilespmem:s8+$0x10];
	[tilespmem:s7+$0x90] =	vst v34;
	v18 =	vmul.f32 v29, v18;
	v29 =	vperm.xlane v9, v3  }
0x9b: {  	v31 =	vld [tilespmem:s11+$0x50];
	v17 =	vmul.f32 v28, v17;
	v28 =	vperm.xlane v11, v3;
	[tilespmem:s6+$0x70] =	vst v30  }
0x9c: {  	s9 =	sadd.s32 $0x4, s9;
	v22 =	vmul.f32 v22, v4;
	v23 =	vmul.f32 v23, v5;
	v4 =	vmovc v8;
	v8 =	vmov v12;
	[tilespmem:s6+$0xFFFFFF70] =	vst v18;
	v18 =	vld [tilespmem:s18+$0x80]  }
0x9d: {  	v5 =	vmov v10;
	p0 =	slt.u32 s9, $0x7C;
	v25 =	vmul.f32 v25, v6;
	v30 =	vld [tilespmem:s8+$0xFFFFFFE0];
	v9 =	vpop (erf);
	[tilespmem:s6+$0xFFFFFFC0] =	vst v17;
	v27 =	vmul.f32 v27, v16  }
0x9e: {  	v37 =	vperm.xlane v19, v0;
	v32 =	vld [tilespmem:s24+$0xFFFFFFF0];
	v6 =	vnsel vm0, $0x0, v9;
	v34 =	vperm.xlane v9, v0;
	v11 =	vpop (erf);
	[tilespmem:s16+$0xFFFFFFD0] =	vst v26  }
0x9f: {  	v39 =	vperm.xlane v14, v3;
	v26 =	vld [tilespmem:s8+$0xFFFFFFF0];
	[tilespmem:s7+$0xFFFFFFF0] =	vst v6;
	v38 =	vnsel vm0, $0x0, v11;
	v35 =	vperm.xlane v11, v0;
	v12 =	vpop (erf)  }
0xa0: {  	v10 =	vmovc v29;
	v24 =	vadd.f32 v24, v33;
	v36 =	vld [tilespmem:s24+$0x40];
	v16 =	vnsel vm0, $0x0, v12;
	[tilespmem:s7+$0x40] =	vst v38;
	v17 =	vmul.f32 v31, v37  }
0xa1: {  	v31 =	vperm.xlane v12, v0;
	v29 =	vld [tilespmem:s8+$0x0];
	[tilespmem:s7+$0xFFFFFFA0] =	vst v16;
	v33 =	vmul.f32 v18, v39;
	v6 =	vmovc v7;
	v7 =	vmov v28  }
0xa2: {  	v14 =	vmov v19;
	v37 =	vmul.f32 $2.000000030e-01, v24;
	v18 =	vperm.xlane v12, v1;
	v28 =	vld [tilespmem:s24+$0xFFFFFFA0];
	[tilespmem:s7+$0x50] =	vst v17  }
0xa3: {  	vm1 =	vge.f32 v24, $0.0e+00;
	v16 =	vperm.xlane v11, v1;
	v17 =	vperm.xlane v9, v1;
	v19 =	vld [tilespmem:s11+$0xFFFFFF60];
	[tilespmem:s6+$0x80] =	vst v33  }
0xa4: {  	v24 =	vsel vm1, v24, v37;
	v33 =	vperm.xlane v12, v2;
	v26 =	vadd.f32 v26, v32;
	v32 =	vld [tilespmem:s11+$0x60];
	[tilespmem:s6+$0x10] =	vst v27  }
0xa5: {  	v37 =	vperm.xlane v9, v2;
	v24 =	vmul.f32 $1.442695020e+00, v24;
	v27 =	vld [tilespmem:s11+$0xFFFFFFB0];
	[tilespmem:s16+$0x20] =	vst v20  }
0xa6: {  	vm1 =	vge.f32 v26, $0.0e+00;
	v20 =	vmul.f32 $2.000000030e-01, v26;
	v29 =	vadd.f32 v29, v36;
	v36 =	vld [tilespmem:s11+$0x0];
	[tilespmem:s15+$0xFFFFFF90] =	vst v22  }
0xa7: {  	v22 =	vperm.xlane v14, v1;
	v28 =	vadd.f32 v30, v28;
	(erf) = vpow2.f32 v24;
	v38 =	vld [tilespmem:s18+$0xFFFFFF80];
	[tilespmem:s15+$0xFFFFFFE0] =	vst v23  }
0xa8: {  	v20 =	vsel vm1, v26, v20;
	vm1 =	vge.f32 v29, $0.0e+00;
	v23 =	vmul.f32 $2.000000030e-01, v29;
	v26 =	vld [tilespmem:s18+$0xFFFFFFD0];
	[tilespmem:s15+$0x30] =	vst v25;
	s15 =	smov.u32 s16;
	s16 =	smov.u32 s6;
	s6 =	smov.u32 s7  }
0xa9: {  	vm2 =	vge.f32 v28, $0.0e+00;
	v24 =	vmul.f32 $2.000000030e-01, v28;
	v25 =	vmul.f32 v32, v22;
	v39 =	vld [tilespmem:s18+$0x20]  }
0xaa: {  	v19 =	vmul.f32 v19, v31;
	v20 =	vmul.f32 $1.442695020e+00, v20;
	v23 =	vsel vm1, v29, v23;
	v22 =	vld [tilespmem:s0+$0xFFFFFF90]  }
0xab: {  	v27 =	vmul.f32 v27, v34;
	v24 =	vsel vm2, v28, v24;
	v28 =	vmul.f32 $1.442695020e+00, v23;
	[tilespmem:s7+$0x60] =	vst v25;
	v23 =	vld [tilespmem:s0+$0xFFFFFFE0]  }
.Ltmp2:
0xac: {  	v24 =	vmul.f32 $1.442695020e+00, v24;
	(erf) = vpow2.f32 v20;
	[tilespmem:s7+$0xFFFFFF60] =	vst v19;
	v30 =	vld [tilespmem:s11+$0x70];
	(pc) =	sbr.rel @p0 .LBB2_3-.Ltmp2, $4  }
0xad: {  	v20 =	vmul.f32 v36, v35;
	(erf) = vpow2.f32 v28;
	v29 =	vld [tilespmem:s11+$0xFFFFFF70];
	[tilespmem:s7+$0xFFFFFFB0] =	vst v27  }
0xae: {  	(erf) = vpow2.f32 v24;
	v28 =	vld [tilespmem:s11+$0xFFFFFFC0];
	v24 =	vperm.xlane v11, v2  }
0xaf: {  	v32 =	vperm.xlane v14, v2;
	v31 =	vmul.f32 v38, v13;
	v13 =	vmov v33;
	[tilespmem:s7+$0x0] =	vst v20;
	v25 =	vld [tilespmem:s0+$0x30];
	s0 =	smov.u32 s18;
	s18 =	smov.u32 s11;
	s11 =	smov.u32 s24  }
0xb0: {  	v26 =	vmul.f32 v26, v15;
	v15 =	vmov v37;
	s24 =	sadd.s32 $0x140, s24;
	v20 =	vmul.f32 v39, v21;
	v19 =	vpop (erf);
	v27 =	vld [tilespmem:s18+$0x10]  }
0xb1: {  	v21 =	vnsel vm0, $0x0, v19;
	s3 =	sadd.s32 $0x140, s7  }
0xb2: {  	[tilespmem:s3+$0x90] =	vst v21  }
0xb3: {  	v21 =	vld [tilespmem:s11+$0x50];
	_ =	sdelay $0x2  }
0xb4: {  	v33 =	vperm.xlane v19, v0;
	_ =	sdelay $0x1  }
0xb5: {  	v21 =	vmul.f32 v21, v33  }
0xb6: {  	[tilespmem:s16+$0xFFFFFF80] =	vst v31  }
0xb7: {  	v30 =	vmul.f32 v30, v32;
	[tilespmem:s16+$0xFFFFFFD0] =	vst v26;
	v31 =	vpop (erf)  }
0xb8: {  	v18 =	vmul.f32 v29, v18;
	v29 =	vpop (erf);
	[tilespmem:s3+$0x50] =	vst v21  }
0xb9: {  	[tilespmem:s6+$0x70] =	vst v30;
	v30 =	vld [tilespmem:s11+$0x60];
	v21 =	vpop (erf)  }
0xba: {  	[tilespmem:s6+$0xFFFFFF70] =	vst v18;
	v18 =	vld [tilespmem:s18+$0x80];
	v53 =	vnsel vm0, $0x0, v21  }
0xbb: {  	v54 =	vnsel vm0, $0x0, v31;
	[tilespmem:s3+$0xFFFFFFA0] =	vst v53  }
0xbc: {  	v55 =	vperm.xlane v19, v1;
	v17 =	vmul.f32 v28, v17;
	[tilespmem:s3+$0xFFFFFFF0] =	vst v54;
	v28 =	vnsel vm0, $0x0, v29;
	v32 =	vld [tilespmem:s11+$0xFFFFFF60]  }
0xbd: {  	v14 =	vperm.xlane v14, v3;
	v4 =	vmul.f32 v22, v4;
	[tilespmem:s3+$0x40] =	vst v28;
	v28 =	vld [tilespmem:s11+$0xFFFFFFB0]  }
0xbe: {  	[tilespmem:s6+$0xFFFFFFC0] =	vst v17;
	v17 =	vmul.f32 v30, v55;
	v30 =	vld [tilespmem:s11+$0x0]  }
0xbf: {  	[tilespmem:s15+$0xFFFFFF90] =	vst v4;
	v14 =	vmul.f32 v18, v14;
	v26 =	vperm.xlane v21, v0  }
0xc0: {  	v16 =	vmul.f32 v27, v16;
	v18 =	vperm.xlane v31, v0;
	[tilespmem:s3+$0x60] =	vst v17  }
0xc1: {  	[tilespmem:s6+$0x80] =	vst v14;
	v17 =	vperm.xlane v29, v0;
	v14 =	vmul.f32 v32, v26;
	v26 =	vld [tilespmem:s11+$0x70]  }
0xc2: {  	[tilespmem:s6+$0x10] =	vst v16;
	v16 =	vmul.f32 v28, v18  }
0xc3: {  	v4 =	vld [tilespmem:s18+$0xFFFFFF80];
	[tilespmem:s3+$0xFFFFFF60] =	vst v14;
	v14 =	vmul.f32 v30, v17  }
0xc4: {  	[tilespmem:s3+$0xFFFFFFB0] =	vst v16;
	v16 =	vperm.xlane v19, v2;
	v17 =	vld [tilespmem:s11+$0xFFFFFF70]  }
0xc5: {  	v6 =	vmul.f32 v25, v6;
	v18 =	vld [tilespmem:s11+$0xFFFFFFC0];
	[tilespmem:s3+$0x0] =	vst v14  }
0xc6: {  	[tilespmem:s16+$0x20] =	vst v20;
	v14 =	vld [tilespmem:s11+$0x10];
	v16 =	vmul.f32 v26, v16  }
0xc7: {  	v5 =	vmul.f32 v23, v5;
	v23 =	vld [tilespmem:s18+$0xFFFFFFD0];
	[tilespmem:s15+$0x30] =	vst v6;
	v20 =	vperm.xlane v21, v1  }
0xc8: {  	v22 =	vperm.xlane v31, v1;
	v6 =	vld [tilespmem:s18+$0x20];
	[tilespmem:s3+$0x70] =	vst v16  }
0xc9: {  	[tilespmem:s15+$0xFFFFFFE0] =	vst v5;
	v16 =	vperm.xlane v29, v1;
	v5 =	vmul.f32 v17, v20;
	v17 =	vld [tilespmem:s11+$0x80]  }
0xca: {  	v18 =	vmul.f32 v18, v22  }
0xcb: {  	v20 =	vld [tilespmem:s0+$0xFFFFFF90];
	[tilespmem:s3+$0xFFFFFF70] =	vst v5;
	v5 =	vmul.f32 v14, v16  }
0xcc: {  	v4 =	vmul.f32 v4, v13;
	v13 =	vperm.xlane v19, v3;
	[tilespmem:s3+$0xFFFFFFC0] =	vst v18;
	v14 =	vld [tilespmem:s11+$0xFFFFFF80]  }
0xcd: {  	v15 =	vmul.f32 v23, v15;
	[tilespmem:s3+$0x10] =	vst v5;
	v5 =	vld [tilespmem:s11+$0xFFFFFFD0]  }
0xce: {  	[tilespmem:s6+$0xFFFFFF80] =	vst v4;
	v6 =	vmul.f32 v6, v24;
	v4 =	vmul.f32 v17, v13;
	v13 =	vld [tilespmem:s11+$0x20]  }
0xcf: {  	[tilespmem:s6+$0xFFFFFFD0] =	vst v15;
	v16 =	vperm.xlane v21, v2;
	v17 =	vld [tilespmem:s0+$0xFFFFFFE0]  }
0xd0: {  	v15 =	vperm.xlane v31, v2;
	[tilespmem:s6+$0x20] =	vst v6;
	v18 =	vld [tilespmem:s0+$0x30];
	v8 =	vmul.f32 v20, v8  }
0xd1: {  	v6 =	vld [tilespmem:s18+$0xFFFFFF90];
	[tilespmem:s3+$0x80] =	vst v4;
	v4 =	vperm.xlane v29, v2;
	v14 =	vmul.f32 v14, v16  }
0xd2: {  	[tilespmem:s16+$0xFFFFFF90] =	vst v8;
	v8 =	vld [tilespmem:s18+$0xFFFFFFE0];
	v5 =	vmul.f32 v5, v15  }
0xd3: {  	v15 =	vld [tilespmem:s18+$0x30];
	v4 =	vmul.f32 v13, v4;
	[tilespmem:s3+$0xFFFFFF80] =	vst v14  }
0xd4: {  	v12 =	vperm.xlane v12, v3;
	v10 =	vmul.f32 v17, v10;
	[tilespmem:s3+$0xFFFFFFD0] =	vst v5;
	v5 =	vld [tilespmem:s11+$0xFFFFFF90]  }
0xd5: {  	v9 =	vperm.xlane v9, v3;
	v7 =	vmul.f32 v18, v7;
	[tilespmem:s3+$0x20] =	vst v4;
	v4 =	vld [tilespmem:s11+$0xFFFFFFE0]  }
0xd6: {  	v11 =	vperm.xlane v11, v3;
	v6 =	vmul.f32 v6, v12;
	[tilespmem:s16+$0xFFFFFFE0] =	vst v10;
	v10 =	vld [tilespmem:s11+$0x30]  }
0xd7: {  	v12 =	vperm.xlane v21, v3;
	[tilespmem:s16+$0x30] =	vst v7;
	v7 =	vmul.f32 v8, v9  }
0xd8: {  	[tilespmem:s6+$0xFFFFFF90] =	vst v6;
	v8 =	vperm.xlane v31, v3;
	v9 =	vmul.f32 v15, v11  }
0xd9: {  	v6 =	vperm.xlane v29, v3;
	[tilespmem:s6+$0xFFFFFFE0] =	vst v7;
	v5 =	vmul.f32 v5, v12  }
0xda: {  	[tilespmem:s6+$0x30] =	vst v9;
	v4 =	vmul.f32 v4, v8  }
0xdb: {  	v6 =	vmul.f32 v10, v6;
	[tilespmem:s3+$0xFFFFFF90] =	vst v5  }
0xdc: {  	p0 =	seq.s32 s31, $0x27;
	s0 =	sand.u32 $0x3FFFFF00, s1;
	[tilespmem:s3+$0xFFFFFFE0] =	vst v4  }
0xdd: {  	s7 =	simm.s32 @!p0 $0x5000;
	s15 =	sadd.s32 $0x2800, s0;
	[tilespmem:s3+$0x30] =	vst v6  }
0xde: {  	[spmem:s2] =	stream.indirect.scatter.add.f32 [tilespmem:s22], [sflag:$0x5], $0x50, s15, s14, $0xb8;
	[tilespmem:$0x1C800] =	vst v63  }
0xdf: {  	p1 =	seq.s32 @!p0 s31, $0x0;
	s6 =	simm.s32 @!p0 $0x80;
	s3 =	sadd.s32 @!p0 $0x100, s1  }
0xe0: {  	[tilespmem:s7], [sflag:$0x1] =	stream.indirect.gather @!p0 [hbm4b:s4+s6], $0x50, s3, s6, $0xb8;
	[tilespmem:$0x1C800] =	vst v63  }
0xe1: {  	p1 =	por p0, !p1;
	s3 =	sadd.s32 @!p0 $0x2900, s1;
	s7 =	simm.s32 @!p0 $0xA000  }
0xe2: {  	[tilespmem:s7], [sflag:$0x3] =	stream.indirect.gather @!p0 [hbm4b:s5+s6], $0x10, s3, s6, $0xb8;
	[tilespmem:$0x1C800] =	vst v63  }
0xe3: {  	_ =	swait.ge @p1 [sflag:s29], $0x2800  }
0xe4: {  	[sflag:s29] =	ssyncset.done @p1 $0x0  }
0xe5: {  	[sflag:s29] =	ssyncadd.s32 @p1 $0xFFFFD800  }
0xe6: {  	_ =	swait.ge [sflag:s23], $0x2800  }
0xe7: {  	[sflag:s23] =	ssyncset.done $0x0  }
0xe8: {  	[sflag:s23] =	ssyncadd.s32 $0xFFFFD800  }
0xe9: {  	_ =	swait.ge [sflag:s25], $0x800  }
0xea: {  	[sflag:s25] =	ssyncset.done $0x0  }
0xeb: {  	s7 =	simm.s32 $0x78A0;
	[sflag:s25] =	ssyncadd.s32 $0xFFFFF800  }
0xec: {  	s16 =	simm.s32 $0xA820;
	v4 =	vld [tilespmem:s7+$0x90]  }
0xed: {  	v5 =	vld [tilespmem:s16+$0x10];
	_ =	sdelay $0x3  }
0xee: {  	v6 =	vld [tilespmem:s16+$0xFFFFFFE0]  }
0xef: {  	v7 =	vld [tilespmem:s16+$0xFFFFFFF0];
	v4 =	vadd.f32 v5, v4  }
0xf0: {  	v9 =	vld [tilespmem:s7+$0x40]  }
0xf1: {  	v5 =	vld [tilespmem:s7+$0xFFFFFFF0];
	v8 =	vmul.f32 $2.000000030e-01, v4  }
0xf2: {  	v10 =	vld [tilespmem:s16+$0x0];
	vm1 =	vge.f32 v4, $0.0e+00  }
0xf3: {  	v4 =	vsel vm1, v4, v8;
	v8 =	vld [tilespmem:s7+$0xFFFFFFA0]  }
0xf4: {  	v4 =	vmul.f32 $1.442695020e+00, v4;
	_ =	sdelay $0x1  }
0xf5: {  	(erf) = vpow2.f32 v4;
	v4 =	vadd.f32 v7, v5  }
0xf6: {  	v5 =	vadd.f32 v10, v9  }
0xf7: {  	v7 =	vmul.f32 $2.000000030e-01, v4;
	v6 =	vadd.f32 v6, v8  }
0xf8: {  	vm1 =	vge.f32 v4, $0.0e+00;
	v8 =	vmul.f32 $2.000000030e-01, v5  }
0xf9: {  	v4 =	vsel vm1, v4, v7;
	vm1 =	vge.f32 v5, $0.0e+00;
	v7 =	vmul.f32 $2.000000030e-01, v6  }
0xfa: {  	vm2 =	vge.f32 v6, $0.0e+00;
	v4 =	vmul.f32 $1.442695020e+00, v4;
	v5 =	vsel vm1, v5, v8  }
0xfb: {  	v6 =	vsel vm2, v6, v7;
	v5 =	vmul.f32 $1.442695020e+00, v5  }
0xfc: {  	s15 =	simm.s32 $0x79E0;
	v6 =	vmul.f32 $1.442695020e+00, v6;
	(erf) = vpow2.f32 v4  }
0xfd: {  	s18 =	simm.s32 $0xA860;
	v4 =	vld [tilespmem:s15+$0x90];
	(erf) = vpow2.f32 v5  }
0xfe: {  	v7 =	vpop (erf);
	(erf) = vpow2.f32 v6;
	v6 =	vld [tilespmem:s18+$0x10]  }
0xff: {  	s16 =	simm.s32 $0xD8A0;
	v11 =	vld [tilespmem:s18+$0xFFFFFFF0];
	v5 =	vnsel vm0, $0x0, v7  }
0x100: {  	v12 =	vld [tilespmem:s15+$0x40];
	[tilespmem:s16+$0x90] =	vst v5  }
0x101: {  	v5 =	vld [tilespmem:s7+$0x50]  }
0x102: {  	v9 =	vld [tilespmem:s15+$0xFFFFFFF0];
	v10 =	vperm.xlane v7, v0  }
0x103: {  	v13 =	vld [tilespmem:s18+$0x0];
	v4 =	vadd.f32 v6, v4  }
0x104: {  	v16 =	vld [tilespmem:s15+$0xFFFFFFA0]  }
0x105: {  	v8 =	vld [tilespmem:s18+$0xFFFFFFE0];
	v6 =	vpop (erf);
	v14 =	vmul.f32 $2.000000030e-01, v4  }
0x106: {  	vm1 =	vge.f32 v4, $0.0e+00;
	v5 =	vmul.f32 v5, v10;
	v10 =	vpop (erf);
	v17 =	vnsel vm0, $0x0, v6  }
0x107: {  	v9 =	vadd.f32 v11, v9;
	v15 =	vpop (erf);
	v4 =	vsel vm1, v4, v14;
	[tilespmem:s16+$0xFFFFFFF0] =	vst v17  }
0x108: {  	[tilespmem:s16+$0x50] =	vst v5;
	v5 =	vnsel vm0, $0x0, v15;
	v4 =	vmul.f32 $1.442695020e+00, v4;
	v11 =	vld [tilespmem:s7+$0xFFFFFFB0]  }
0x109: {  	v12 =	vadd.f32 v13, v12;
	v19 =	vmul.f32 $2.000000030e-01, v9;
	v14 =	vld [tilespmem:s7+$0x60];
	[tilespmem:s16+$0xFFFFFFA0] =	vst v5  }
0x10a: {  	v8 =	vadd.f32 v8, v16;
	v17 =	vnsel vm0, $0x0, v10;
	v18 =	vld [tilespmem:s7+$0xFFFFFF60];
	(erf) = vpow2.f32 v4  }
0x10b: {  	v16 =	vmul.f32 $2.000000030e-01, v12;
	[tilespmem:s16+$0x40] =	vst v17;
	v5 =	vperm.xlane v6, v0  }
0x10c: {  	vm2 =	vge.f32 v8, $0.0e+00;
	v21 =	vperm.xlane v6, v2;
	v13 =	vld [tilespmem:s7+$0x0];
	v4 =	vperm.xlane v7, v1  }
0x10d: {  	vm1 =	vge.f32 v9, $0.0e+00;
	v17 =	vperm.xlane v15, v0;
	v5 =	vmul.f32 v11, v5  }
0x10e: {  	s24 =	simm.s32 $0xA8A0;
	v9 =	vsel vm1, v9, v19;
	v19 =	vmul.f32 $2.000000030e-01, v8;
	v4 =	vmul.f32 v14, v4  }
0x10f: {  	v24 =	vld [tilespmem:s24+$0xFFFFFFF0];
	vm1 =	vge.f32 v12, $0.0e+00;
	v14 =	vperm.xlane v10, v0;
	v17 =	vmul.f32 v18, v17;
	[tilespmem:s16+$0xFFFFFFB0] =	vst v5  }
0x110: {  	v23 =	vperm.xlane v10, v2;
	v11 =	vsel vm1, v12, v16;
	[tilespmem:s16+$0x60] =	vst v4;
	v4 =	vmul.f32 $1.442695020e+00, v9;
	v16 =	vld [tilespmem:s7+$0xFFFFFFC0]  }
0x111: {  	v8 =	vsel vm2, v8, v19;
	v11 =	vmul.f32 $1.442695020e+00, v11;
	v12 =	vmul.f32 v13, v14;
	v9 =	vld [tilespmem:s7+$0x70];
	[tilespmem:s16+$0xFFFFFF60] =	vst v17  }
0x112: {  	v8 =	vmul.f32 $1.442695020e+00, v8;
	v14 =	vld [tilespmem:s7+$0xFFFFFF70];
	(erf) = vpow2.f32 v4  }
0x113: {  	s11 =	simm.s32 $0x7B20;
	v20 =	vperm.xlane v15, v2;
	[tilespmem:s16+$0x0] =	vst v12;
	v12 =	vld [tilespmem:s24+$0x10];
	(erf) = vpow2.f32 v11;
	v13 =	vpop (erf)  }
0x114: {  	s18 =	simm.s32 $0xD9E0;
	v4 =	vperm.xlane v7, v2;
	(erf) = vpow2.f32 v8;
	v8 =	vld [tilespmem:s11+$0x90];
	v5 =	vnsel vm0, $0x0, v13  }
0x115: {  	v18 =	vperm.xlane v10, v1;
	v17 =	vperm.xlane v6, v1;
	v11 =	vld [tilespmem:s7+$0x10];
	[tilespmem:s18+$0x90] =	vst v5  }
0x116: {  	v4 =	vmul.f32 v9, v4;
	v9 =	vperm.xlane v15, v1;
	v19 =	vld [tilespmem:s15+$0x50]  }
0x117: {  	v29 =	vld [tilespmem:s11+$0xFFFFFFA0];
	v7 =	vperm.xlane v7, v3;
	v5 =	vperm.xlane v6, v3  }
0x118: {  	v16 =	vmul.f32 v16, v17;
	v9 =	vmul.f32 v14, v9;
	v14 =	vld [tilespmem:s11+$0xFFFFFFF0]  }
0x119: {  	v17 =	vperm.xlane v13, v0;
	[tilespmem:s16+$0x70] =	vst v4;
	v4 =	vperm.xlane v15, v3;
	v15 =	vld [tilespmem:s24+$0xFFFFFFE0];
	v8 =	vadd.f32 v12, v8  }
0x11a: {  	v6 =	vperm.xlane v10, v3;
	v11 =	vmul.f32 v11, v18;
	v22 =	vld [tilespmem:s7+$0x80]  }
0x11b: {  	v18 =	vld [tilespmem:s11+$0x40];
	v10 =	vpop (erf);
	v17 =	vmul.f32 v19, v17;
	v30 =	vmul.f32 $2.000000030e-01, v8;
	vm1 =	vge.f32 v8, $0.0e+00  }
0x11c: {  	s9 =	simm.s32 $0xA8E0;
	[tilespmem:s16+$0xFFFFFFC0] =	vst v16;
	v19 =	vld [tilespmem:s24+$0x0];
	v12 =	vperm.xlane v10, v0;
	v25 =	vpop (erf);
	v26 =	vnsel vm0, $0x0, v10;
	v56 =	vperm.xlane v10, v2  }
0x11d: {  	v35 =	vld [tilespmem:s9+$0x0];
	[tilespmem:s16+$0xFFFFFF70] =	vst v9;
	v27 =	vperm.xlane v25, v0;
	v28 =	vpop (erf);
	v14 =	vadd.f32 v24, v14;
	v8 =	vsel vm1, v8, v30  }
0x11e: {  	v16 =	vld [tilespmem:s7+$0xFFFFFF80];
	[tilespmem:s18+$0x50] =	vst v17;
	v34 =	vperm.xlane v25, v2;
	v31 =	vnsel vm0, $0x0, v28;
	v17 =	vperm.xlane v28, v0  }
0x11f: {  	v30 =	vnsel vm0, $0x0, v25;
	v24 =	vld [tilespmem:s15+$0x60];
	v22 =	vmul.f32 v22, v7;
	v7 =	vmul.f32 $1.442695020e+00, v8;
	[tilespmem:s18+$0xFFFFFFA0] =	vst v31  }
0x120: {  	[tilespmem:s18+$0xFFFFFFF0] =	vst v26;
	v15 =	vadd.f32 v15, v29;
	v29 =	vperm.xlane v28, v1;
	v26 =	vmul.f32 $2.000000030e-01, v14;
	v8 =	vld [tilespmem:s15+$0xFFFFFF60]  }
0x121: {  	s6 =	simm.s32 $0x7C60;
	vm1 =	vge.f32 v14, $0.0e+00;
	v18 =	vadd.f32 v19, v18;
	v19 =	vld [tilespmem:s15+$0xFFFFFFB0];
	(erf) = vpow2.f32 v7  }
0x122: {  	v39 =	vld [tilespmem:s6+$0xFFFFFFA0];
	[tilespmem:s18+$0x40] =	vst v30;
	v9 =	vmul.f32 $2.000000030e-01, v15;
	v7 =	vperm.xlane v13, v1;
	v14 =	vsel vm1, v14, v26  }
0x123: {  	v30 =	vld [tilespmem:s15+$0x0];
	v20 =	vmul.f32 v16, v20;
	v14 =	vmul.f32 $1.442695020e+00, v14  }
0x124: {  	vm2 =	vge.f32 v15, $0.0e+00;
	v16 =	vld [tilespmem:s9+$0x10];
	v26 =	vmul.f32 $2.000000030e-01, v18;
	v7 =	vmul.f32 v24, v7  }
0x125: {  	[tilespmem:s16+$0x10] =	vst v11;
	v9 =	vsel vm2, v15, v9;
	vm1 =	vge.f32 v18, $0.0e+00;
	v24 =	vld [tilespmem:s7+$0xFFFFFFD0];
	(erf) = vpow2.f32 v14  }
0x126: {  	v18 =	vsel vm1, v18, v26;
	v8 =	vmul.f32 v8, v17;
	[tilespmem:s18+$0x60] =	vst v7;
	v7 =	vmul.f32 v19, v12;
	v12 =	vld [tilespmem:s7+$0x20]  }
0x127: {  	v9 =	vmul.f32 $1.442695020e+00, v9;
	v15 =	vmul.f32 $1.442695020e+00, v18;
	v11 =	vld [tilespmem:s15+$0x70]  }
0x128: {  	v17 =	vperm.xlane v10, v1;
	[tilespmem:s18+$0xFFFFFF60] =	vst v8;
	v8 =	vmul.f32 v30, v27;
	v27 =	vld [tilespmem:s6+$0x90]  }
0x129: {  	v18 =	vperm.xlane v25, v1;
	(erf) = vpow2.f32 v15;
	[tilespmem:s18+$0xFFFFFFB0] =	vst v7;
	v15 =	vld [tilespmem:s15+$0xFFFFFF70]  }
0x12a: {  	(erf) = vpow2.f32 v9;
	v7 =	vld [tilespmem:s15+$0xFFFFFFC0];
	[tilespmem:s18+$0x0] =	vst v8;
	v8 =	vperm.xlane v13, v2;
	v14 =	vpop (erf)  }
0x12b: {  	s8 =	simm.s32 $0xDB20;
	[tilespmem:s16+$0x80] =	vst v22;
	v19 =	vperm.xlane v28, v2;
	v10 =	vperm.xlane v10, v3;
	v26 =	vld [tilespmem:s15+$0x10];
	v9 =	vnsel vm0, $0x0, v14  }
0x12c: {  	v22 =	vld [tilespmem:s9+$0xFFFFFFE0];
	v21 =	vmul.f32 v24, v21;
	v8 =	vmul.f32 v11, v8;
	[tilespmem:s8+$0x90] =	vst v9  }
0x12d: {  	v13 =	vperm.xlane v13, v3;
	v24 =	vmul.f32 v12, v23;
	v23 =	vld [tilespmem:s11+$0x50]  }
0x12e: {  	v30 =	vld [tilespmem:s6+$0xFFFFFFF0];
	[tilespmem:s18+$0x70] =	vst v8;
	v8 =	vperm.xlane v28, v3;
	v15 =	vmul.f32 v15, v29  }
0x12f: {  	v16 =	vadd.f32 v16, v27;
	v29 =	vmul.f32 v7, v17;
	v7 =	vperm.xlane v25, v3;
	v9 =	vpop (erf);
	v28 =	vld [tilespmem:s15+$0x80]  }
0x130: {  	[tilespmem:s16+$0xFFFFFF80] =	vst v20;
	v17 =	vnsel vm0, $0x0, v9;
	v25 =	vmul.f32 v26, v18;
	v26 =	vld [tilespmem:s9+$0xFFFFFFF0];
	v18 =	vperm.xlane v14, v0  }
0x131: {  	v31 =	vld [tilespmem:s6+$0x40];
	v32 =	vperm.xlane v14, v2;
	v27 =	vperm.xlane v9, v0;
	[tilespmem:s8+$0xFFFFFFF0] =	vst v17  }
0x132: {  	v37 =	vmul.f32 $2.000000030e-01, v16;
	vm1 =	vge.f32 v16, $0.0e+00;
	[tilespmem:s18+$0xFFFFFF70] =	vst v15;
	v11 =	vpop (erf);
	v23 =	vmul.f32 v23, v18  }
0x133: {  	v17 =	vperm.xlane v9, v1;
	[tilespmem:s18+$0xFFFFFFC0] =	vst v29;
	v29 =	vadd.f32 v22, v39;
	v22 =	vperm.xlane v14, v1;
	v12 =	vpop (erf)  }
0x134: {  	v15 =	vperm.xlane v9, v2;
	v59 =	vld [tilespmem:s11+$0xFFFFFFB0];
	v38 =	vperm.xlane v11, v0;
	v36 =	vnsel vm0, $0x0, v12;
	[tilespmem:s8+$0x50] =	vst v23  }
0x135: {  	[tilespmem:s8+$0xFFFFFFA0] =	vst v36;
	v40 =	vmul.f32 v28, v13;
	v13 =	vsel vm1, v16, v37;
	v26 =	vadd.f32 v26, v30;
	v28 =	vld [tilespmem:s11+$0x60]  }
0x136: {  	v31 =	vadd.f32 v35, v31;
	[tilespmem:s16+$0x20] =	vst v24;
	v20 =	vmul.f32 $2.000000030e-01, v29;
	v23 =	vld [tilespmem:s11+$0xFFFFFF60];
	v30 =	vmul.f32 $1.442695020e+00, v13  }
0x137: {  	v62 =	vld [tilespmem:s15+$0xFFFFFF80];
	v57 =	vnsel vm0, $0x0, v11;
	[tilespmem:s18+$0x10] =	vst v25;
	v24 =	vperm.xlane v11, v2;
	v60 =	vmul.f32 $2.000000030e-01, v26  }
0x138: {  	[tilespmem:s8+$0x40] =	vst v57;
	v63 =	vld [tilespmem:s15+$0x20];
	vm1 =	vge.f32 v26, $0.0e+00;
	(erf) = vpow2.f32 v30;
	v30 =	vmul.f32 $2.000000030e-01, v31  }
0x139: {  	v58 =	vperm.xlane v12, v0;
	v61 =	vld [tilespmem:s11+$0x0];
	v25 =	vsel vm1, v26, v60;
	vm1 =	vge.f32 v31, $0.0e+00  }
0x13a: {  	v18 =	vperm.xlane v12, v1;
	v26 =	vld [tilespmem:s15+$0xFFFFFFD0];
	v30 =	vsel vm1, v31, v30;
	v28 =	vmul.f32 v28, v22  }
0x13b: {  	[tilespmem:s16+$0xFFFFFFD0] =	vst v21;
	vm1 =	vge.f32 v29, $0.0e+00;
	v21 =	vmul.f32 $1.442695020e+00, v25;
	v25 =	vmul.f32 v23, v58;
	v22 =	vld [tilespmem:s7+$0xFFFFFF90]  }
0x13c: {  	v27 =	vmul.f32 v59, v27;
	v23 =	vld [tilespmem:s7+$0xFFFFFFE0];
	v20 =	vsel vm1, v29, v20;
	v29 =	vmul.f32 $1.442695020e+00, v30;
	[tilespmem:s8+$0x60] =	vst v28  }
0x13d: {  	v20 =	vmul.f32 $1.442695020e+00, v20;
	(erf) = vpow2.f32 v21;
	[tilespmem:s8+$0xFFFFFF60] =	vst v25;
	v30 =	vld [tilespmem:s11+$0x70]  }
0x13e: {  	[tilespmem:s8+$0xFFFFFFB0] =	vst v27;
	v21 =	vmul.f32 v61, v38;
	(erf) = vpow2.f32 v29;
	v29 =	vld [tilespmem:s11+$0xFFFFFF70]  }
0x13f: {  	v16 =	vperm.xlane v11, v1;
	v28 =	vld [tilespmem:s11+$0xFFFFFFC0];
	(erf) = vpow2.f32 v20  }
0x140: {  	v13 =	vperm.xlane v12, v2;
	v31 =	vmul.f32 v62, v19;
	v25 =	vld [tilespmem:s7+$0x30];
	[tilespmem:s8+$0x0] =	vst v21  }
0x141: {  	s3 =	simm.s32 $0x7DA0;
	s24 =	simm.s32 $0xC;
	[tilespmem:s18+$0x80] =	vst v40;
	s7 =	simm.s32 $0xDB20;
	v26 =	vmul.f32 v26, v56;
	v20 =	vmul.f32 v63, v34;
	v27 =	vld [tilespmem:s11+$0x10];
	v19 =	vpop (erf)  }
.LBB2_5:
0x142: {  	v33 =	vld [tilespmem:s3+$0x90];
	v34 =	vnsel vm0, $0x0, v19;
	s9 =	sadd.s32 $0x40, s9;
	v12 =	vperm.xlane v12, v3;
	v30 =	vmul.f32 v30, v32;
	s8 =	sadd.s32 $0x140, s8;
	[tilespmem:s18+$0xFFFFFF80] =	vst v31;
	v21 =	vmovc v24  }
0x143: {  	v24 =	vld [tilespmem:s9+$0x10];
	[tilespmem:s8+$0x90] =	vst v34;
	v18 =	vmul.f32 v29, v18;
	v29 =	vperm.xlane v9, v3  }
0x144: {  	v31 =	vld [tilespmem:s6+$0x50];
	v17 =	vmul.f32 v28, v17;
	v28 =	vperm.xlane v11, v3;
	[tilespmem:s7+$0x70] =	vst v30  }
0x145: {  	s24 =	sadd.s32 $0x4, s24;
	v22 =	vmul.f32 v22, v4;
	v23 =	vmul.f32 v23, v5;
	v4 =	vmovc v8;
	v8 =	vmov v12;
	[tilespmem:s7+$0xFFFFFF70] =	vst v18;
	v18 =	vld [tilespmem:s11+$0x80]  }
0x146: {  	v5 =	vmov v10;
	p1 =	slt.u32 s24, $0x7C;
	v25 =	vmul.f32 v25, v6;
	v30 =	vld [tilespmem:s9+$0xFFFFFFE0];
	v9 =	vpop (erf);
	[tilespmem:s7+$0xFFFFFFC0] =	vst v17;
	v27 =	vmul.f32 v27, v16  }
0x147: {  	v37 =	vperm.xlane v19, v0;
	v32 =	vld [tilespmem:s3+$0xFFFFFFF0];
	v6 =	vnsel vm0, $0x0, v9;
	v34 =	vperm.xlane v9, v0;
	v11 =	vpop (erf);
	[tilespmem:s18+$0xFFFFFFD0] =	vst v26  }
0x148: {  	v39 =	vperm.xlane v14, v3;
	v26 =	vld [tilespmem:s9+$0xFFFFFFF0];
	[tilespmem:s8+$0xFFFFFFF0] =	vst v6;
	v38 =	vnsel vm0, $0x0, v11;
	v35 =	vperm.xlane v11, v0;
	v12 =	vpop (erf)  }
0x149: {  	v10 =	vmovc v29;
	v24 =	vadd.f32 v24, v33;
	v36 =	vld [tilespmem:s3+$0x40];
	v16 =	vnsel vm0, $0x0, v12;
	[tilespmem:s8+$0x40] =	vst v38;
	v17 =	vmul.f32 v31, v37  }
0x14a: {  	v31 =	vperm.xlane v12, v0;
	v29 =	vld [tilespmem:s9+$0x0];
	[tilespmem:s8+$0xFFFFFFA0] =	vst v16;
	v33 =	vmul.f32 v18, v39;
	v6 =	vmovc v7;
	v7 =	vmov v28  }
0x14b: {  	v14 =	vmov v19;
	v37 =	vmul.f32 $2.000000030e-01, v24;
	v18 =	vperm.xlane v12, v1;
	v28 =	vld [tilespmem:s3+$0xFFFFFFA0];
	[tilespmem:s8+$0x50] =	vst v17  }
0x14c: {  	vm1 =	vge.f32 v24, $0.0e+00;
	v16 =	vperm.xlane v11, v1;
	v17 =	vperm.xlane v9, v1;
	v19 =	vld [tilespmem:s6+$0xFFFFFF60];
	[tilespmem:s7+$0x80] =	vst v33  }
0x14d: {  	v24 =	vsel vm1, v24, v37;
	v33 =	vperm.xlane v12, v2;
	v26 =	vadd.f32 v26, v32;
	v32 =	vld [tilespmem:s6+$0x60];
	[tilespmem:s7+$0x10] =	vst v27  }
0x14e: {  	v37 =	vperm.xlane v9, v2;
	v24 =	vmul.f32 $1.442695020e+00, v24;
	v27 =	vld [tilespmem:s6+$0xFFFFFFB0];
	[tilespmem:s18+$0x20] =	vst v20  }
0x14f: {  	vm1 =	vge.f32 v26, $0.0e+00;
	v20 =	vmul.f32 $2.000000030e-01, v26;
	v29 =	vadd.f32 v29, v36;
	v36 =	vld [tilespmem:s6+$0x0];
	[tilespmem:s16+$0xFFFFFF90] =	vst v22  }
0x150: {  	v22 =	vperm.xlane v14, v1;
	v28 =	vadd.f32 v30, v28;
	(erf) = vpow2.f32 v24;
	v38 =	vld [tilespmem:s11+$0xFFFFFF80];
	[tilespmem:s16+$0xFFFFFFE0] =	vst v23  }
0x151: {  	v20 =	vsel vm1, v26, v20;
	vm1 =	vge.f32 v29, $0.0e+00;
	v23 =	vmul.f32 $2.000000030e-01, v29;
	v26 =	vld [tilespmem:s11+$0xFFFFFFD0];
	[tilespmem:s16+$0x30] =	vst v25;
	s16 =	smov.u32 s18;
	s18 =	smov.u32 s7;
	s7 =	smov.u32 s8  }
0x152: {  	vm2 =	vge.f32 v28, $0.0e+00;
	v24 =	vmul.f32 $2.000000030e-01, v28;
	v25 =	vmul.f32 v32, v22;
	v39 =	vld [tilespmem:s11+$0x20]  }
0x153: {  	v19 =	vmul.f32 v19, v31;
	v20 =	vmul.f32 $1.442695020e+00, v20;
	v23 =	vsel vm1, v29, v23;
	v22 =	vld [tilespmem:s15+$0xFFFFFF90]  }
0x154: {  	v27 =	vmul.f32 v27, v34;
	v24 =	vsel vm2, v28, v24;
	v28 =	vmul.f32 $1.442695020e+00, v23;
	[tilespmem:s8+$0x60] =	vst v25;
	v23 =	vld [tilespmem:s15+$0xFFFFFFE0]  }
.Ltmp3:
0x155: {  	v24 =	vmul.f32 $1.442695020e+00, v24;
	(erf) = vpow2.f32 v20;
	[tilespmem:s8+$0xFFFFFF60] =	vst v19;
	v30 =	vld [tilespmem:s6+$0x70];
	(pc) =	sbr.rel @p1 .LBB2_5-.Ltmp3, $4  }
0x156: {  	v20 =	vmul.f32 v36, v35;
	(erf) = vpow2.f32 v28;
	v29 =	vld [tilespmem:s6+$0xFFFFFF70];
	[tilespmem:s8+$0xFFFFFFB0] =	vst v27  }
0x157: {  	(erf) = vpow2.f32 v24;
	v28 =	vld [tilespmem:s6+$0xFFFFFFC0];
	v24 =	vperm.xlane v11, v2  }
0x158: {  	v32 =	vperm.xlane v14, v2;
	v31 =	vmul.f32 v38, v13;
	v13 =	vmov v33;
	[tilespmem:s8+$0x0] =	vst v20;
	v25 =	vld [tilespmem:s15+$0x30];
	s15 =	smov.u32 s11;
	s11 =	smov.u32 s6;
	s6 =	smov.u32 s3  }
0x159: {  	v26 =	vmul.f32 v26, v15;
	v15 =	vmov v37;
	s3 =	sadd.s32 $0x140, s3;
	v20 =	vmul.f32 v39, v21;
	v19 =	vpop (erf);
	v27 =	vld [tilespmem:s11+$0x10]  }
0x15a: {  	v21 =	vnsel vm0, $0x0, v19;
	s3 =	sadd.s32 $0x140, s8  }
0x15b: {  	[tilespmem:s3+$0x90] =	vst v21  }
0x15c: {  	v21 =	vld [tilespmem:s6+$0x50];
	_ =	sdelay $0x2  }
0x15d: {  	v33 =	vperm.xlane v19, v0;
	_ =	sdelay $0x1  }
0x15e: {  	v21 =	vmul.f32 v21, v33;
	_ =	sdelay $0x1  }
0x15f: {  	[tilespmem:s18+$0xFFFFFF80] =	vst v31;
	v31 =	vpop (erf)  }
0x160: {  	v18 =	vmul.f32 v29, v18;
	[tilespmem:s18+$0xFFFFFFD0] =	vst v26;
	v29 =	vpop (erf)  }
0x161: {  	[tilespmem:s3+$0x50] =	vst v21;
	v21 =	vpop (erf)  }
0x162: {  	[tilespmem:s18+$0x20] =	vst v20;
	v53 =	vld [tilespmem:s6+$0x60];
	v55 =	vnsel vm0, $0x0, v21  }
0x163: {  	v56 =	vnsel vm0, $0x0, v31;
	[tilespmem:s3+$0xFFFFFFA0] =	vst v55  }
0x164: {  	v30 =	vmul.f32 v30, v32;
	[tilespmem:s3+$0xFFFFFFF0] =	vst v56;
	v57 =	vnsel vm0, $0x0, v29;
	v32 =	vld [tilespmem:s6+$0xFFFFFF60]  }
0x165: {  	v58 =	vperm.xlane v19, v1;
	v4 =	vmul.f32 v22, v4;
	[tilespmem:s3+$0x40] =	vst v57;
	v59 =	vld [tilespmem:s6+$0xFFFFFFB0]  }
0x166: {  	v5 =	vmul.f32 v23, v5;
	[tilespmem:s7+$0x70] =	vst v30;
	v61 =	vld [tilespmem:s6+$0x0]  }
0x167: {  	[tilespmem:s16+$0xFFFFFF90] =	vst v4;
	v54 =	vld [tilespmem:s11+$0x80];
	v62 =	vperm.xlane v21, v0;
	v60 =	vmul.f32 v53, v58  }
0x168: {  	[tilespmem:s16+$0xFFFFFFE0] =	vst v5;
	v63 =	vperm.xlane v31, v0  }
0x169: {  	v33 =	vperm.xlane v29, v0;
	[tilespmem:s3+$0x60] =	vst v60;
	v34 =	vmul.f32 v32, v62  }
0x16a: {  	v14 =	vperm.xlane v14, v3;
	[tilespmem:s7+$0xFFFFFF70] =	vst v18;
	v36 =	vmul.f32 v59, v63;
	v35 =	vld [tilespmem:s6+$0x70]  }
0x16b: {  	v37 =	vmul.f32 v61, v33;
	[tilespmem:s3+$0xFFFFFF60] =	vst v34  }
0x16c: {  	v14 =	vmul.f32 v54, v14;
	[tilespmem:s3+$0xFFFFFFB0] =	vst v36;
	v38 =	vld [tilespmem:s6+$0xFFFFFF70]  }
0x16d: {  	v39 =	vperm.xlane v19, v2;
	v16 =	vmul.f32 v27, v16;
	v40 =	vld [tilespmem:s6+$0xFFFFFFC0];
	[tilespmem:s3+$0x0] =	vst v37  }
0x16e: {  	v17 =	vmul.f32 v28, v17;
	[tilespmem:s7+$0x80] =	vst v14;
	v14 =	vld [tilespmem:s6+$0x10]  }
0x16f: {  	v47 =	vld [tilespmem:s15+$0xFFFFFF90];
	[tilespmem:s7+$0x10] =	vst v16;
	v41 =	vperm.xlane v21, v1;
	v16 =	vmul.f32 v35, v39  }
0x170: {  	v6 =	vmul.f32 v25, v6;
	[tilespmem:s7+$0xFFFFFFC0] =	vst v17;
	v4 =	vld [tilespmem:s11+$0xFFFFFF80];
	v42 =	vperm.xlane v31, v1  }
0x171: {  	v43 =	vld [tilespmem:s11+$0xFFFFFFD0];
	v44 =	vperm.xlane v29, v1;
	[tilespmem:s3+$0x70] =	vst v16;
	v5 =	vmul.f32 v38, v41  }
0x172: {  	[tilespmem:s16+$0x30] =	vst v6;
	v18 =	vmul.f32 v40, v42;
	v45 =	vld [tilespmem:s6+$0x80]  }
0x173: {  	v46 =	vld [tilespmem:s11+$0x20];
	[tilespmem:s3+$0xFFFFFF70] =	vst v5;
	v5 =	vmul.f32 v14, v44  }
0x174: {  	v8 =	vmul.f32 v47, v8;
	[tilespmem:s3+$0xFFFFFFC0] =	vst v18;
	v49 =	vld [tilespmem:s6+$0xFFFFFF80]  }
0x175: {  	v48 =	vperm.xlane v19, v3;
	v4 =	vmul.f32 v4, v13;
	[tilespmem:s3+$0x10] =	vst v5;
	v5 =	vld [tilespmem:s6+$0xFFFFFFD0]  }
0x176: {  	[tilespmem:s18+$0xFFFFFF90] =	vst v8;
	v15 =	vmul.f32 v43, v15;
	v50 =	vld [tilespmem:s6+$0x20]  }
0x177: {  	v52 =	vld [tilespmem:s15+$0xFFFFFFE0];
	[tilespmem:s7+$0xFFFFFF80] =	vst v4;
	v51 =	vperm.xlane v21, v2;
	v4 =	vmul.f32 v45, v48  }
0x178: {  	v54 =	vld [tilespmem:s15+$0x30];
	v6 =	vmul.f32 v46, v24;
	[tilespmem:s7+$0xFFFFFFD0] =	vst v15;
	v53 =	vperm.xlane v31, v2  }
0x179: {  	v55 =	vld [tilespmem:s11+$0xFFFFFF90];
	[tilespmem:s3+$0x80] =	vst v4;
	v4 =	vperm.xlane v29, v2;
	v14 =	vmul.f32 v49, v51  }
0x17a: {  	v56 =	vld [tilespmem:s11+$0xFFFFFFE0];
	[tilespmem:s7+$0x20] =	vst v6;
	v5 =	vmul.f32 v5, v53  }
0x17b: {  	v57 =	vld [tilespmem:s11+$0x30];
	v4 =	vmul.f32 v50, v4;
	[tilespmem:s3+$0xFFFFFF80] =	vst v14  }
0x17c: {  	v12 =	vperm.xlane v12, v3;
	v10 =	vmul.f32 v52, v10;
	[tilespmem:s3+$0xFFFFFFD0] =	vst v5;
	v5 =	vld [tilespmem:s6+$0xFFFFFF90]  }
0x17d: {  	v9 =	vperm.xlane v9, v3;
	v7 =	vmul.f32 v54, v7;
	[tilespmem:s3+$0x20] =	vst v4;
	v4 =	vld [tilespmem:s6+$0xFFFFFFE0]  }
0x17e: {  	v11 =	vperm.xlane v11, v3;
	[tilespmem:s18+$0xFFFFFFE0] =	vst v10;
	v6 =	vmul.f32 v55, v12;
	v58 =	vld [tilespmem:s6+$0x30]  }
0x17f: {  	v59 =	vperm.xlane v21, v3;
	[tilespmem:s18+$0x30] =	vst v7;
	v60 =	vmul.f32 v56, v9  }
0x180: {  	v61 =	vperm.xlane v31, v3;
	v62 =	vmul.f32 v57, v11;
	[tilespmem:s7+$0xFFFFFF90] =	vst v6  }
0x181: {  	v63 =	vperm.xlane v29, v3;
	[tilespmem:s7+$0xFFFFFFE0] =	vst v60;
	v5 =	vmul.f32 v5, v59  }
.Ltmp4:
0x182: {  	[tilespmem:s7+$0x30] =	vst v62;
	v4 =	vmul.f32 v4, v61;
	(pc) =	sbr.rel @p0 .LBB2_8-.Ltmp4, $4  }
0x183: {  	v6 =	vmul.f32 v58, v63;
	[tilespmem:s3+$0xFFFFFF90] =	vst v5  }
0x184: {  	[tilespmem:s3+$0xFFFFFFE0] =	vst v4  }
0x185: {  	s0 =	sadd.s32 $0x2880, s0;
	[tilespmem:s3+$0x30] =	vst v6  }
0x186: {  	[spmem:s2] =	stream.indirect.scatter.add.f32 [tilespmem:s26], [sflag:$0x6], $0x50, s0, s14, $0xb8;
	[tilespmem:$0x1C800] =	vst v63  }
.Ltmp5:
0x187: {  	(pc) =	sbr.rel .LBB2_2-.Ltmp5, $4  }
0x188: {  	s0 =	sadd.s32 $0x180, s1  }
0x189: {  	[tilespmem:s17], [sflag:$0x2] =	stream.indirect.gather [hbm4b:s4+s14], $0x50, s0, s14, $0xb8;
	[tilespmem:$0x1C800] =	vst v63  }
0x18a: {  	s24 =	sadd.s32 $0x2980, s1;
	s31 =	sadd.s32 $0x1, s31  }
0x18b: {  	[tilespmem:s19], [sflag:$0x4] =	stream.indirect.gather [hbm4b:s5+s14], $0x10, s24, s14, $0xb8;
	[tilespmem:$0x1C800] =	vst v63  }
.LBB2_9:
0x18c: {  	_ =	sfence.sel $0x180000  }
0x18d: {  	[bflag:$0x0] =	sbarrier.arrive $0xFFFF  }
0x18e: {  	_ =	strace $0x90000047  }
0x18f: {  	s0 =	stileid.u32;
	[bflag:$0x2] =	sbarrier.arrive $0xFFFF  }
0x190: {  	p0 =	sne.s32 s0, $0x0;
	s0 =	rddreg [dreg:$0x2]  }
0x191: {  	s0 =	sadd.s32 @!p0 $0x100000, s0  }
0x192: {  	[sflag:s0] =	ssyncadd.tile.s32 @!p0 $0x1;
	_ =	shalt  }
.Lfunc_end2:
_tile_overlayer_lowered:
.L_overlay_start_2:
0x193: {  	(tag) =	ssettag $0x2  }
0x194: {  	s0 =	rddreg [dreg:$0x0];
	s2 =	stileid.u32  }
0x195: {  	s1 =	rddreg [dreg:$0x1];
	p0 =	sne.s32 s2, $0x0  }
0x196: {  	s3 =	rddreg [dreg:$0x2];
	[bflag:$0x3] =	sbarrier.arrive $0xFFFF;
	s2 =	simm.s32 @!p0 $0x1C07  }
0x197: {  	[timem:s3], [sflag:s2] =	dma.local @!p0 [hbm:s0], s1  }
0x198: {  	s0 =	simm.s32 @!p0 $0x7  }
0x199: {  	_ =	swait.ge @!p0 [sflag:s0], s1  }
0x19a: {  	s1 =	ssub.s32 @!p0 $0x0, s1;
	[sflag:s0] =	ssyncset.done @!p0 $0x0  }
0x19b: {  	[sflag:s0] =	ssyncadd.s32 @!p0 s1  }
0x19c: {  	[bflag:$0x3] =	sbarrier.arrive $0xFFFF  }
0x19d: {  	_ =	shalt  }

</sc_bundles>
